<compile_context>
chip_gen: v7x
topology: tpu7x:2x2x1
jax: 0.10.2.dev20260603
libtpu: 0.0.44.dev20260713+nightly
codegen_flags: <defaults>
</compile_context>

<pallas_src>
import functools

import jax
import jax.numpy as jnp
from jax import lax
from jax.experimental import pallas as pl
from jax.experimental.pallas import tpu as pltpu
from jax.experimental.pallas import tpu_sc as plsc

N = 10000
E = 320000
D = 128

NC = 2
NS = 16
L = 16
NW = NC * NS
C = 96
T = 108
EPW = C * T
E_PAD = EPW * NW
N_PAD = 10240
ROWS_PER_SUB = N_PAD // NS
NB = 10


def _pq_body(h_ref, w_ref, d_ref, b_ref, p_ref, q_ref, hd_ref):
    r = lax.dot_general(
        w_ref[...], h_ref[...],
        dimension_numbers=(((1,), (1,)), ((), ())),
        preferred_element_type=jnp.float32,
    )
    p_ref[...] = r[0] + b_ref[0]
    q_ref[...] = r[1]
    hd_ref[...] = h_ref[...] * d_ref[...][:, None]


def _pq(h, w2, d, b_gate):
    return pl.pallas_call(
        _pq_body,
        out_shape=[jax.ShapeDtypeStruct((N,), jnp.float32),
                   jax.ShapeDtypeStruct((N,), jnp.float32),
                   jax.ShapeDtypeStruct((N, D), jnp.float32)],
        in_specs=[
            pl.BlockSpec(memory_space=pltpu.VMEM),
            pl.BlockSpec(memory_space=pltpu.VMEM),
            pl.BlockSpec(memory_space=pltpu.VMEM),
            pl.BlockSpec(memory_space=pltpu.SMEM),
        ],
        out_specs=[pl.BlockSpec(memory_space=pltpu.VMEM),
                   pl.BlockSpec(memory_space=pltpu.VMEM),
                   pl.BlockSpec(memory_space=pltpu.VMEM)],
    )(h, w2, d, b_gate)


_SC_MESH = plsc.VectorSubcoreMesh(core_axis_name="c", subcore_axis_name="s")


@functools.partial(
    pl.kernel,
    out_type=jax.ShapeDtypeStruct((NC, N_PAD, D), jnp.float32),
    mesh=_SC_MESH,
    scratch_types=[
        pltpu.VMEM((N,), jnp.float32),
        pltpu.VMEM((N,), jnp.float32),
        [pltpu.VMEM((2, C), jnp.int32)] * 3,
        [pltpu.VMEM((C, D), jnp.float32)] * 2,
        pltpu.VMEM((C,), jnp.float32),
        pltpu.VMEM_SHARED((N_PAD, D), jnp.float32),
        [pltpu.SemaphoreType.DMA] * 3,
        [pltpu.SemaphoreType.DMA] * 2,
        [pltpu.SemaphoreType.DMA] * 2,
    ],
    compiler_params=pltpu.CompilerParams(use_tc_tiling_on_sc=False,
                                         needs_layout_passes=False),
)
def _sc_edges(hd_hbm, idx_hbm, p_hbm, q_hbm, z0_hbm, zp_hbm,
              p_v, q_v, idx, rows, e_v, zacc, isem, gsem, ssem):
    cid = lax.axis_index("c")
    sid = lax.axis_index("s")
    wid = cid * NS + sid

    pltpu.sync_copy(p_hbm, p_v)
    pltpu.sync_copy(q_hbm, q_v)
    pltpu.sync_copy(z0_hbm.at[pl.ds(sid * ROWS_PER_SUB, ROWS_PER_SUB)],
                    zacc.at[pl.ds(sid * ROWS_PER_SUB, ROWS_PER_SUB)])
    plsc.subcore_barrier()

    cbase = wid * T

    pltpu.sync_copy(idx_hbm.at[cbase], idx[0])
    pltpu.async_copy(hd_hbm.at[idx[0].at[0]], rows[0], gsem[0])

    def group(gg, carry):
        for k in range(6):
            t = 6 * gg + k
            rb = k % 2
            ib = k % 3
            ibn = (k + 2) % 3

            @pl.when(t + 1 < T)
            def _():
                @pl.when(t >= 1)
                def _():
                    pltpu.make_async_copy(
                        rows[1 - rb], zacc.at[idx[(k + 2) % 3].at[1]],
                        ssem[1 - rb]).wait()
                pltpu.sync_copy(idx_hbm.at[cbase + t + 1], idx[(k + 1) % 3])
                pltpu.async_copy(hd_hbm.at[idx[(k + 1) % 3].at[0]],
                                 rows[1 - rb], gsem[1 - rb])

            ebase = (cbase + t) * C

            @plsc.parallel_loop(0, C // L, 1, unroll=2)
            def _(i):
                s16 = idx[ib][0, pl.ds(i * L, L)]
                d16 = idx[ib][1, pl.ds(i * L, L)]
                x = plsc.load_gather(p_v, [d16]) + plsc.load_gather(q_v, [s16])
                u = jnp.exp(jnp.abs(x) * -2.0)
                th = (1.0 - u) / (1.0 + u)
                th = jnp.where(x < 0.0, -th, th)
                gid = ebase + i * L + lax.iota(jnp.int32, L)
                e_v[pl.ds(i * L, L)] = jnp.where(gid < E, th, 0.0)

            pltpu.make_async_copy(hd_hbm.at[idx[ib].at[0]], rows[rb],
                                  gsem[rb]).wait()

            @plsc.parallel_loop(0, C, 1, unroll=2)
            def _(i):
                bc = plsc.load_gather(e_v, [jnp.full((L,), i, jnp.int32)])
                for j in range(D // L):
                    rows[rb][i, pl.ds(j * L, L)] = (
                        rows[rb][i, pl.ds(j * L, L)] * bc)

            pltpu.async_copy(rows[rb], zacc.at[idx[ib].at[1]], ssem[rb],
                             add=True)
        return carry

    lax.fori_loop(0, T // 6, group, 0)
    pltpu.make_async_copy(rows[0], zacc.at[idx[1].at[1]], ssem[0]).wait()
    pltpu.make_async_copy(rows[1], zacc.at[idx[2].at[1]], ssem[1]).wait()
    plsc.subcore_barrier()
    pltpu.sync_copy(zacc.at[pl.ds(sid * ROWS_PER_SUB, ROWS_PER_SUB)],
                    zp_hbm.at[cid, pl.ds(sid * ROWS_PER_SUB, ROWS_PER_SUB)])


def _add_body(zp_ref, d_ref, out_ref):
    out_ref[...] = (zp_ref[0] + zp_ref[1]) * d_ref[0, 0][:, None]


def _combine(zp, d2):
    zsum = pl.pallas_call(
        _add_body,
        grid=(NB,),
        out_shape=jax.ShapeDtypeStruct((N_PAD, D), jnp.float32),
        in_specs=[pl.BlockSpec((2, N_PAD // NB, D), lambda i: (0, i, 0)),
                  pl.BlockSpec((1, 1, N_PAD // NB), lambda i: (i, 0, 0))],
        out_specs=pl.BlockSpec((N_PAD // NB, D), lambda i: (i, 0)),
    )(zp, d2)
    return zsum[:N]


@jax.jit
def kernel(h, edge_index, d, W_gate, b_gate):
    src = edge_index[0]
    dst = edge_index[1]
    pad = E_PAD - E
    src_p = jnp.concatenate([src, jnp.zeros((pad,), jnp.int32)])
    dst_p = jnp.concatenate([dst, jnp.zeros((pad,), jnp.int32)])
    idx_c = jnp.stack([src_p.reshape(E_PAD // C, C),
                       dst_p.reshape(E_PAD // C, C)], axis=1)
    w2 = W_gate.reshape(2, D)
    p, q, hd = _pq(h, w2, d, b_gate)
    z0 = jnp.zeros((N_PAD, D), jnp.float32)
    zp = _sc_edges(hd, idx_c, p, q, z0)
    d2 = jnp.concatenate([d, jnp.zeros((N_PAD - N,), jnp.float32)]
                         ).reshape(NB, 1, N_PAD // NB)
    return _combine(zp, d2)

# --- scband reference (transcript-rebuilt; emitter-appended) ---
"""Pipeline reference for scband-falayer-49134425866991 (READ-ONLY COPY).

The authoritative reference and input builder live on the scoring server;
editing this copy changes nothing except your own understanding.
"""

import jax, jax.numpy as jnp
import numpy as np

N = 10000
E = 320000
D = 128


def setup_inputs(seed: int = 0) -> dict:
    key = jax.random.key(seed)
    k1, k2, k3, k4, k5 = jax.random.split(key, 5)
    h = jax.random.normal(k1, (N, D), dtype=jnp.float32)
    edge_index = jax.random.randint(k2, (2, E), 0, N, dtype=jnp.int32)
    d = jax.random.uniform(k3, (N,), dtype=jnp.float32)
    # gate: nn.Linear(2*in_dim, 1) with xavier_normal_(gain=1.414)
    fan_in, fan_out = 2 * D, 1
    std = 1.414 * np.sqrt(2.0 / (fan_in + fan_out))
    W_gate = jax.random.normal(k4, (1, 2 * D), dtype=jnp.float32) * std
    b_gate = jnp.zeros((1,), dtype=jnp.float32)
    return {"h": h, "edge_index": edge_index, "d": d, "W_gate": W_gate, "b_gate": b_gate}


def reference(h, edge_index, d, W_gate, b_gate):
    # DGL convention: edges.src -> edge_index[0], edges.dst -> edge_index[1]
    src = edge_index[0]
    dst = edge_index[1]
    # edge_applying: h2 = cat([dst_h, src_h], dim=1)
    h2 = jnp.concatenate([jnp.take(h, dst, axis=0), jnp.take(h, src, axis=0)], axis=1)
    tem_g = jnp.tanh(h2 @ W_gate.T + b_gate).squeeze(-1)  # [E]
    e = tem_g * jnp.take(d, dst) * jnp.take(d, src)  # [E]
    # dropout with p=0.0 is identity
    # update_all(u_mul_e('h','e','_'), sum('_','z'))
    msg = jnp.take(h, src, axis=0) * e[:, None]  # [E, D]
    z = jax.ops.segment_sum(msg, dst, num_segments=h.shape[0])  # [N, D]
    return z

if __name__ == "__main__":
    import jax
    _d = setup_inputs()
    print(jax.jit(kernel)(*tuple(_d.values())))

</pallas_src>

<mosaic_0001>
#map = affine_map<(d0, d1) -> (0, 0)>
#map1 = affine_map<(d0, d1) -> (0, 0, 0)>
#map2 = affine_map<(d0, d1) -> (0)>
module attributes {stable_mosaic.version = 14 : i64} {
  func.func @_sc_edges(%arg0: i32, %arg1: i32, %arg2: memref<10000x128xf32, #tpu.memory_space<hbm>>, %arg3: memref<3456x2x96xi32, #tpu.memory_space<hbm>>, %arg4: memref<10000xf32, #tpu.memory_space<hbm>>, %arg5: memref<10000xf32, #tpu.memory_space<hbm>>, %arg6: memref<10240x128xf32, #tpu.memory_space<hbm>>, %arg7: memref<2x10240x128xf32, #tpu.memory_space<hbm>>, %arg8: memref<10000xf32, #tpu.memory_space<vmem>>, %arg9: memref<10000xf32, #tpu.memory_space<vmem>>, %arg10: memref<2x96xi32, #tpu.memory_space<vmem>>, %arg11: memref<2x96xi32, #tpu.memory_space<vmem>>, %arg12: memref<2x96xi32, #tpu.memory_space<vmem>>, %arg13: memref<96x128xf32, #tpu.memory_space<vmem>>, %arg14: memref<96x128xf32, #tpu.memory_space<vmem>>, %arg15: memref<96xf32, #tpu.memory_space<vmem>>, %arg16: memref<10240x128xf32, #tpu.memory_space<vmem_shared>>, %arg17: memref<!tpu.dma_semaphore, #tpu.memory_space<semaphore_mem>>, %arg18: memref<!tpu.dma_semaphore, #tpu.memory_space<semaphore_mem>>, %arg19: memref<!tpu.dma_semaphore, #tpu.memory_space<semaphore_mem>>, %arg20: memref<!tpu.dma_semaphore, #tpu.memory_space<semaphore_mem>>, %arg21: memref<!tpu.dma_semaphore, #tpu.memory_space<semaphore_mem>>, %arg22: memref<!tpu.dma_semaphore, #tpu.memory_space<semaphore_mem>>, %arg23: memref<!tpu.dma_semaphore, #tpu.memory_space<semaphore_mem>>) attributes {dimension_semantics = [#tpu.dimension_semantics<core_parallel>, #tpu.dimension_semantics<subcore_parallel>], iteration_bounds = array<i64: 2, 16>, scalar_prefetch = 0 : i64, scratch_operands = 16 : i64, tpu.core_type = #tpu.core_type<sc_vector_subcore>, window_params = [{transform_indices = #map}, {transform_indices = #map1}, {transform_indices = #map2}, {transform_indices = #map2}, {transform_indices = #map}, {transform_indices = #map1}]} {
    %mul3A = arith.constant 16 : i32
    %mul3A_0 = arith.muli %arg0, %mul3A : i32
    %add3A = arith.addi %mul3A_0, %arg1 : i32
    "tpu.region"() ({
      %run_scoped3A = tpu.sem_alloc : memref<!tpu.dma_semaphore, #tpu.memory_space<semaphore_mem>>
      tpu.enqueue_dma source(%arg4 : memref<10000xf32, #tpu.memory_space<hbm>>) target(%arg8 : memref<10000xf32, #tpu.memory_space<vmem>>) target_semaphore(%run_scoped3A : memref<!tpu.dma_semaphore, #tpu.memory_space<semaphore_mem>>)
      tpu.wait_dma2 semaphore(%run_scoped3A : memref<!tpu.dma_semaphore, #tpu.memory_space<semaphore_mem>>) src(%arg4 : memref<10000xf32, #tpu.memory_space<hbm>>) dst(%arg8 : memref<10000xf32, #tpu.memory_space<vmem>>)
      tpu.yield
    }) : () -> ()
    "tpu.region"() ({
      %run_scoped3A = tpu.sem_alloc : memref<!tpu.dma_semaphore, #tpu.memory_space<semaphore_mem>>
      tpu.enqueue_dma source(%arg5 : memref<10000xf32, #tpu.memory_space<hbm>>) target(%arg9 : memref<10000xf32, #tpu.memory_space<vmem>>) target_semaphore(%run_scoped3A : memref<!tpu.dma_semaphore, #tpu.memory_space<semaphore_mem>>)
      tpu.wait_dma2 semaphore(%run_scoped3A : memref<!tpu.dma_semaphore, #tpu.memory_space<semaphore_mem>>) src(%arg5 : memref<10000xf32, #tpu.memory_space<hbm>>) dst(%arg9 : memref<10000xf32, #tpu.memory_space<vmem>>)
      tpu.yield
    }) : () -> ()
    %mul3A_1 = arith.constant 640 : i32
    %mul3A_2 = arith.muli %arg1, %mul3A_1 : i32
    %mul3A_3 = arith.constant 640 : i32
    %mul3A_4 = arith.muli %arg1, %mul3A_3 : i32
    "tpu.region"() ({
      %run_scoped3A = tpu.sem_alloc : memref<!tpu.dma_semaphore, #tpu.memory_space<semaphore_mem>>
      %dma_start3A_36 = arith.constant 0 : i32
      %dma_start3A_37 = tpu.memref_slice %arg16[%mul3A_4, %dma_start3A_36] : memref<10240x128xf32, #tpu.memory_space<vmem_shared>> -> memref<640x128xf32, #tpu.memory_space<vmem_shared>>
      %dma_start3A_38 = arith.constant 0 : i32
      %dma_start3A_39 = tpu.memref_slice %arg6[%mul3A_2, %dma_start3A_38] : memref<10240x128xf32, #tpu.memory_space<hbm>> -> memref<640x128xf32, #tpu.memory_space<hbm>>
      tpu.enqueue_dma source(%dma_start3A_39 : memref<640x128xf32, #tpu.memory_space<hbm>>) target(%dma_start3A_37 : memref<640x128xf32, #tpu.memory_space<vmem_shared>>) target_semaphore(%run_scoped3A : memref<!tpu.dma_semaphore, #tpu.memory_space<semaphore_mem>>)
      %dma_wait3A_40 = arith.constant 0 : i32
      %dma_wait3A_41 = tpu.memref_slice %arg16[%mul3A_4, %dma_wait3A_40] : memref<10240x128xf32, #tpu.memory_space<vmem_shared>> -> memref<640x128xf32, #tpu.memory_space<vmem_shared>>
      %dma_wait3A_42 = arith.constant 0 : i32
      %dma_wait3A_43 = tpu.memref_slice %arg6[%mul3A_2, %dma_wait3A_42] : memref<10240x128xf32, #tpu.memory_space<hbm>> -> memref<640x128xf32, #tpu.memory_space<hbm>>
      tpu.wait_dma2 semaphore(%run_scoped3A : memref<!tpu.dma_semaphore, #tpu.memory_space<semaphore_mem>>) src(%dma_wait3A_43 : memref<640x128xf32, #tpu.memory_space<hbm>>) dst(%dma_wait3A_41 : memref<640x128xf32, #tpu.memory_space<vmem_shared>>)
      tpu.yield
    }) : () -> ()
    %barrier3A = arith.constant 0 : index
    tpu.barrier barrier_id(%barrier3A)
    %mul3A_5 = arith.constant 108 : i32
    %mul3A_6 = arith.muli %add3A, %mul3A_5 : i32
    "tpu.region"() ({
      %run_scoped3A = tpu.sem_alloc : memref<!tpu.dma_semaphore, #tpu.memory_space<semaphore_mem>>
      %dma_start3A_36 = arith.constant 0 : i32
      %dma_start3A_37 = arith.constant 0 : i32
      %dma_start3A_38 = tpu.memref_slice %arg3[%mul3A_6, %dma_start3A_36, %dma_start3A_37] : memref<3456x2x96xi32, #tpu.memory_space<hbm>> -> memref<1x2x96xi32, #tpu.memory_space<hbm>>
      %dma_start3A_39 = tpu.memref_squeeze %dma_start3A_38 : memref<1x2x96xi32, #tpu.memory_space<hbm>> -> memref<2x96xi32, #tpu.memory_space<hbm>>
      %dma_start3A_40 = arith.constant 0 : i32
      %dma_start3A_41 = arith.constant 0 : i32
      %dma_start3A_42 = tpu.memref_slice %arg3[%mul3A_6, %dma_start3A_40, %dma_start3A_41] : memref<3456x2x96xi32, #tpu.memory_space<hbm>> -> memref<1x2x96xi32, #tpu.memory_space<hbm>>
      %dma_start3A_43 = tpu.memref_squeeze %dma_start3A_42 : memref<1x2x96xi32, #tpu.memory_space<hbm>> -> memref<2x96xi32, #tpu.memory_space<hbm>>
      tpu.enqueue_dma source(%dma_start3A_43 : memref<2x96xi32, #tpu.memory_space<hbm>>) target(%arg10 : memref<2x96xi32, #tpu.memory_space<vmem>>) target_semaphore(%run_scoped3A : memref<!tpu.dma_semaphore, #tpu.memory_space<semaphore_mem>>)
      %dma_wait3A_44 = arith.constant 0 : i32
      %dma_wait3A_45 = arith.constant 0 : i32
      %dma_wait3A_46 = tpu.memref_slice %arg3[%mul3A_6, %dma_wait3A_44, %dma_wait3A_45] : memref<3456x2x96xi32, #tpu.memory_space<hbm>> -> memref<1x2x96xi32, #tpu.memory_space<hbm>>
      %dma_wait3A_47 = tpu.memref_squeeze %dma_wait3A_46 : memref<1x2x96xi32, #tpu.memory_space<hbm>> -> memref<2x96xi32, #tpu.memory_space<hbm>>
      %dma_wait3A_48 = arith.constant 0 : i32
      %dma_wait3A_49 = arith.constant 0 : i32
      %dma_wait3A_50 = tpu.memref_slice %arg3[%mul3A_6, %dma_wait3A_48, %dma_wait3A_49] : memref<3456x2x96xi32, #tpu.memory_space<hbm>> -> memref<1x2x96xi32, #tpu.memory_space<hbm>>
      %dma_wait3A_51 = tpu.memref_squeeze %dma_wait3A_50 : memref<1x2x96xi32, #tpu.memory_space<hbm>> -> memref<2x96xi32, #tpu.memory_space<hbm>>
      tpu.wait_dma2 semaphore(%run_scoped3A : memref<!tpu.dma_semaphore, #tpu.memory_space<semaphore_mem>>) src(%dma_wait3A_51 : memref<2x96xi32, #tpu.memory_space<hbm>>) dst(%arg10 : memref<2x96xi32, #tpu.memory_space<vmem>>)
      tpu.yield
    }) : () -> ()
    %dma_start3A = arith.constant 0 : i32
    %dma_start3A_7 = arith.constant 0 : i32
    %dma_start3A_8 = tpu.memref_slice %arg10[%dma_start3A, %dma_start3A_7] : memref<2x96xi32, #tpu.memory_space<vmem>> -> memref<1x96xi32, #tpu.memory_space<vmem>>
    %dma_start3A_9 = tpu.memref_squeeze %dma_start3A_8 : memref<1x96xi32, #tpu.memory_space<vmem>> -> memref<96xi32, #tpu.memory_space<vmem>>
    %dma_start3A_10 = arith.constant 0 : i32
    %dma_start3A_11 = arith.constant 0 : i32
    %dma_start3A_12 = tpu.memref_slice %arg2[%dma_start3A_10, %dma_start3A_11] : memref<10000x128xf32, #tpu.memory_space<hbm>> -> memref<10000x128xf32, #tpu.memory_space<hbm>>
    tpu.enqueue_indirect_dma source(%dma_start3A_12 : memref<10000x128xf32, #tpu.memory_space<hbm>>) target(%arg13 : memref<96x128xf32, #tpu.memory_space<vmem>>) offsets(%dma_start3A_9 : memref<96xi32, #tpu.memory_space<vmem>>) semaphore(%arg20 : memref<!tpu.dma_semaphore, #tpu.memory_space<semaphore_mem>>)
    %scan3A = arith.constant 0 : i32
    %scan3A_13 = arith.constant 0 : i32
    %scan3A_14 = arith.constant 18 : i32
    %scan3A_15 = arith.addi %scan3A_13, %scan3A_14 : i32
    %scan3A_16 = arith.constant 1 : i32
    scf.for %scan3A_36 = %scan3A_13 to %scan3A_15 step %scan3A_16  : i32 {
      %mul3A_37 = arith.constant 6 : i32
      %mul3A_38 = arith.muli %mul3A_37, %scan3A_36 : i32
      %add3A_39 = arith.constant 0 : i32
      %add3A_40 = arith.addi %mul3A_38, %add3A_39 : i32
      %add3A_41 = arith.constant 1 : i32
      %add3A_42 = arith.addi %add3A_40, %add3A_41 : i32
      %lt3A = arith.constant 108 : i32
      %lt3A_43 = arith.cmpi slt, %add3A_42, %lt3A : i32
      %convert_element_type3A = arith.extui %lt3A_43 : i1 to i32
      %cond3A = arith.constant 0 : i32
      %cond3A_44 = arith.cmpi ne, %convert_element_type3A, %cond3A : i32
      scf.if %cond3A_44 {
        %ge3A = arith.constant 1 : i32
        %ge3A_237 = arith.cmpi sge, %add3A_40, %ge3A : i32
        %convert_element_type3A_238 = arith.extui %ge3A_237 : i1 to i32
        %cond3A_239 = arith.constant 0 : i32
        %cond3A_240 = arith.cmpi ne, %convert_element_type3A_238, %cond3A_239 : i32
        scf.if %cond3A_240 {
          %dma_wait3A_251 = arith.constant 1 : i32
          %dma_wait3A_252 = arith.constant 0 : i32
          %dma_wait3A_253 = tpu.memref_slice %arg12[%dma_wait3A_251, %dma_wait3A_252] : memref<2x96xi32, #tpu.memory_space<vmem>> -> memref<1x96xi32, #tpu.memory_space<vmem>>
          %dma_wait3A_254 = tpu.memref_squeeze %dma_wait3A_253 : memref<1x96xi32, #tpu.memory_space<vmem>> -> memref<96xi32, #tpu.memory_space<vmem>>
          %dma_wait3A_255 = arith.constant 0 : i32
          %dma_wait3A_256 = arith.constant 0 : i32
          %dma_wait3A_257 = tpu.memref_slice %arg16[%dma_wait3A_255, %dma_wait3A_256] : memref<10240x128xf32, #tpu.memory_space<vmem_shared>> -> memref<10240x128xf32, #tpu.memory_space<vmem_shared>>
          tpu.wait_indirect_dma semaphore(%arg23 : memref<!tpu.dma_semaphore, #tpu.memory_space<semaphore_mem>>) src(%arg14 : memref<96x128xf32, #tpu.memory_space<vmem>>) dst(%dma_wait3A_257 : memref<10240x128xf32, #tpu.memory_space<vmem_shared>>)
        } else {
        }
        %add3A_241 = arith.addi %mul3A_6, %add3A_40 : i32
        %add3A_242 = arith.constant 1 : i32
        %add3A_243 = arith.addi %add3A_241, %add3A_242 : i32
        "tpu.region"() ({
          %run_scoped3A = tpu.sem_alloc : memref<!tpu.dma_semaphore, #tpu.memory_space<semaphore_mem>>
          %dma_start3A_251 = arith.constant 0 : i32
          %dma_start3A_252 = arith.constant 0 : i32
          %dma_start3A_253 = tpu.memref_slice %arg3[%add3A_243, %dma_start3A_251, %dma_start3A_252] : memref<3456x2x96xi32, #tpu.memory_space<hbm>> -> memref<1x2x96xi32, #tpu.memory_space<hbm>>
          %dma_start3A_254 = tpu.memref_squeeze %dma_start3A_253 : memref<1x2x96xi32, #tpu.memory_space<hbm>> -> memref<2x96xi32, #tpu.memory_space<hbm>>
          %dma_start3A_255 = arith.constant 0 : i32
          %dma_start3A_256 = arith.constant 0 : i32
          %dma_start3A_257 = tpu.memref_slice %arg3[%add3A_243, %dma_start3A_255, %dma_start3A_256] : memref<3456x2x96xi32, #tpu.memory_space<hbm>> -> memref<1x2x96xi32, #tpu.memory_space<hbm>>
          %dma_start3A_258 = tpu.memref_squeeze %dma_start3A_257 : memref<1x2x96xi32, #tpu.memory_space<hbm>> -> memref<2x96xi32, #tpu.memory_space<hbm>>
          tpu.enqueue_dma source(%dma_start3A_258 : memref<2x96xi32, #tpu.memory_space<hbm>>) target(%arg11 : memref<2x96xi32, #tpu.memory_space<vmem>>) target_semaphore(%run_scoped3A : memref<!tpu.dma_semaphore, #tpu.memory_space<semaphore_mem>>)
          %dma_wait3A_259 = arith.constant 0 : i32
          %dma_wait3A_260 = arith.constant 0 : i32
          %dma_wait3A_261 = tpu.memref_slice %arg3[%add3A_243, %dma_wait3A_259, %dma_wait3A_260] : memref<3456x2x96xi32, #tpu.memory_space<hbm>> -> memref<1x2x96xi32, #tpu.memory_space<hbm>>
          %dma_wait3A_262 = tpu.memref_squeeze %dma_wait3A_261 : memref<1x2x96xi32, #tpu.memory_space<hbm>> -> memref<2x96xi32, #tpu.memory_space<hbm>>
          %dma_wait3A_263 = arith.constant 0 : i32
          %dma_wait3A_264 = arith.constant 0 : i32
          %dma_wait3A_265 = tpu.memref_slice %arg3[%add3A_243, %dma_wait3A_263, %dma_wait3A_264] : memref<3456x2x96xi32, #tpu.memory_space<hbm>> -> memref<1x2x96xi32, #tpu.memory_space<hbm>>
          %dma_wait3A_266 = tpu.memref_squeeze %dma_wait3A_265 : memref<1x2x96xi32, #tpu.memory_space<hbm>> -> memref<2x96xi32, #tpu.memory_space<hbm>>
          tpu.wait_dma2 semaphore(%run_scoped3A : memref<!tpu.dma_semaphore, #tpu.memory_space<semaphore_mem>>) src(%dma_wait3A_266 : memref<2x96xi32, #tpu.memory_space<hbm>>) dst(%arg11 : memref<2x96xi32, #tpu.memory_space<vmem>>)
          tpu.yield
        }) : () -> ()
        %dma_start3A_244 = arith.constant 0 : i32
        %dma_start3A_245 = arith.constant 0 : i32
        %dma_start3A_246 = tpu.memref_slice %arg11[%dma_start3A_244, %dma_start3A_245] : memref<2x96xi32, #tpu.memory_space<vmem>> -> memref<1x96xi32, #tpu.memory_space<vmem>>
        %dma_start3A_247 = tpu.memref_squeeze %dma_start3A_246 : memref<1x96xi32, #tpu.memory_space<vmem>> -> memref<96xi32, #tpu.memory_space<vmem>>
        %dma_start3A_248 = arith.constant 0 : i32
        %dma_start3A_249 = arith.constant 0 : i32
        %dma_start3A_250 = tpu.memref_slice %arg2[%dma_start3A_248, %dma_start3A_249] : memref<10000x128xf32, #tpu.memory_space<hbm>> -> memref<10000x128xf32, #tpu.memory_space<hbm>>
        tpu.enqueue_indirect_dma source(%dma_start3A_250 : memref<10000x128xf32, #tpu.memory_space<hbm>>) target(%arg14 : memref<96x128xf32, #tpu.memory_space<vmem>>) offsets(%dma_start3A_247 : memref<96xi32, #tpu.memory_space<vmem>>) semaphore(%arg21 : memref<!tpu.dma_semaphore, #tpu.memory_space<semaphore_mem>>)
      } else {
      }
      %add3A_45 = arith.addi %mul3A_6, %add3A_40 : i32
      %mul3A_46 = arith.constant 96 : i32
      %mul3A_47 = arith.muli %add3A_45, %mul3A_46 : i32
      %parallel_loop3A = arith.constant 0 : i32
      %parallel_loop3A_48 = arith.constant 6 : i32
      %parallel_loop3A_49 = arith.constant 1 : i32
      scf.for %parallel_loop3A_237 = %parallel_loop3A to %parallel_loop3A_48 step %parallel_loop3A_49  : i32 {
        %parallel_loop3A_238 = arith.constant 16 : i32
        %parallel_loop3A_239 = arith.muli %parallel_loop3A_237, %parallel_loop3A_238 : i32
        %parallel_loop3A_240 = arith.constant 0 : i32
        %parallel_loop3A_241 = arith.index_cast %parallel_loop3A_240 : i32 to index
        %parallel_loop3A_242 = arith.index_cast %parallel_loop3A_239 : i32 to index
        %parallel_loop3A_243 = tpu.vector_load %arg10[%parallel_loop3A_241, %parallel_loop3A_242] {strides = array<i32>} : memref<2x96xi32, #tpu.memory_space<vmem>>, vector<16xi32>,
        %parallel_loop3A_244 = arith.constant 16 : i32
        %parallel_loop3A_245 = arith.muli %parallel_loop3A_237, %parallel_loop3A_244 : i32
        %parallel_loop3A_246 = arith.constant 1 : i32
        %parallel_loop3A_247 = arith.index_cast %parallel_loop3A_246 : i32 to index
        %parallel_loop3A_248 = arith.index_cast %parallel_loop3A_245 : i32 to index
        %parallel_loop3A_249 = tpu.vector_load %arg10[%parallel_loop3A_247, %parallel_loop3A_248] {strides = array<i32>} : memref<2x96xi32, #tpu.memory_space<vmem>>, vector<16xi32>,
        %parallel_loop3A_250 = tpu.vector_load_idx %arg8[%parallel_loop3A_249] : memref<10000xf32, #tpu.memory_space<vmem>>[vector<16xi32>], vector<16xf32>,
        %parallel_loop3A_251 = tpu.vector_load_idx %arg9[%parallel_loop3A_243] : memref<10000xf32, #tpu.memory_space<vmem>>[vector<16xi32>], vector<16xf32>,
        %parallel_loop3A_252 = arith.addf %parallel_loop3A_250, %parallel_loop3A_251 : vector<16xf32>
        %parallel_loop3A_253 = math.absf %parallel_loop3A_252 : vector<16xf32>
        %parallel_loop3A_254 = arith.constant -2.000000e+00 : f32
        %parallel_loop3A_255 = vector.broadcast %parallel_loop3A_254 : f32 to vector<16xf32>
        %parallel_loop3A_256 = arith.mulf %parallel_loop3A_253, %parallel_loop3A_255 : vector<16xf32>
        %parallel_loop3A_257 = math.exp %parallel_loop3A_256 : vector<16xf32>
        %parallel_loop3A_258 = arith.constant 1.000000e+00 : f32
        %parallel_loop3A_259 = vector.broadcast %parallel_loop3A_258 : f32 to vector<16xf32>
        %parallel_loop3A_260 = arith.subf %parallel_loop3A_259, %parallel_loop3A_257 : vector<16xf32>
        %parallel_loop3A_261 = arith.constant 1.000000e+00 : f32
        %parallel_loop3A_262 = vector.broadcast %parallel_loop3A_261 : f32 to vector<16xf32>
        %parallel_loop3A_263 = arith.addf %parallel_loop3A_262, %parallel_loop3A_257 : vector<16xf32>
        %parallel_loop3A_264 = arith.divf %parallel_loop3A_260, %parallel_loop3A_263 : vector<16xf32>
        %parallel_loop3A_265 = arith.constant 0.000000e+00 : f32
        %parallel_loop3A_266 = vector.broadcast %parallel_loop3A_265 : f32 to vector<16xf32>
        %parallel_loop3A_267 = arith.cmpf olt, %parallel_loop3A_252, %parallel_loop3A_266 : vector<16xf32>
        %parallel_loop3A_268 = arith.constant 0.000000e+00 : f32
        %parallel_loop3A_269 = vector.broadcast %parallel_loop3A_268 : f32 to vector<16xf32>
        %parallel_loop3A_270 = arith.subf %parallel_loop3A_269, %parallel_loop3A_264 : vector<16xf32>
        %parallel_loop3A_271 = arith.select %parallel_loop3A_267, %parallel_loop3A_270, %parallel_loop3A_264 : vector<16xi1>, vector<16xf32>
        %parallel_loop3A_272 = arith.constant 16 : i32
        %parallel_loop3A_273 = arith.muli %parallel_loop3A_237, %parallel_loop3A_272 : i32
        %parallel_loop3A_274 = arith.addi %mul3A_47, %parallel_loop3A_273 : i32
        %parallel_loop3A_275 = tpu.iota {dimensions = array<i32: 0>} : vector<16xi32>
        %parallel_loop3A_276 = vector.broadcast %parallel_loop3A_274 : i32 to vector<16xi32>
        %parallel_loop3A_277 = arith.addi %parallel_loop3A_276, %parallel_loop3A_275 : vector<16xi32>
        %parallel_loop3A_278 = arith.constant 320000 : i32
        %parallel_loop3A_279 = vector.broadcast %parallel_loop3A_278 : i32 to vector<16xi32>
        %parallel_loop3A_280 = arith.cmpi slt, %parallel_loop3A_277, %parallel_loop3A_279 : vector<16xi32>
        %parallel_loop3A_281 = arith.constant 0.000000e+00 : f32
        %parallel_loop3A_282 = vector.broadcast %parallel_loop3A_281 : f32 to vector<16xf32>
        %parallel_loop3A_283 = arith.select %parallel_loop3A_280, %parallel_loop3A_271, %parallel_loop3A_282 : vector<16xi1>, vector<16xf32>
        %parallel_loop3A_284 = arith.constant 16 : i32
        %parallel_loop3A_285 = arith.muli %parallel_loop3A_237, %parallel_loop3A_284 : i32
        %parallel_loop3A_286 = arith.index_cast %parallel_loop3A_285 : i32 to index
        %parallel_loop3A_287 = tpu.vector_load %arg15[%parallel_loop3A_286] {strides = array<i32>} : memref<96xf32, #tpu.memory_space<vmem>>, vector<16xf32>,
        tpu.vector_store %arg15[%parallel_loop3A_286], %parallel_loop3A_283 {strides = array<i32>} : memref<96xf32, #tpu.memory_space<vmem>>, vector<16xf32>,
      } {sc.loop_unroll_factor = 2 : i64, sc.parallel_access}
      %dma_wait3A_50 = arith.constant 0 : i32
      %dma_wait3A_51 = arith.constant 0 : i32
      %dma_wait3A_52 = tpu.memref_slice %arg10[%dma_wait3A_50, %dma_wait3A_51] : memref<2x96xi32, #tpu.memory_space<vmem>> -> memref<1x96xi32, #tpu.memory_space<vmem>>
      %dma_wait3A_53 = tpu.memref_squeeze %dma_wait3A_52 : memref<1x96xi32, #tpu.memory_space<vmem>> -> memref<96xi32, #tpu.memory_space<vmem>>
      %dma_wait3A_54 = arith.constant 0 : i32
      %dma_wait3A_55 = arith.constant 0 : i32
      %dma_wait3A_56 = tpu.memref_slice %arg2[%dma_wait3A_54, %dma_wait3A_55] : memref<10000x128xf32, #tpu.memory_space<hbm>> -> memref<10000x128xf32, #tpu.memory_space<hbm>>
      tpu.wait_indirect_dma semaphore(%arg20 : memref<!tpu.dma_semaphore, #tpu.memory_space<semaphore_mem>>) src(%dma_wait3A_56 : memref<10000x128xf32, #tpu.memory_space<hbm>>) dst(%arg13 : memref<96x128xf32, #tpu.memory_space<vmem>>)
      %parallel_loop3A_57 = arith.constant 0 : i32
      %parallel_loop3A_58 = arith.constant 96 : i32
      %parallel_loop3A_59 = arith.constant 1 : i32
      scf.for %parallel_loop3A_237 = %parallel_loop3A_57 to %parallel_loop3A_58 step %parallel_loop3A_59  : i32 {
        %parallel_loop3A_238 = vector.broadcast %parallel_loop3A_237 : i32 to vector<16xi32>
        %parallel_loop3A_239 = tpu.vector_load_idx %arg15[%parallel_loop3A_238] : memref<96xf32, #tpu.memory_space<vmem>>[vector<16xi32>], vector<16xf32>,
        %parallel_loop3A_240 = arith.index_cast %parallel_loop3A_237 : i32 to index
        %parallel_loop3A_241 = arith.constant 0 : index
        %parallel_loop3A_242 = tpu.vector_load %arg13[%parallel_loop3A_240, %parallel_loop3A_241] {strides = array<i32>} : memref<96x128xf32, #tpu.memory_space<vmem>>, vector<16xf32>,
        %parallel_loop3A_243 = arith.mulf %parallel_loop3A_242, %parallel_loop3A_239 : vector<16xf32>
        %parallel_loop3A_244 = arith.index_cast %parallel_loop3A_237 : i32 to index
        %parallel_loop3A_245 = arith.constant 0 : index
        %parallel_loop3A_246 = tpu.vector_load %arg13[%parallel_loop3A_244, %parallel_loop3A_245] {strides = array<i32>} : memref<96x128xf32, #tpu.memory_space<vmem>>, vector<16xf32>,
        tpu.vector_store %arg13[%parallel_loop3A_244, %parallel_loop3A_245], %parallel_loop3A_243 {strides = array<i32>} : memref<96x128xf32, #tpu.memory_space<vmem>>, vector<16xf32>,
        %parallel_loop3A_247 = arith.index_cast %parallel_loop3A_237 : i32 to index
        %parallel_loop3A_248 = arith.constant 16 : index
        %parallel_loop3A_249 = tpu.vector_load %arg13[%parallel_loop3A_247, %parallel_loop3A_248] {strides = array<i32>} : memref<96x128xf32, #tpu.memory_space<vmem>>, vector<16xf32>,
        %parallel_loop3A_250 = arith.mulf %parallel_loop3A_249, %parallel_loop3A_239 : vector<16xf32>
        %parallel_loop3A_251 = arith.index_cast %parallel_loop3A_237 : i32 to index
        %parallel_loop3A_252 = arith.constant 16 : index
        %parallel_loop3A_253 = tpu.vector_load %arg13[%parallel_loop3A_251, %parallel_loop3A_252] {strides = array<i32>} : memref<96x128xf32, #tpu.memory_space<vmem>>, vector<16xf32>,
        tpu.vector_store %arg13[%parallel_loop3A_251, %parallel_loop3A_252], %parallel_loop3A_250 {strides = array<i32>} : memref<96x128xf32, #tpu.memory_space<vmem>>, vector<16xf32>,
        %parallel_loop3A_254 = arith.index_cast %parallel_loop3A_237 : i32 to index
        %parallel_loop3A_255 = arith.constant 32 : index
        %parallel_loop3A_256 = tpu.vector_load %arg13[%parallel_loop3A_254, %parallel_loop3A_255] {strides = array<i32>} : memref<96x128xf32, #tpu.memory_space<vmem>>, vector<16xf32>,
        %parallel_loop3A_257 = arith.mulf %parallel_loop3A_256, %parallel_loop3A_239 : vector<16xf32>
        %parallel_loop3A_258 = arith.index_cast %parallel_loop3A_237 : i32 to index
        %parallel_loop3A_259 = arith.constant 32 : index
        %parallel_loop3A_260 = tpu.vector_load %arg13[%parallel_loop3A_258, %parallel_loop3A_259] {strides = array<i32>} : memref<96x128xf32, #tpu.memory_space<vmem>>, vector<16xf32>,
        tpu.vector_store %arg13[%parallel_loop3A_258, %parallel_loop3A_259], %parallel_loop3A_257 {strides = array<i32>} : memref<96x128xf32, #tpu.memory_space<vmem>>, vector<16xf32>,
        %parallel_loop3A_261 = arith.index_cast %parallel_loop3A_237 : i32 to index
        %parallel_loop3A_262 = arith.constant 48 : index
        %parallel_loop3A_263 = tpu.vector_load %arg13[%parallel_loop3A_261, %parallel_loop3A_262] {strides = array<i32>} : memref<96x128xf32, #tpu.memory_space<vmem>>, vector<16xf32>,
        %parallel_loop3A_264 = arith.mulf %parallel_loop3A_263, %parallel_loop3A_239 : vector<16xf32>
        %parallel_loop3A_265 = arith.index_cast %parallel_loop3A_237 : i32 to index
        %parallel_loop3A_266 = arith.constant 48 : index
        %parallel_loop3A_267 = tpu.vector_load %arg13[%parallel_loop3A_265, %parallel_loop3A_266] {strides = array<i32>} : memref<96x128xf32, #tpu.memory_space<vmem>>, vector<16xf32>,
        tpu.vector_store %arg13[%parallel_loop3A_265, %parallel_loop3A_266], %parallel_loop3A_264 {strides = array<i32>} : memref<96x128xf32, #tpu.memory_space<vmem>>, vector<16xf32>,
        %parallel_loop3A_268 = arith.index_cast %parallel_loop3A_237 : i32 to index
        %parallel_loop3A_269 = arith.constant 64 : index
        %parallel_loop3A_270 = tpu.vector_load %arg13[%parallel_loop3A_268, %parallel_loop3A_269] {strides = array<i32>} : memref<96x128xf32, #tpu.memory_space<vmem>>, vector<16xf32>,
        %parallel_loop3A_271 = arith.mulf %parallel_loop3A_270, %parallel_loop3A_239 : vector<16xf32>
        %parallel_loop3A_272 = arith.index_cast %parallel_loop3A_237 : i32 to index
        %parallel_loop3A_273 = arith.constant 64 : index
        %parallel_loop3A_274 = tpu.vector_load %arg13[%parallel_loop3A_272, %parallel_loop3A_273] {strides = array<i32>} : memref<96x128xf32, #tpu.memory_space<vmem>>, vector<16xf32>,
        tpu.vector_store %arg13[%parallel_loop3A_272, %parallel_loop3A_273], %parallel_loop3A_271 {strides = array<i32>} : memref<96x128xf32, #tpu.memory_space<vmem>>, vector<16xf32>,
        %parallel_loop3A_275 = arith.index_cast %parallel_loop3A_237 : i32 to index
        %parallel_loop3A_276 = arith.constant 80 : index
        %parallel_loop3A_277 = tpu.vector_load %arg13[%parallel_loop3A_275, %parallel_loop3A_276] {strides = array<i32>} : memref<96x128xf32, #tpu.memory_space<vmem>>, vector<16xf32>,
        %parallel_loop3A_278 = arith.mulf %parallel_loop3A_277, %parallel_loop3A_239 : vector<16xf32>
        %parallel_loop3A_279 = arith.index_cast %parallel_loop3A_237 : i32 to index
        %parallel_loop3A_280 = arith.constant 80 : index
        %parallel_loop3A_281 = tpu.vector_load %arg13[%parallel_loop3A_279, %parallel_loop3A_280] {strides = array<i32>} : memref<96x128xf32, #tpu.memory_space<vmem>>, vector<16xf32>,
        tpu.vector_store %arg13[%parallel_loop3A_279, %parallel_loop3A_280], %parallel_loop3A_278 {strides = array<i32>} : memref<96x128xf32, #tpu.memory_space<vmem>>, vector<16xf32>,
        %parallel_loop3A_282 = arith.index_cast %parallel_loop3A_237 : i32 to index
        %parallel_loop3A_283 = arith.constant 96 : index
        %parallel_loop3A_284 = tpu.vector_load %arg13[%parallel_loop3A_282, %parallel_loop3A_283] {strides = array<i32>} : memref<96x128xf32, #tpu.memory_space<vmem>>, vector<16xf32>,
        %parallel_loop3A_285 = arith.mulf %parallel_loop3A_284, %parallel_loop3A_239 : vector<16xf32>
        %parallel_loop3A_286 = arith.index_cast %parallel_loop3A_237 : i32 to index
        %parallel_loop3A_287 = arith.constant 96 : index
        %parallel_loop3A_288 = tpu.vector_load %arg13[%parallel_loop3A_286, %parallel_loop3A_287] {strides = array<i32>} : memref<96x128xf32, #tpu.memory_space<vmem>>, vector<16xf32>,
        tpu.vector_store %arg13[%parallel_loop3A_286, %parallel_loop3A_287], %parallel_loop3A_285 {strides = array<i32>} : memref<96x128xf32, #tpu.memory_space<vmem>>, vector<16xf32>,
        %parallel_loop3A_289 = arith.index_cast %parallel_loop3A_237 : i32 to index
        %parallel_loop3A_290 = arith.constant 112 : index
        %parallel_loop3A_291 = tpu.vector_load %arg13[%parallel_loop3A_289, %parallel_loop3A_290] {strides = array<i32>} : memref<96x128xf32, #tpu.memory_space<vmem>>, vector<16xf32>,
        %parallel_loop3A_292 = arith.mulf %parallel_loop3A_291, %parallel_loop3A_239 : vector<16xf32>
        %parallel_loop3A_293 = arith.index_cast %parallel_loop3A_237 : i32 to index
        %parallel_loop3A_294 = arith.constant 112 : index
        %parallel_loop3A_295 = tpu.vector_load %arg13[%parallel_loop3A_293, %parallel_loop3A_294] {strides = array<i32>} : memref<96x128xf32, #tpu.memory_space<vmem>>, vector<16xf32>,
        tpu.vector_store %arg13[%parallel_loop3A_293, %parallel_loop3A_294], %parallel_loop3A_292 {strides = array<i32>} : memref<96x128xf32, #tpu.memory_space<vmem>>, vector<16xf32>,
      } {sc.loop_unroll_factor = 2 : i64, sc.parallel_access}
      %dma_start3A_60 = arith.constant 1 : i32
      %dma_start3A_61 = arith.constant 0 : i32
      %dma_start3A_62 = tpu.memref_slice %arg10[%dma_start3A_60, %dma_start3A_61] : memref<2x96xi32, #tpu.memory_space<vmem>> -> memref<1x96xi32, #tpu.memory_space<vmem>>
      %dma_start3A_63 = tpu.memref_squeeze %dma_start3A_62 : memref<1x96xi32, #tpu.memory_space<vmem>> -> memref<96xi32, #tpu.memory_space<vmem>>
      %dma_start3A_64 = arith.constant 0 : i32
      %dma_start3A_65 = arith.constant 0 : i32
      %dma_start3A_66 = tpu.memref_slice %arg16[%dma_start3A_64, %dma_start3A_65] : memref<10240x128xf32, #tpu.memory_space<vmem_shared>> -> memref<10240x128xf32, #tpu.memory_space<vmem_shared>>
      tpu.enqueue_indirect_dma source(%arg13 : memref<96x128xf32, #tpu.memory_space<vmem>>) target(%dma_start3A_66 : memref<10240x128xf32, #tpu.memory_space<vmem_shared>>) offsets(%dma_start3A_63 : memref<96xi32, #tpu.memory_space<vmem>>) semaphore(%arg22 : memref<!tpu.dma_semaphore, #tpu.memory_space<semaphore_mem>>) {add = true}
      %mul3A_67 = arith.constant 6 : i32
      %mul3A_68 = arith.muli %mul3A_67, %scan3A_36 : i32
      %add3A_69 = arith.constant 1 : i32
      %add3A_70 = arith.addi %mul3A_68, %add3A_69 : i32
      %add3A_71 = arith.constant 1 : i32
      %add3A_72 = arith.addi %add3A_70, %add3A_71 : i32
      %lt3A_73 = arith.constant 108 : i32
      %lt3A_74 = arith.cmpi slt, %add3A_72, %lt3A_73 : i32
      %convert_element_type3A_75 = arith.extui %lt3A_74 : i1 to i32
      %cond3A_76 = arith.constant 0 : i32
      %cond3A_77 = arith.cmpi ne, %convert_element_type3A_75, %cond3A_76 : i32
      scf.if %cond3A_77 {
        %ge3A = arith.constant 1 : i32
        %ge3A_237 = arith.cmpi sge, %add3A_70, %ge3A : i32
        %convert_element_type3A_238 = arith.extui %ge3A_237 : i1 to i32
        %cond3A_239 = arith.constant 0 : i32
        %cond3A_240 = arith.cmpi ne, %convert_element_type3A_238, %cond3A_239 : i32
        scf.if %cond3A_240 {
          %dma_wait3A_251 = arith.constant 1 : i32
          %dma_wait3A_252 = arith.constant 0 : i32
          %dma_wait3A_253 = tpu.memref_slice %arg10[%dma_wait3A_251, %dma_wait3A_252] : memref<2x96xi32, #tpu.memory_space<vmem>> -> memref<1x96xi32, #tpu.memory_space<vmem>>
          %dma_wait3A_254 = tpu.memref_squeeze %dma_wait3A_253 : memref<1x96xi32, #tpu.memory_space<vmem>> -> memref<96xi32, #tpu.memory_space<vmem>>
          %dma_wait3A_255 = arith.constant 0 : i32
          %dma_wait3A_256 = arith.constant 0 : i32
          %dma_wait3A_257 = tpu.memref_slice %arg16[%dma_wait3A_255, %dma_wait3A_256] : memref<10240x128xf32, #tpu.memory_space<vmem_shared>> -> memref<10240x128xf32, #tpu.memory_space<vmem_shared>>
          tpu.wait_indirect_dma semaphore(%arg22 : memref<!tpu.dma_semaphore, #tpu.memory_space<semaphore_mem>>) src(%arg13 : memref<96x128xf32, #tpu.memory_space<vmem>>) dst(%dma_wait3A_257 : memref<10240x128xf32, #tpu.memory_space<vmem_shared>>)
        } else {
        }
        %add3A_241 = arith.addi %mul3A_6, %add3A_70 : i32
        %add3A_242 = arith.constant 1 : i32
        %add3A_243 = arith.addi %add3A_241, %add3A_242 : i32
        "tpu.region"() ({
          %run_scoped3A = tpu.sem_alloc : memref<!tpu.dma_semaphore, #tpu.memory_space<semaphore_mem>>
          %dma_start3A_251 = arith.constant 0 : i32
          %dma_start3A_252 = arith.constant 0 : i32
          %dma_start3A_253 = tpu.memref_slice %arg3[%add3A_243, %dma_start3A_251, %dma_start3A_252] : memref<3456x2x96xi32, #tpu.memory_space<hbm>> -> memref<1x2x96xi32, #tpu.memory_space<hbm>>
          %dma_start3A_254 = tpu.memref_squeeze %dma_start3A_253 : memref<1x2x96xi32, #tpu.memory_space<hbm>> -> memref<2x96xi32, #tpu.memory_space<hbm>>
          %dma_start3A_255 = arith.constant 0 : i32
          %dma_start3A_256 = arith.constant 0 : i32
          %dma_start3A_257 = tpu.memref_slice %arg3[%add3A_243, %dma_start3A_255, %dma_start3A_256] : memref<3456x2x96xi32, #tpu.memory_space<hbm>> -> memref<1x2x96xi32, #tpu.memory_space<hbm>>
          %dma_start3A_258 = tpu.memref_squeeze %dma_start3A_257 : memref<1x2x96xi32, #tpu.memory_space<hbm>> -> memref<2x96xi32, #tpu.memory_space<hbm>>
          tpu.enqueue_dma source(%dma_start3A_258 : memref<2x96xi32, #tpu.memory_space<hbm>>) target(%arg12 : memref<2x96xi32, #tpu.memory_space<vmem>>) target_semaphore(%run_scoped3A : memref<!tpu.dma_semaphore, #tpu.memory_space<semaphore_mem>>)
          %dma_wait3A_259 = arith.constant 0 : i32
          %dma_wait3A_260 = arith.constant 0 : i32
          %dma_wait3A_261 = tpu.memref_slice %arg3[%add3A_243, %dma_wait3A_259, %dma_wait3A_260] : memref<3456x2x96xi32, #tpu.memory_space<hbm>> -> memref<1x2x96xi32, #tpu.memory_space<hbm>>
          %dma_wait3A_262 = tpu.memref_squeeze %dma_wait3A_261 : memref<1x2x96xi32, #tpu.memory_space<hbm>> -> memref<2x96xi32, #tpu.memory_space<hbm>>
          %dma_wait3A_263 = arith.constant 0 : i32
          %dma_wait3A_264 = arith.constant 0 : i32
          %dma_wait3A_265 = tpu.memref_slice %arg3[%add3A_243, %dma_wait3A_263, %dma_wait3A_264] : memref<3456x2x96xi32, #tpu.memory_space<hbm>> -> memref<1x2x96xi32, #tpu.memory_space<hbm>>
          %dma_wait3A_266 = tpu.memref_squeeze %dma_wait3A_265 : memref<1x2x96xi32, #tpu.memory_space<hbm>> -> memref<2x96xi32, #tpu.memory_space<hbm>>
          tpu.wait_dma2 semaphore(%run_scoped3A : memref<!tpu.dma_semaphore, #tpu.memory_space<semaphore_mem>>) src(%dma_wait3A_266 : memref<2x96xi32, #tpu.memory_space<hbm>>) dst(%arg12 : memref<2x96xi32, #tpu.memory_space<vmem>>)
          tpu.yield
        }) : () -> ()
        %dma_start3A_244 = arith.constant 0 : i32
        %dma_start3A_245 = arith.constant 0 : i32
        %dma_start3A_246 = tpu.memref_slice %arg12[%dma_start3A_244, %dma_start3A_245] : memref<2x96xi32, #tpu.memory_space<vmem>> -> memref<1x96xi32, #tpu.memory_space<vmem>>
        %dma_start3A_247 = tpu.memref_squeeze %dma_start3A_246 : memref<1x96xi32, #tpu.memory_space<vmem>> -> memref<96xi32, #tpu.memory_space<vmem>>
        %dma_start3A_248 = arith.constant 0 : i32
        %dma_start3A_249 = arith.constant 0 : i32
        %dma_start3A_250 = tpu.memref_slice %arg2[%dma_start3A_248, %dma_start3A_249] : memref<10000x128xf32, #tpu.memory_space<hbm>> -> memref<10000x128xf32, #tpu.memory_space<hbm>>
        tpu.enqueue_indirect_dma source(%dma_start3A_250 : memref<10000x128xf32, #tpu.memory_space<hbm>>) target(%arg13 : memref<96x128xf32, #tpu.memory_space<vmem>>) offsets(%dma_start3A_247 : memref<96xi32, #tpu.memory_space<vmem>>) semaphore(%arg20 : memref<!tpu.dma_semaphore, #tpu.memory_space<semaphore_mem>>)
      } else {
      }
      %add3A_78 = arith.addi %mul3A_6, %add3A_70 : i32
      %mul3A_79 = arith.constant 96 : i32
      %mul3A_80 = arith.muli %add3A_78, %mul3A_79 : i32
      %parallel_loop3A_81 = arith.constant 0 : i32
      %parallel_loop3A_82 = arith.constant 6 : i32
      %parallel_loop3A_83 = arith.constant 1 : i32
      scf.for %parallel_loop3A_237 = %parallel_loop3A_81 to %parallel_loop3A_82 step %parallel_loop3A_83  : i32 {
        %parallel_loop3A_238 = arith.constant 16 : i32
        %parallel_loop3A_239 = arith.muli %parallel_loop3A_237, %parallel_loop3A_238 : i32
        %parallel_loop3A_240 = arith.constant 0 : i32
        %parallel_loop3A_241 = arith.index_cast %parallel_loop3A_240 : i32 to index
        %parallel_loop3A_242 = arith.index_cast %parallel_loop3A_239 : i32 to index
        %parallel_loop3A_243 = tpu.vector_load %arg11[%parallel_loop3A_241, %parallel_loop3A_242] {strides = array<i32>} : memref<2x96xi32, #tpu.memory_space<vmem>>, vector<16xi32>,
        %parallel_loop3A_244 = arith.constant 16 : i32
        %parallel_loop3A_245 = arith.muli %parallel_loop3A_237, %parallel_loop3A_244 : i32
        %parallel_loop3A_246 = arith.constant 1 : i32
        %parallel_loop3A_247 = arith.index_cast %parallel_loop3A_246 : i32 to index
        %parallel_loop3A_248 = arith.index_cast %parallel_loop3A_245 : i32 to index
        %parallel_loop3A_249 = tpu.vector_load %arg11[%parallel_loop3A_247, %parallel_loop3A_248] {strides = array<i32>} : memref<2x96xi32, #tpu.memory_space<vmem>>, vector<16xi32>,
        %parallel_loop3A_250 = tpu.vector_load_idx %arg8[%parallel_loop3A_249] : memref<10000xf32, #tpu.memory_space<vmem>>[vector<16xi32>], vector<16xf32>,
        %parallel_loop3A_251 = tpu.vector_load_idx %arg9[%parallel_loop3A_243] : memref<10000xf32, #tpu.memory_space<vmem>>[vector<16xi32>], vector<16xf32>,
        %parallel_loop3A_252 = arith.addf %parallel_loop3A_250, %parallel_loop3A_251 : vector<16xf32>
        %parallel_loop3A_253 = math.absf %parallel_loop3A_252 : vector<16xf32>
        %parallel_loop3A_254 = arith.constant -2.000000e+00 : f32
        %parallel_loop3A_255 = vector.broadcast %parallel_loop3A_254 : f32 to vector<16xf32>
        %parallel_loop3A_256 = arith.mulf %parallel_loop3A_253, %parallel_loop3A_255 : vector<16xf32>
        %parallel_loop3A_257 = math.exp %parallel_loop3A_256 : vector<16xf32>
        %parallel_loop3A_258 = arith.constant 1.000000e+00 : f32
        %parallel_loop3A_259 = vector.broadcast %parallel_loop3A_258 : f32 to vector<16xf32>
        %parallel_loop3A_260 = arith.subf %parallel_loop3A_259, %parallel_loop3A_257 : vector<16xf32>
        %parallel_loop3A_261 = arith.constant 1.000000e+00 : f32
        %parallel_loop3A_262 = vector.broadcast %parallel_loop3A_261 : f32 to vector<16xf32>
        %parallel_loop3A_263 = arith.addf %parallel_loop3A_262, %parallel_loop3A_257 : vector<16xf32>
        %parallel_loop3A_264 = arith.divf %parallel_loop3A_260, %parallel_loop3A_263 : vector<16xf32>
        %parallel_loop3A_265 = arith.constant 0.000000e+00 : f32
        %parallel_loop3A_266 = vector.broadcast %parallel_loop3A_265 : f32 to vector<16xf32>
        %parallel_loop3A_267 = arith.cmpf olt, %parallel_loop3A_252, %parallel_loop3A_266 : vector<16xf32>
        %parallel_loop3A_268 = arith.constant 0.000000e+00 : f32
        %parallel_loop3A_269 = vector.broadcast %parallel_loop3A_268 : f32 to vector<16xf32>
        %parallel_loop3A_270 = arith.subf %parallel_loop3A_269, %parallel_loop3A_264 : vector<16xf32>
        %parallel_loop3A_271 = arith.select %parallel_loop3A_267, %parallel_loop3A_270, %parallel_loop3A_264 : vector<16xi1>, vector<16xf32>
        %parallel_loop3A_272 = arith.constant 16 : i32
        %parallel_loop3A_273 = arith.muli %parallel_loop3A_237, %parallel_loop3A_272 : i32
        %parallel_loop3A_274 = arith.addi %mul3A_80, %parallel_loop3A_273 : i32
        %parallel_loop3A_275 = tpu.iota {dimensions = array<i32: 0>} : vector<16xi32>
        %parallel_loop3A_276 = vector.broadcast %parallel_loop3A_274 : i32 to vector<16xi32>
        %parallel_loop3A_277 = arith.addi %parallel_loop3A_276, %parallel_loop3A_275 : vector<16xi32>
        %parallel_loop3A_278 = arith.constant 320000 : i32
        %parallel_loop3A_279 = vector.broadcast %parallel_loop3A_278 : i32 to vector<16xi32>
        %parallel_loop3A_280 = arith.cmpi slt, %parallel_loop3A_277, %parallel_loop3A_279 : vector<16xi32>
        %parallel_loop3A_281 = arith.constant 0.000000e+00 : f32
        %parallel_loop3A_282 = vector.broadcast %parallel_loop3A_281 : f32 to vector<16xf32>
        %parallel_loop3A_283 = arith.select %parallel_loop3A_280, %parallel_loop3A_271, %parallel_loop3A_282 : vector<16xi1>, vector<16xf32>
        %parallel_loop3A_284 = arith.constant 16 : i32
        %parallel_loop3A_285 = arith.muli %parallel_loop3A_237, %parallel_loop3A_284 : i32
        %parallel_loop3A_286 = arith.index_cast %parallel_loop3A_285 : i32 to index
        %parallel_loop3A_287 = tpu.vector_load %arg15[%parallel_loop3A_286] {strides = array<i32>} : memref<96xf32, #tpu.memory_space<vmem>>, vector<16xf32>,
        tpu.vector_store %arg15[%parallel_loop3A_286], %parallel_loop3A_283 {strides = array<i32>} : memref<96xf32, #tpu.memory_space<vmem>>, vector<16xf32>,
      } {sc.loop_unroll_factor = 2 : i64, sc.parallel_access}
      %dma_wait3A_84 = arith.constant 0 : i32
      %dma_wait3A_85 = arith.constant 0 : i32
      %dma_wait3A_86 = tpu.memref_slice %arg11[%dma_wait3A_84, %dma_wait3A_85] : memref<2x96xi32, #tpu.memory_space<vmem>> -> memref<1x96xi32, #tpu.memory_space<vmem>>
      %dma_wait3A_87 = tpu.memref_squeeze %dma_wait3A_86 : memref<1x96xi32, #tpu.memory_space<vmem>> -> memref<96xi32, #tpu.memory_space<vmem>>
      %dma_wait3A_88 = arith.constant 0 : i32
      %dma_wait3A_89 = arith.constant 0 : i32
      %dma_wait3A_90 = tpu.memref_slice %arg2[%dma_wait3A_88, %dma_wait3A_89] : memref<10000x128xf32, #tpu.memory_space<hbm>> -> memref<10000x128xf32, #tpu.memory_space<hbm>>
      tpu.wait_indirect_dma semaphore(%arg21 : memref<!tpu.dma_semaphore, #tpu.memory_space<semaphore_mem>>) src(%dma_wait3A_90 : memref<10000x128xf32, #tpu.memory_space<hbm>>) dst(%arg14 : memref<96x128xf32, #tpu.memory_space<vmem>>)
      %parallel_loop3A_91 = arith.constant 0 : i32
      %parallel_loop3A_92 = arith.constant 96 : i32
      %parallel_loop3A_93 = arith.constant 1 : i32
      scf.for %parallel_loop3A_237 = %parallel_loop3A_91 to %parallel_loop3A_92 step %parallel_loop3A_93  : i32 {
        %parallel_loop3A_238 = vector.broadcast %parallel_loop3A_237 : i32 to vector<16xi32>
        %parallel_loop3A_239 = tpu.vector_load_idx %arg15[%parallel_loop3A_238] : memref<96xf32, #tpu.memory_space<vmem>>[vector<16xi32>], vector<16xf32>,
        %parallel_loop3A_240 = arith.index_cast %parallel_loop3A_237 : i32 to index
        %parallel_loop3A_241 = arith.constant 0 : index
        %parallel_loop3A_242 = tpu.vector_load %arg14[%parallel_loop3A_240, %parallel_loop3A_241] {strides = array<i32>} : memref<96x128xf32, #tpu.memory_space<vmem>>, vector<16xf32>,
        %parallel_loop3A_243 = arith.mulf %parallel_loop3A_242, %parallel_loop3A_239 : vector<16xf32>
        %parallel_loop3A_244 = arith.index_cast %parallel_loop3A_237 : i32 to index
        %parallel_loop3A_245 = arith.constant 0 : index
        %parallel_loop3A_246 = tpu.vector_load %arg14[%parallel_loop3A_244, %parallel_loop3A_245] {strides = array<i32>} : memref<96x128xf32, #tpu.memory_space<vmem>>, vector<16xf32>,
        tpu.vector_store %arg14[%parallel_loop3A_244, %parallel_loop3A_245], %parallel_loop3A_243 {strides = array<i32>} : memref<96x128xf32, #tpu.memory_space<vmem>>, vector<16xf32>,
        %parallel_loop3A_247 = arith.index_cast %parallel_loop3A_237 : i32 to index
        %parallel_loop3A_248 = arith.constant 16 : index
        %parallel_loop3A_249 = tpu.vector_load %arg14[%parallel_loop3A_247, %parallel_loop3A_248] {strides = array<i32>} : memref<96x128xf32, #tpu.memory_space<vmem>>, vector<16xf32>,
        %parallel_loop3A_250 = arith.mulf %parallel_loop3A_249, %parallel_loop3A_239 : vector<16xf32>
        %parallel_loop3A_251 = arith.index_cast %parallel_loop3A_237 : i32 to index
        %parallel_loop3A_252 = arith.constant 16 : index
        %parallel_loop3A_253 = tpu.vector_load %arg14[%parallel_loop3A_251, %parallel_loop3A_252] {strides = array<i32>} : memref<96x128xf32, #tpu.memory_space<vmem>>, vector<16xf32>,
        tpu.vector_store %arg14[%parallel_loop3A_251, %parallel_loop3A_252], %parallel_loop3A_250 {strides = array<i32>} : memref<96x128xf32, #tpu.memory_space<vmem>>, vector<16xf32>,
        %parallel_loop3A_254 = arith.index_cast %parallel_loop3A_237 : i32 to index
        %parallel_loop3A_255 = arith.constant 32 : index
        %parallel_loop3A_256 = tpu.vector_load %arg14[%parallel_loop3A_254, %parallel_loop3A_255] {strides = array<i32>} : memref<96x128xf32, #tpu.memory_space<vmem>>, vector<16xf32>,
        %parallel_loop3A_257 = arith.mulf %parallel_loop3A_256, %parallel_loop3A_239 : vector<16xf32>
        %parallel_loop3A_258 = arith.index_cast %parallel_loop3A_237 : i32 to index
        %parallel_loop3A_259 = arith.constant 32 : index
        %parallel_loop3A_260 = tpu.vector_load %arg14[%parallel_loop3A_258, %parallel_loop3A_259] {strides = array<i32>} : memref<96x128xf32, #tpu.memory_space<vmem>>, vector<16xf32>,
        tpu.vector_store %arg14[%parallel_loop3A_258, %parallel_loop3A_259], %parallel_loop3A_257 {strides = array<i32>} : memref<96x128xf32, #tpu.memory_space<vmem>>, vector<16xf32>,
        %parallel_loop3A_261 = arith.index_cast %parallel_loop3A_237 : i32 to index
        %parallel_loop3A_262 = arith.constant 48 : index
        %parallel_loop3A_263 = tpu.vector_load %arg14[%parallel_loop3A_261, %parallel_loop3A_262] {strides = array<i32>} : memref<96x128xf32, #tpu.memory_space<vmem>>, vector<16xf32>,
        %parallel_loop3A_264 = arith.mulf %parallel_loop3A_263, %parallel_loop3A_239 : vector<16xf32>
        %parallel_loop3A_265 = arith.index_cast %parallel_loop3A_237 : i32 to index
        %parallel_loop3A_266 = arith.constant 48 : index
        %parallel_loop3A_267 = tpu.vector_load %arg14[%parallel_loop3A_265, %parallel_loop3A_266] {strides = array<i32>} : memref<96x128xf32, #tpu.memory_space<vmem>>, vector<16xf32>,
        tpu.vector_store %arg14[%parallel_loop3A_265, %parallel_loop3A_266], %parallel_loop3A_264 {strides = array<i32>} : memref<96x128xf32, #tpu.memory_space<vmem>>, vector<16xf32>,
        %parallel_loop3A_268 = arith.index_cast %parallel_loop3A_237 : i32 to index
        %parallel_loop3A_269 = arith.constant 64 : index
        %parallel_loop3A_270 = tpu.vector_load %arg14[%parallel_loop3A_268, %parallel_loop3A_269] {strides = array<i32>} : memref<96x128xf32, #tpu.memory_space<vmem>>, vector<16xf32>,
        %parallel_loop3A_271 = arith.mulf %parallel_loop3A_270, %parallel_loop3A_239 : vector<16xf32>
        %parallel_loop3A_272 = arith.index_cast %parallel_loop3A_237 : i32 to index
        %parallel_loop3A_273 = arith.constant 64 : index
        %parallel_loop3A_274 = tpu.vector_load %arg14[%parallel_loop3A_272, %parallel_loop3A_273] {strides = array<i32>} : memref<96x128xf32, #tpu.memory_space<vmem>>, vector<16xf32>,
        tpu.vector_store %arg14[%parallel_loop3A_272, %parallel_loop3A_273], %parallel_loop3A_271 {strides = array<i32>} : memref<96x128xf32, #tpu.memory_space<vmem>>, vector<16xf32>,
        %parallel_loop3A_275 = arith.index_cast %parallel_loop3A_237 : i32 to index
        %parallel_loop3A_276 = arith.constant 80 : index
        %parallel_loop3A_277 = tpu.vector_load %arg14[%parallel_loop3A_275, %parallel_loop3A_276] {strides = array<i32>} : memref<96x128xf32, #tpu.memory_space<vmem>>, vector<16xf32>,
        %parallel_loop3A_278 = arith.mulf %parallel_loop3A_277, %parallel_loop3A_239 : vector<16xf32>
        %parallel_loop3A_279 = arith.index_cast %parallel_loop3A_237 : i32 to index
        %parallel_loop3A_280 = arith.constant 80 : index
        %parallel_loop3A_281 = tpu.vector_load %arg14[%parallel_loop3A_279, %parallel_loop3A_280] {strides = array<i32>} : memref<96x128xf32, #tpu.memory_space<vmem>>, vector<16xf32>,
        tpu.vector_store %arg14[%parallel_loop3A_279, %parallel_loop3A_280], %parallel_loop3A_278 {strides = array<i32>} : memref<96x128xf32, #tpu.memory_space<vmem>>, vector<16xf32>,
        %parallel_loop3A_282 = arith.index_cast %parallel_loop3A_237 : i32 to index
        %parallel_loop3A_283 = arith.constant 96 : index
        %parallel_loop3A_284 = tpu.vector_load %arg14[%parallel_loop3A_282, %parallel_loop3A_283] {strides = array<i32>} : memref<96x128xf32, #tpu.memory_space<vmem>>, vector<16xf32>,
        %parallel_loop3A_285 = arith.mulf %parallel_loop3A_284, %parallel_loop3A_239 : vector<16xf32>
        %parallel_loop3A_286 = arith.index_cast %parallel_loop3A_237 : i32 to index
        %parallel_loop3A_287 = arith.constant 96 : index
        %parallel_loop3A_288 = tpu.vector_load %arg14[%parallel_loop3A_286, %parallel_loop3A_287] {strides = array<i32>} : memref<96x128xf32, #tpu.memory_space<vmem>>, vector<16xf32>,
        tpu.vector_store %arg14[%parallel_loop3A_286, %parallel_loop3A_287], %parallel_loop3A_285 {strides = array<i32>} : memref<96x128xf32, #tpu.memory_space<vmem>>, vector<16xf32>,
        %parallel_loop3A_289 = arith.index_cast %parallel_loop3A_237 : i32 to index
        %parallel_loop3A_290 = arith.constant 112 : index
        %parallel_loop3A_291 = tpu.vector_load %arg14[%parallel_loop3A_289, %parallel_loop3A_290] {strides = array<i32>} : memref<96x128xf32, #tpu.memory_space<vmem>>, vector<16xf32>,
        %parallel_loop3A_292 = arith.mulf %parallel_loop3A_291, %parallel_loop3A_239 : vector<16xf32>
        %parallel_loop3A_293 = arith.index_cast %parallel_loop3A_237 : i32 to index
        %parallel_loop3A_294 = arith.constant 112 : index
        %parallel_loop3A_295 = tpu.vector_load %arg14[%parallel_loop3A_293, %parallel_loop3A_294] {strides = array<i32>} : memref<96x128xf32, #tpu.memory_space<vmem>>, vector<16xf32>,
        tpu.vector_store %arg14[%parallel_loop3A_293, %parallel_loop3A_294], %parallel_loop3A_292 {strides = array<i32>} : memref<96x128xf32, #tpu.memory_space<vmem>>, vector<16xf32>,
      } {sc.loop_unroll_factor = 2 : i64, sc.parallel_access}
      %dma_start3A_94 = arith.constant 1 : i32
      %dma_start3A_95 = arith.constant 0 : i32
      %dma_start3A_96 = tpu.memref_slice %arg11[%dma_start3A_94, %dma_start3A_95] : memref<2x96xi32, #tpu.memory_space<vmem>> -> memref<1x96xi32, #tpu.memory_space<vmem>>
      %dma_start3A_97 = tpu.memref_squeeze %dma_start3A_96 : memref<1x96xi32, #tpu.memory_space<vmem>> -> memref<96xi32, #tpu.memory_space<vmem>>
      %dma_start3A_98 = arith.constant 0 : i32
      %dma_start3A_99 = arith.constant 0 : i32
      %dma_start3A_100 = tpu.memref_slice %arg16[%dma_start3A_98, %dma_start3A_99] : memref<10240x128xf32, #tpu.memory_space<vmem_shared>> -> memref<10240x128xf32, #tpu.memory_space<vmem_shared>>
      tpu.enqueue_indirect_dma source(%arg14 : memref<96x128xf32, #tpu.memory_space<vmem>>) target(%dma_start3A_100 : memref<10240x128xf32, #tpu.memory_space<vmem_shared>>) offsets(%dma_start3A_97 : memref<96xi32, #tpu.memory_space<vmem>>) semaphore(%arg23 : memref<!tpu.dma_semaphore, #tpu.memory_space<semaphore_mem>>) {add = true}
      %mul3A_101 = arith.constant 6 : i32
      %mul3A_102 = arith.muli %mul3A_101, %scan3A_36 : i32
      %add3A_103 = arith.constant 2 : i32
      %add3A_104 = arith.addi %mul3A_102, %add3A_103 : i32
      %add3A_105 = arith.constant 1 : i32
      %add3A_106 = arith.addi %add3A_104, %add3A_105 : i32
      %lt3A_107 = arith.constant 108 : i32
      %lt3A_108 = arith.cmpi slt, %add3A_106, %lt3A_107 : i32
      %convert_element_type3A_109 = arith.extui %lt3A_108 : i1 to i32
      %cond3A_110 = arith.constant 0 : i32
      %cond3A_111 = arith.cmpi ne, %convert_element_type3A_109, %cond3A_110 : i32
      scf.if %cond3A_111 {
        %ge3A = arith.constant 1 : i32
        %ge3A_237 = arith.cmpi sge, %add3A_104, %ge3A : i32
        %convert_element_type3A_238 = arith.extui %ge3A_237 : i1 to i32
        %cond3A_239 = arith.constant 0 : i32
        %cond3A_240 = arith.cmpi ne, %convert_element_type3A_238, %cond3A_239 : i32
        scf.if %cond3A_240 {
          %dma_wait3A_251 = arith.constant 1 : i32
          %dma_wait3A_252 = arith.constant 0 : i32
          %dma_wait3A_253 = tpu.memref_slice %arg11[%dma_wait3A_251, %dma_wait3A_252] : memref<2x96xi32, #tpu.memory_space<vmem>> -> memref<1x96xi32, #tpu.memory_space<vmem>>
          %dma_wait3A_254 = tpu.memref_squeeze %dma_wait3A_253 : memref<1x96xi32, #tpu.memory_space<vmem>> -> memref<96xi32, #tpu.memory_space<vmem>>
          %dma_wait3A_255 = arith.constant 0 : i32
          %dma_wait3A_256 = arith.constant 0 : i32
          %dma_wait3A_257 = tpu.memref_slice %arg16[%dma_wait3A_255, %dma_wait3A_256] : memref<10240x128xf32, #tpu.memory_space<vmem_shared>> -> memref<10240x128xf32, #tpu.memory_space<vmem_shared>>
          tpu.wait_indirect_dma semaphore(%arg23 : memref<!tpu.dma_semaphore, #tpu.memory_space<semaphore_mem>>) src(%arg14 : memref<96x128xf32, #tpu.memory_space<vmem>>) dst(%dma_wait3A_257 : memref<10240x128xf32, #tpu.memory_space<vmem_shared>>)
        } else {
        }
        %add3A_241 = arith.addi %mul3A_6, %add3A_104 : i32
        %add3A_242 = arith.constant 1 : i32
        %add3A_243 = arith.addi %add3A_241, %add3A_242 : i32
        "tpu.region"() ({
          %run_scoped3A = tpu.sem_alloc : memref<!tpu.dma_semaphore, #tpu.memory_space<semaphore_mem>>
          %dma_start3A_251 = arith.constant 0 : i32
          %dma_start3A_252 = arith.constant 0 : i32
          %dma_start3A_253 = tpu.memref_slice %arg3[%add3A_243, %dma_start3A_251, %dma_start3A_252] : memref<3456x2x96xi32, #tpu.memory_space<hbm>> -> memref<1x2x96xi32, #tpu.memory_space<hbm>>
          %dma_start3A_254 = tpu.memref_squeeze %dma_start3A_253 : memref<1x2x96xi32, #tpu.memory_space<hbm>> -> memref<2x96xi32, #tpu.memory_space<hbm>>
          %dma_start3A_255 = arith.constant 0 : i32
          %dma_start3A_256 = arith.constant 0 : i32
          %dma_start3A_257 = tpu.memref_slice %arg3[%add3A_243, %dma_start3A_255, %dma_start3A_256] : memref<3456x2x96xi32, #tpu.memory_space<hbm>> -> memref<1x2x96xi32, #tpu.memory_space<hbm>>
          %dma_start3A_258 = tpu.memref_squeeze %dma_start3A_257 : memref<1x2x96xi32, #tpu.memory_space<hbm>> -> memref<2x96xi32, #tpu.memory_space<hbm>>
          tpu.enqueue_dma source(%dma_start3A_258 : memref<2x96xi32, #tpu.memory_space<hbm>>) target(%arg10 : memref<2x96xi32, #tpu.memory_space<vmem>>) target_semaphore(%run_scoped3A : memref<!tpu.dma_semaphore, #tpu.memory_space<semaphore_mem>>)
          %dma_wait3A_259 = arith.constant 0 : i32
          %dma_wait3A_260 = arith.constant 0 : i32
          %dma_wait3A_261 = tpu.memref_slice %arg3[%add3A_243, %dma_wait3A_259, %dma_wait3A_260] : memref<3456x2x96xi32, #tpu.memory_space<hbm>> -> memref<1x2x96xi32, #tpu.memory_space<hbm>>
          %dma_wait3A_262 = tpu.memref_squeeze %dma_wait3A_261 : memref<1x2x96xi32, #tpu.memory_space<hbm>> -> memref<2x96xi32, #tpu.memory_space<hbm>>
          %dma_wait3A_263 = arith.constant 0 : i32
          %dma_wait3A_264 = arith.constant 0 : i32
          %dma_wait3A_265 = tpu.memref_slice %arg3[%add3A_243, %dma_wait3A_263, %dma_wait3A_264] : memref<3456x2x96xi32, #tpu.memory_space<hbm>> -> memref<1x2x96xi32, #tpu.memory_space<hbm>>
          %dma_wait3A_266 = tpu.memref_squeeze %dma_wait3A_265 : memref<1x2x96xi32, #tpu.memory_space<hbm>> -> memref<2x96xi32, #tpu.memory_space<hbm>>
          tpu.wait_dma2 semaphore(%run_scoped3A : memref<!tpu.dma_semaphore, #tpu.memory_space<semaphore_mem>>) src(%dma_wait3A_266 : memref<2x96xi32, #tpu.memory_space<hbm>>) dst(%arg10 : memref<2x96xi32, #tpu.memory_space<vmem>>)
          tpu.yield
        }) : () -> ()
        %dma_start3A_244 = arith.constant 0 : i32
        %dma_start3A_245 = arith.constant 0 : i32
        %dma_start3A_246 = tpu.memref_slice %arg10[%dma_start3A_244, %dma_start3A_245] : memref<2x96xi32, #tpu.memory_space<vmem>> -> memref<1x96xi32, #tpu.memory_space<vmem>>
        %dma_start3A_247 = tpu.memref_squeeze %dma_start3A_246 : memref<1x96xi32, #tpu.memory_space<vmem>> -> memref<96xi32, #tpu.memory_space<vmem>>
        %dma_start3A_248 = arith.constant 0 : i32
        %dma_start3A_249 = arith.constant 0 : i32
        %dma_start3A_250 = tpu.memref_slice %arg2[%dma_start3A_248, %dma_start3A_249] : memref<10000x128xf32, #tpu.memory_space<hbm>> -> memref<10000x128xf32, #tpu.memory_space<hbm>>
        tpu.enqueue_indirect_dma source(%dma_start3A_250 : memref<10000x128xf32, #tpu.memory_space<hbm>>) target(%arg14 : memref<96x128xf32, #tpu.memory_space<vmem>>) offsets(%dma_start3A_247 : memref<96xi32, #tpu.memory_space<vmem>>) semaphore(%arg21 : memref<!tpu.dma_semaphore, #tpu.memory_space<semaphore_mem>>)
      } else {
      }
      %add3A_112 = arith.addi %mul3A_6, %add3A_104 : i32
      %mul3A_113 = arith.constant 96 : i32
      %mul3A_114 = arith.muli %add3A_112, %mul3A_113 : i32
      %parallel_loop3A_115 = arith.constant 0 : i32
      %parallel_loop3A_116 = arith.constant 6 : i32
      %parallel_loop3A_117 = arith.constant 1 : i32
      scf.for %parallel_loop3A_237 = %parallel_loop3A_115 to %parallel_loop3A_116 step %parallel_loop3A_117  : i32 {
        %parallel_loop3A_238 = arith.constant 16 : i32
        %parallel_loop3A_239 = arith.muli %parallel_loop3A_237, %parallel_loop3A_238 : i32
        %parallel_loop3A_240 = arith.constant 0 : i32
        %parallel_loop3A_241 = arith.index_cast %parallel_loop3A_240 : i32 to index
        %parallel_loop3A_242 = arith.index_cast %parallel_loop3A_239 : i32 to index
        %parallel_loop3A_243 = tpu.vector_load %arg12[%parallel_loop3A_241, %parallel_loop3A_242] {strides = array<i32>} : memref<2x96xi32, #tpu.memory_space<vmem>>, vector<16xi32>,
        %parallel_loop3A_244 = arith.constant 16 : i32
        %parallel_loop3A_245 = arith.muli %parallel_loop3A_237, %parallel_loop3A_244 : i32
        %parallel_loop3A_246 = arith.constant 1 : i32
        %parallel_loop3A_247 = arith.index_cast %parallel_loop3A_246 : i32 to index
        %parallel_loop3A_248 = arith.index_cast %parallel_loop3A_245 : i32 to index
        %parallel_loop3A_249 = tpu.vector_load %arg12[%parallel_loop3A_247, %parallel_loop3A_248] {strides = array<i32>} : memref<2x96xi32, #tpu.memory_space<vmem>>, vector<16xi32>,
        %parallel_loop3A_250 = tpu.vector_load_idx %arg8[%parallel_loop3A_249] : memref<10000xf32, #tpu.memory_space<vmem>>[vector<16xi32>], vector<16xf32>,
        %parallel_loop3A_251 = tpu.vector_load_idx %arg9[%parallel_loop3A_243] : memref<10000xf32, #tpu.memory_space<vmem>>[vector<16xi32>], vector<16xf32>,
        %parallel_loop3A_252 = arith.addf %parallel_loop3A_250, %parallel_loop3A_251 : vector<16xf32>
        %parallel_loop3A_253 = math.absf %parallel_loop3A_252 : vector<16xf32>
        %parallel_loop3A_254 = arith.constant -2.000000e+00 : f32
        %parallel_loop3A_255 = vector.broadcast %parallel_loop3A_254 : f32 to vector<16xf32>
        %parallel_loop3A_256 = arith.mulf %parallel_loop3A_253, %parallel_loop3A_255 : vector<16xf32>
        %parallel_loop3A_257 = math.exp %parallel_loop3A_256 : vector<16xf32>
        %parallel_loop3A_258 = arith.constant 1.000000e+00 : f32
        %parallel_loop3A_259 = vector.broadcast %parallel_loop3A_258 : f32 to vector<16xf32>
        %parallel_loop3A_260 = arith.subf %parallel_loop3A_259, %parallel_loop3A_257 : vector<16xf32>
        %parallel_loop3A_261 = arith.constant 1.000000e+00 : f32
        %parallel_loop3A_262 = vector.broadcast %parallel_loop3A_261 : f32 to vector<16xf32>
        %parallel_loop3A_263 = arith.addf %parallel_loop3A_262, %parallel_loop3A_257 : vector<16xf32>
        %parallel_loop3A_264 = arith.divf %parallel_loop3A_260, %parallel_loop3A_263 : vector<16xf32>
        %parallel_loop3A_265 = arith.constant 0.000000e+00 : f32
        %parallel_loop3A_266 = vector.broadcast %parallel_loop3A_265 : f32 to vector<16xf32>
        %parallel_loop3A_267 = arith.cmpf olt, %parallel_loop3A_252, %parallel_loop3A_266 : vector<16xf32>
        %parallel_loop3A_268 = arith.constant 0.000000e+00 : f32
        %parallel_loop3A_269 = vector.broadcast %parallel_loop3A_268 : f32 to vector<16xf32>
        %parallel_loop3A_270 = arith.subf %parallel_loop3A_269, %parallel_loop3A_264 : vector<16xf32>
        %parallel_loop3A_271 = arith.select %parallel_loop3A_267, %parallel_loop3A_270, %parallel_loop3A_264 : vector<16xi1>, vector<16xf32>
        %parallel_loop3A_272 = arith.constant 16 : i32
        %parallel_loop3A_273 = arith.muli %parallel_loop3A_237, %parallel_loop3A_272 : i32
        %parallel_loop3A_274 = arith.addi %mul3A_114, %parallel_loop3A_273 : i32
        %parallel_loop3A_275 = tpu.iota {dimensions = array<i32: 0>} : vector<16xi32>
        %parallel_loop3A_276 = vector.broadcast %parallel_loop3A_274 : i32 to vector<16xi32>
        %parallel_loop3A_277 = arith.addi %parallel_loop3A_276, %parallel_loop3A_275 : vector<16xi32>
        %parallel_loop3A_278 = arith.constant 320000 : i32
        %parallel_loop3A_279 = vector.broadcast %parallel_loop3A_278 : i32 to vector<16xi32>
        %parallel_loop3A_280 = arith.cmpi slt, %parallel_loop3A_277, %parallel_loop3A_279 : vector<16xi32>
        %parallel_loop3A_281 = arith.constant 0.000000e+00 : f32
        %parallel_loop3A_282 = vector.broadcast %parallel_loop3A_281 : f32 to vector<16xf32>
        %parallel_loop3A_283 = arith.select %parallel_loop3A_280, %parallel_loop3A_271, %parallel_loop3A_282 : vector<16xi1>, vector<16xf32>
        %parallel_loop3A_284 = arith.constant 16 : i32
        %parallel_loop3A_285 = arith.muli %parallel_loop3A_237, %parallel_loop3A_284 : i32
        %parallel_loop3A_286 = arith.index_cast %parallel_loop3A_285 : i32 to index
        %parallel_loop3A_287 = tpu.vector_load %arg15[%parallel_loop3A_286] {strides = array<i32>} : memref<96xf32, #tpu.memory_space<vmem>>, vector<16xf32>,
        tpu.vector_store %arg15[%parallel_loop3A_286], %parallel_loop3A_283 {strides = array<i32>} : memref<96xf32, #tpu.memory_space<vmem>>, vector<16xf32>,
      } {sc.loop_unroll_factor = 2 : i64, sc.parallel_access}
      %dma_wait3A_118 = arith.constant 0 : i32
      %dma_wait3A_119 = arith.constant 0 : i32
      %dma_wait3A_120 = tpu.memref_slice %arg12[%dma_wait3A_118, %dma_wait3A_119] : memref<2x96xi32, #tpu.memory_space<vmem>> -> memref<1x96xi32, #tpu.memory_space<vmem>>
      %dma_wait3A_121 = tpu.memref_squeeze %dma_wait3A_120 : memref<1x96xi32, #tpu.memory_space<vmem>> -> memref<96xi32, #tpu.memory_space<vmem>>
      %dma_wait3A_122 = arith.constant 0 : i32
      %dma_wait3A_123 = arith.constant 0 : i32
      %dma_wait3A_124 = tpu.memref_slice %arg2[%dma_wait3A_122, %dma_wait3A_123] : memref<10000x128xf32, #tpu.memory_space<hbm>> -> memref<10000x128xf32, #tpu.memory_space<hbm>>
      tpu.wait_indirect_dma semaphore(%arg20 : memref<!tpu.dma_semaphore, #tpu.memory_space<semaphore_mem>>) src(%dma_wait3A_124 : memref<10000x128xf32, #tpu.memory_space<hbm>>) dst(%arg13 : memref<96x128xf32, #tpu.memory_space<vmem>>)
      %parallel_loop3A_125 = arith.constant 0 : i32
      %parallel_loop3A_126 = arith.constant 96 : i32
      %parallel_loop3A_127 = arith.constant 1 : i32
      scf.for %parallel_loop3A_237 = %parallel_loop3A_125 to %parallel_loop3A_126 step %parallel_loop3A_127  : i32 {
        %parallel_loop3A_238 = vector.broadcast %parallel_loop3A_237 : i32 to vector<16xi32>
        %parallel_loop3A_239 = tpu.vector_load_idx %arg15[%parallel_loop3A_238] : memref<96xf32, #tpu.memory_space<vmem>>[vector<16xi32>], vector<16xf32>,
        %parallel_loop3A_240 = arith.index_cast %parallel_loop3A_237 : i32 to index
        %parallel_loop3A_241 = arith.constant 0 : index
        %parallel_loop3A_242 = tpu.vector_load %arg13[%parallel_loop3A_240, %parallel_loop3A_241] {strides = array<i32>} : memref<96x128xf32, #tpu.memory_space<vmem>>, vector<16xf32>,
        %parallel_loop3A_243 = arith.mulf %parallel_loop3A_242, %parallel_loop3A_239 : vector<16xf32>
        %parallel_loop3A_244 = arith.index_cast %parallel_loop3A_237 : i32 to index
        %parallel_loop3A_245 = arith.constant 0 : index
        %parallel_loop3A_246 = tpu.vector_load %arg13[%parallel_loop3A_244, %parallel_loop3A_245] {strides = array<i32>} : memref<96x128xf32, #tpu.memory_space<vmem>>, vector<16xf32>,
        tpu.vector_store %arg13[%parallel_loop3A_244, %parallel_loop3A_245], %parallel_loop3A_243 {strides = array<i32>} : memref<96x128xf32, #tpu.memory_space<vmem>>, vector<16xf32>,
        %parallel_loop3A_247 = arith.index_cast %parallel_loop3A_237 : i32 to index
        %parallel_loop3A_248 = arith.constant 16 : index
        %parallel_loop3A_249 = tpu.vector_load %arg13[%parallel_loop3A_247, %parallel_loop3A_248] {strides = array<i32>} : memref<96x128xf32, #tpu.memory_space<vmem>>, vector<16xf32>,
        %parallel_loop3A_250 = arith.mulf %parallel_loop3A_249, %parallel_loop3A_239 : vector<16xf32>
        %parallel_loop3A_251 = arith.index_cast %parallel_loop3A_237 : i32 to index
        %parallel_loop3A_252 = arith.constant 16 : index
        %parallel_loop3A_253 = tpu.vector_load %arg13[%parallel_loop3A_251, %parallel_loop3A_252] {strides = array<i32>} : memref<96x128xf32, #tpu.memory_space<vmem>>, vector<16xf32>,
        tpu.vector_store %arg13[%parallel_loop3A_251, %parallel_loop3A_252], %parallel_loop3A_250 {strides = array<i32>} : memref<96x128xf32, #tpu.memory_space<vmem>>, vector<16xf32>,
        %parallel_loop3A_254 = arith.index_cast %parallel_loop3A_237 : i32 to index
        %parallel_loop3A_255 = arith.constant 32 : index
        %parallel_loop3A_256 = tpu.vector_load %arg13[%parallel_loop3A_254, %parallel_loop3A_255] {strides = array<i32>} : memref<96x128xf32, #tpu.memory_space<vmem>>, vector<16xf32>,
        %parallel_loop3A_257 = arith.mulf %parallel_loop3A_256, %parallel_loop3A_239 : vector<16xf32>
        %parallel_loop3A_258 = arith.index_cast %parallel_loop3A_237 : i32 to index
        %parallel_loop3A_259 = arith.constant 32 : index
        %parallel_loop3A_260 = tpu.vector_load %arg13[%parallel_loop3A_258, %parallel_loop3A_259] {strides = array<i32>} : memref<96x128xf32, #tpu.memory_space<vmem>>, vector<16xf32>,
        tpu.vector_store %arg13[%parallel_loop3A_258, %parallel_loop3A_259], %parallel_loop3A_257 {strides = array<i32>} : memref<96x128xf32, #tpu.memory_space<vmem>>, vector<16xf32>,
        %parallel_loop3A_261 = arith.index_cast %parallel_loop3A_237 : i32 to index
        %parallel_loop3A_262 = arith.constant 48 : index
        %parallel_loop3A_263 = tpu.vector_load %arg13[%parallel_loop3A_261, %parallel_loop3A_262] {strides = array<i32>} : memref<96x128xf32, #tpu.memory_space<vmem>>, vector<16xf32>,
        %parallel_loop3A_264 = arith.mulf %parallel_loop3A_263, %parallel_loop3A_239 : vector<16xf32>
        %parallel_loop3A_265 = arith.index_cast %parallel_loop3A_237 : i32 to index
        %parallel_loop3A_266 = arith.constant 48 : index
        %parallel_loop3A_267 = tpu.vector_load %arg13[%parallel_loop3A_265, %parallel_loop3A_266] {strides = array<i32>} : memref<96x128xf32, #tpu.memory_space<vmem>>, vector<16xf32>,
        tpu.vector_store %arg13[%parallel_loop3A_265, %parallel_loop3A_266], %parallel_loop3A_264 {strides = array<i32>} : memref<96x128xf32, #tpu.memory_space<vmem>>, vector<16xf32>,
        %parallel_loop3A_268 = arith.index_cast %parallel_loop3A_237 : i32 to index
        %parallel_loop3A_269 = arith.constant 64 : index
        %parallel_loop3A_270 = tpu.vector_load %arg13[%parallel_loop3A_268, %parallel_loop3A_269] {strides = array<i32>} : memref<96x128xf32, #tpu.memory_space<vmem>>, vector<16xf32>,
        %parallel_loop3A_271 = arith.mulf %parallel_loop3A_270, %parallel_loop3A_239 : vector<16xf32>
        %parallel_loop3A_272 = arith.index_cast %parallel_loop3A_237 : i32 to index
        %parallel_loop3A_273 = arith.constant 64 : index
        %parallel_loop3A_274 = tpu.vector_load %arg13[%parallel_loop3A_272, %parallel_loop3A_273] {strides = array<i32>} : memref<96x128xf32, #tpu.memory_space<vmem>>, vector<16xf32>,
        tpu.vector_store %arg13[%parallel_loop3A_272, %parallel_loop3A_273], %parallel_loop3A_271 {strides = array<i32>} : memref<96x128xf32, #tpu.memory_space<vmem>>, vector<16xf32>,
        %parallel_loop3A_275 = arith.index_cast %parallel_loop3A_237 : i32 to index
        %parallel_loop3A_276 = arith.constant 80 : index
        %parallel_loop3A_277 = tpu.vector_load %arg13[%parallel_loop3A_275, %parallel_loop3A_276] {strides = array<i32>} : memref<96x128xf32, #tpu.memory_space<vmem>>, vector<16xf32>,
        %parallel_loop3A_278 = arith.mulf %parallel_loop3A_277, %parallel_loop3A_239 : vector<16xf32>
        %parallel_loop3A_279 = arith.index_cast %parallel_loop3A_237 : i32 to index
        %parallel_loop3A_280 = arith.constant 80 : index
        %parallel_loop3A_281 = tpu.vector_load %arg13[%parallel_loop3A_279, %parallel_loop3A_280] {strides = array<i32>} : memref<96x128xf32, #tpu.memory_space<vmem>>, vector<16xf32>,
        tpu.vector_store %arg13[%parallel_loop3A_279, %parallel_loop3A_280], %parallel_loop3A_278 {strides = array<i32>} : memref<96x128xf32, #tpu.memory_space<vmem>>, vector<16xf32>,
        %parallel_loop3A_282 = arith.index_cast %parallel_loop3A_237 : i32 to index
        %parallel_loop3A_283 = arith.constant 96 : index
        %parallel_loop3A_284 = tpu.vector_load %arg13[%parallel_loop3A_282, %parallel_loop3A_283] {strides = array<i32>} : memref<96x128xf32, #tpu.memory_space<vmem>>, vector<16xf32>,
        %parallel_loop3A_285 = arith.mulf %parallel_loop3A_284, %parallel_loop3A_239 : vector<16xf32>
        %parallel_loop3A_286 = arith.index_cast %parallel_loop3A_237 : i32 to index
        %parallel_loop3A_287 = arith.constant 96 : index
        %parallel_loop3A_288 = tpu.vector_load %arg13[%parallel_loop3A_286, %parallel_loop3A_287] {strides = array<i32>} : memref<96x128xf32, #tpu.memory_space<vmem>>, vector<16xf32>,
        tpu.vector_store %arg13[%parallel_loop3A_286, %parallel_loop3A_287], %parallel_loop3A_285 {strides = array<i32>} : memref<96x128xf32, #tpu.memory_space<vmem>>, vector<16xf32>,
        %parallel_loop3A_289 = arith.index_cast %parallel_loop3A_237 : i32 to index
        %parallel_loop3A_290 = arith.constant 112 : index
        %parallel_loop3A_291 = tpu.vector_load %arg13[%parallel_loop3A_289, %parallel_loop3A_290] {strides = array<i32>} : memref<96x128xf32, #tpu.memory_space<vmem>>, vector<16xf32>,
        %parallel_loop3A_292 = arith.mulf %parallel_loop3A_291, %parallel_loop3A_239 : vector<16xf32>
        %parallel_loop3A_293 = arith.index_cast %parallel_loop3A_237 : i32 to index
        %parallel_loop3A_294 = arith.constant 112 : index
        %parallel_loop3A_295 = tpu.vector_load %arg13[%parallel_loop3A_293, %parallel_loop3A_294] {strides = array<i32>} : memref<96x128xf32, #tpu.memory_space<vmem>>, vector<16xf32>,
        tpu.vector_store %arg13[%parallel_loop3A_293, %parallel_loop3A_294], %parallel_loop3A_292 {strides = array<i32>} : memref<96x128xf32, #tpu.memory_space<vmem>>, vector<16xf32>,
      } {sc.loop_unroll_factor = 2 : i64, sc.parallel_access}
      %dma_start3A_128 = arith.constant 1 : i32
      %dma_start3A_129 = arith.constant 0 : i32
      %dma_start3A_130 = tpu.memref_slice %arg12[%dma_start3A_128, %dma_start3A_129] : memref<2x96xi32, #tpu.memory_space<vmem>> -> memref<1x96xi32, #tpu.memory_space<vmem>>
      %dma_start3A_131 = tpu.memref_squeeze %dma_start3A_130 : memref<1x96xi32, #tpu.memory_space<vmem>> -> memref<96xi32, #tpu.memory_space<vmem>>
      %dma_start3A_132 = arith.constant 0 : i32
      %dma_start3A_133 = arith.constant 0 : i32
      %dma_start3A_134 = tpu.memref_slice %arg16[%dma_start3A_132, %dma_start3A_133] : memref<10240x128xf32, #tpu.memory_space<vmem_shared>> -> memref<10240x128xf32, #tpu.memory_space<vmem_shared>>
      tpu.enqueue_indirect_dma source(%arg13 : memref<96x128xf32, #tpu.memory_space<vmem>>) target(%dma_start3A_134 : memref<10240x128xf32, #tpu.memory_space<vmem_shared>>) offsets(%dma_start3A_131 : memref<96xi32, #tpu.memory_space<vmem>>) semaphore(%arg22 : memref<!tpu.dma_semaphore, #tpu.memory_space<semaphore_mem>>) {add = true}
      %mul3A_135 = arith.constant 6 : i32
      %mul3A_136 = arith.muli %mul3A_135, %scan3A_36 : i32
      %add3A_137 = arith.constant 3 : i32
      %add3A_138 = arith.addi %mul3A_136, %add3A_137 : i32
      %add3A_139 = arith.constant 1 : i32
      %add3A_140 = arith.addi %add3A_138, %add3A_139 : i32
      %lt3A_141 = arith.constant 108 : i32
      %lt3A_142 = arith.cmpi slt, %add3A_140, %lt3A_141 : i32
      %convert_element_type3A_143 = arith.extui %lt3A_142 : i1 to i32
      %cond3A_144 = arith.constant 0 : i32
      %cond3A_145 = arith.cmpi ne, %convert_element_type3A_143, %cond3A_144 : i32
      scf.if %cond3A_145 {
        %ge3A = arith.constant 1 : i32
        %ge3A_237 = arith.cmpi sge, %add3A_138, %ge3A : i32
        %convert_element_type3A_238 = arith.extui %ge3A_237 : i1 to i32
        %cond3A_239 = arith.constant 0 : i32
        %cond3A_240 = arith.cmpi ne, %convert_element_type3A_238, %cond3A_239 : i32
        scf.if %cond3A_240 {
          %dma_wait3A_251 = arith.constant 1 : i32
          %dma_wait3A_252 = arith.constant 0 : i32
          %dma_wait3A_253 = tpu.memref_slice %arg12[%dma_wait3A_251, %dma_wait3A_252] : memref<2x96xi32, #tpu.memory_space<vmem>> -> memref<1x96xi32, #tpu.memory_space<vmem>>
          %dma_wait3A_254 = tpu.memref_squeeze %dma_wait3A_253 : memref<1x96xi32, #tpu.memory_space<vmem>> -> memref<96xi32, #tpu.memory_space<vmem>>
          %dma_wait3A_255 = arith.constant 0 : i32
          %dma_wait3A_256 = arith.constant 0 : i32
          %dma_wait3A_257 = tpu.memref_slice %arg16[%dma_wait3A_255, %dma_wait3A_256] : memref<10240x128xf32, #tpu.memory_space<vmem_shared>> -> memref<10240x128xf32, #tpu.memory_space<vmem_shared>>
          tpu.wait_indirect_dma semaphore(%arg22 : memref<!tpu.dma_semaphore, #tpu.memory_space<semaphore_mem>>) src(%arg13 : memref<96x128xf32, #tpu.memory_space<vmem>>) dst(%dma_wait3A_257 : memref<10240x128xf32, #tpu.memory_space<vmem_shared>>)
        } else {
        }
        %add3A_241 = arith.addi %mul3A_6, %add3A_138 : i32
        %add3A_242 = arith.constant 1 : i32
        %add3A_243 = arith.addi %add3A_241, %add3A_242 : i32
        "tpu.region"() ({
          %run_scoped3A = tpu.sem_alloc : memref<!tpu.dma_semaphore, #tpu.memory_space<semaphore_mem>>
          %dma_start3A_251 = arith.constant 0 : i32
          %dma_start3A_252 = arith.constant 0 : i32
          %dma_start3A_253 = tpu.memref_slice %arg3[%add3A_243, %dma_start3A_251, %dma_start3A_252] : memref<3456x2x96xi32, #tpu.memory_space<hbm>> -> memref<1x2x96xi32, #tpu.memory_space<hbm>>
          %dma_start3A_254 = tpu.memref_squeeze %dma_start3A_253 : memref<1x2x96xi32, #tpu.memory_space<hbm>> -> memref<2x96xi32, #tpu.memory_space<hbm>>
          %dma_start3A_255 = arith.constant 0 : i32
          %dma_start3A_256 = arith.constant 0 : i32
          %dma_start3A_257 = tpu.memref_slice %arg3[%add3A_243, %dma_start3A_255, %dma_start3A_256] : memref<3456x2x96xi32, #tpu.memory_space<hbm>> -> memref<1x2x96xi32, #tpu.memory_space<hbm>>
          %dma_start3A_258 = tpu.memref_squeeze %dma_start3A_257 : memref<1x2x96xi32, #tpu.memory_space<hbm>> -> memref<2x96xi32, #tpu.memory_space<hbm>>
          tpu.enqueue_dma source(%dma_start3A_258 : memref<2x96xi32, #tpu.memory_space<hbm>>) target(%arg11 : memref<2x96xi32, #tpu.memory_space<vmem>>) target_semaphore(%run_scoped3A : memref<!tpu.dma_semaphore, #tpu.memory_space<semaphore_mem>>)
          %dma_wait3A_259 = arith.constant 0 : i32
          %dma_wait3A_260 = arith.constant 0 : i32
          %dma_wait3A_261 = tpu.memref_slice %arg3[%add3A_243, %dma_wait3A_259, %dma_wait3A_260] : memref<3456x2x96xi32, #tpu.memory_space<hbm>> -> memref<1x2x96xi32, #tpu.memory_space<hbm>>
          %dma_wait3A_262 = tpu.memref_squeeze %dma_wait3A_261 : memref<1x2x96xi32, #tpu.memory_space<hbm>> -> memref<2x96xi32, #tpu.memory_space<hbm>>
          %dma_wait3A_263 = arith.constant 0 : i32
          %dma_wait3A_264 = arith.constant 0 : i32
          %dma_wait3A_265 = tpu.memref_slice %arg3[%add3A_243, %dma_wait3A_263, %dma_wait3A_264] : memref<3456x2x96xi32, #tpu.memory_space<hbm>> -> memref<1x2x96xi32, #tpu.memory_space<hbm>>
          %dma_wait3A_266 = tpu.memref_squeeze %dma_wait3A_265 : memref<1x2x96xi32, #tpu.memory_space<hbm>> -> memref<2x96xi32, #tpu.memory_space<hbm>>
          tpu.wait_dma2 semaphore(%run_scoped3A : memref<!tpu.dma_semaphore, #tpu.memory_space<semaphore_mem>>) src(%dma_wait3A_266 : memref<2x96xi32, #tpu.memory_space<hbm>>) dst(%arg11 : memref<2x96xi32, #tpu.memory_space<vmem>>)
          tpu.yield
        }) : () -> ()
        %dma_start3A_244 = arith.constant 0 : i32
        %dma_start3A_245 = arith.constant 0 : i32
        %dma_start3A_246 = tpu.memref_slice %arg11[%dma_start3A_244, %dma_start3A_245] : memref<2x96xi32, #tpu.memory_space<vmem>> -> memref<1x96xi32, #tpu.memory_space<vmem>>
        %dma_start3A_247 = tpu.memref_squeeze %dma_start3A_246 : memref<1x96xi32, #tpu.memory_space<vmem>> -> memref<96xi32, #tpu.memory_space<vmem>>
        %dma_start3A_248 = arith.constant 0 : i32
        %dma_start3A_249 = arith.constant 0 : i32
        %dma_start3A_250 = tpu.memref_slice %arg2[%dma_start3A_248, %dma_start3A_249] : memref<10000x128xf32, #tpu.memory_space<hbm>> -> memref<10000x128xf32, #tpu.memory_space<hbm>>
        tpu.enqueue_indirect_dma source(%dma_start3A_250 : memref<10000x128xf32, #tpu.memory_space<hbm>>) target(%arg13 : memref<96x128xf32, #tpu.memory_space<vmem>>) offsets(%dma_start3A_247 : memref<96xi32, #tpu.memory_space<vmem>>) semaphore(%arg20 : memref<!tpu.dma_semaphore, #tpu.memory_space<semaphore_mem>>)
      } else {
      }
      %add3A_146 = arith.addi %mul3A_6, %add3A_138 : i32
      %mul3A_147 = arith.constant 96 : i32
      %mul3A_148 = arith.muli %add3A_146, %mul3A_147 : i32
      %parallel_loop3A_149 = arith.constant 0 : i32
      %parallel_loop3A_150 = arith.constant 6 : i32
      %parallel_loop3A_151 = arith.constant 1 : i32
      scf.for %parallel_loop3A_237 = %parallel_loop3A_149 to %parallel_loop3A_150 step %parallel_loop3A_151  : i32 {
        %parallel_loop3A_238 = arith.constant 16 : i32
        %parallel_loop3A_239 = arith.muli %parallel_loop3A_237, %parallel_loop3A_238 : i32
        %parallel_loop3A_240 = arith.constant 0 : i32
        %parallel_loop3A_241 = arith.index_cast %parallel_loop3A_240 : i32 to index
        %parallel_loop3A_242 = arith.index_cast %parallel_loop3A_239 : i32 to index
        %parallel_loop3A_243 = tpu.vector_load %arg10[%parallel_loop3A_241, %parallel_loop3A_242] {strides = array<i32>} : memref<2x96xi32, #tpu.memory_space<vmem>>, vector<16xi32>,
        %parallel_loop3A_244 = arith.constant 16 : i32
        %parallel_loop3A_245 = arith.muli %parallel_loop3A_237, %parallel_loop3A_244 : i32
        %parallel_loop3A_246 = arith.constant 1 : i32
        %parallel_loop3A_247 = arith.index_cast %parallel_loop3A_246 : i32 to index
        %parallel_loop3A_248 = arith.index_cast %parallel_loop3A_245 : i32 to index
        %parallel_loop3A_249 = tpu.vector_load %arg10[%parallel_loop3A_247, %parallel_loop3A_248] {strides = array<i32>} : memref<2x96xi32, #tpu.memory_space<vmem>>, vector<16xi32>,
        %parallel_loop3A_250 = tpu.vector_load_idx %arg8[%parallel_loop3A_249] : memref<10000xf32, #tpu.memory_space<vmem>>[vector<16xi32>], vector<16xf32>,
        %parallel_loop3A_251 = tpu.vector_load_idx %arg9[%parallel_loop3A_243] : memref<10000xf32, #tpu.memory_space<vmem>>[vector<16xi32>], vector<16xf32>,
        %parallel_loop3A_252 = arith.addf %parallel_loop3A_250, %parallel_loop3A_251 : vector<16xf32>
        %parallel_loop3A_253 = math.absf %parallel_loop3A_252 : vector<16xf32>
        %parallel_loop3A_254 = arith.constant -2.000000e+00 : f32
        %parallel_loop3A_255 = vector.broadcast %parallel_loop3A_254 : f32 to vector<16xf32>
        %parallel_loop3A_256 = arith.mulf %parallel_loop3A_253, %parallel_loop3A_255 : vector<16xf32>
        %parallel_loop3A_257 = math.exp %parallel_loop3A_256 : vector<16xf32>
        %parallel_loop3A_258 = arith.constant 1.000000e+00 : f32
        %parallel_loop3A_259 = vector.broadcast %parallel_loop3A_258 : f32 to vector<16xf32>
        %parallel_loop3A_260 = arith.subf %parallel_loop3A_259, %parallel_loop3A_257 : vector<16xf32>
        %parallel_loop3A_261 = arith.constant 1.000000e+00 : f32
        %parallel_loop3A_262 = vector.broadcast %parallel_loop3A_261 : f32 to vector<16xf32>
        %parallel_loop3A_263 = arith.addf %parallel_loop3A_262, %parallel_loop3A_257 : vector<16xf32>
        %parallel_loop3A_264 = arith.divf %parallel_loop3A_260, %parallel_loop3A_263 : vector<16xf32>
        %parallel_loop3A_265 = arith.constant 0.000000e+00 : f32
        %parallel_loop3A_266 = vector.broadcast %parallel_loop3A_265 : f32 to vector<16xf32>
        %parallel_loop3A_267 = arith.cmpf olt, %parallel_loop3A_252, %parallel_loop3A_266 : vector<16xf32>
        %parallel_loop3A_268 = arith.constant 0.000000e+00 : f32
        %parallel_loop3A_269 = vector.broadcast %parallel_loop3A_268 : f32 to vector<16xf32>
        %parallel_loop3A_270 = arith.subf %parallel_loop3A_269, %parallel_loop3A_264 : vector<16xf32>
        %parallel_loop3A_271 = arith.select %parallel_loop3A_267, %parallel_loop3A_270, %parallel_loop3A_264 : vector<16xi1>, vector<16xf32>
        %parallel_loop3A_272 = arith.constant 16 : i32
        %parallel_loop3A_273 = arith.muli %parallel_loop3A_237, %parallel_loop3A_272 : i32
        %parallel_loop3A_274 = arith.addi %mul3A_148, %parallel_loop3A_273 : i32
        %parallel_loop3A_275 = tpu.iota {dimensions = array<i32: 0>} : vector<16xi32>
        %parallel_loop3A_276 = vector.broadcast %parallel_loop3A_274 : i32 to vector<16xi32>
        %parallel_loop3A_277 = arith.addi %parallel_loop3A_276, %parallel_loop3A_275 : vector<16xi32>
        %parallel_loop3A_278 = arith.constant 320000 : i32
        %parallel_loop3A_279 = vector.broadcast %parallel_loop3A_278 : i32 to vector<16xi32>
        %parallel_loop3A_280 = arith.cmpi slt, %parallel_loop3A_277, %parallel_loop3A_279 : vector<16xi32>
        %parallel_loop3A_281 = arith.constant 0.000000e+00 : f32
        %parallel_loop3A_282 = vector.broadcast %parallel_loop3A_281 : f32 to vector<16xf32>
        %parallel_loop3A_283 = arith.select %parallel_loop3A_280, %parallel_loop3A_271, %parallel_loop3A_282 : vector<16xi1>, vector<16xf32>
        %parallel_loop3A_284 = arith.constant 16 : i32
        %parallel_loop3A_285 = arith.muli %parallel_loop3A_237, %parallel_loop3A_284 : i32
        %parallel_loop3A_286 = arith.index_cast %parallel_loop3A_285 : i32 to index
        %parallel_loop3A_287 = tpu.vector_load %arg15[%parallel_loop3A_286] {strides = array<i32>} : memref<96xf32, #tpu.memory_space<vmem>>, vector<16xf32>,
        tpu.vector_store %arg15[%parallel_loop3A_286], %parallel_loop3A_283 {strides = array<i32>} : memref<96xf32, #tpu.memory_space<vmem>>, vector<16xf32>,
      } {sc.loop_unroll_factor = 2 : i64, sc.parallel_access}
      %dma_wait3A_152 = arith.constant 0 : i32
      %dma_wait3A_153 = arith.constant 0 : i32
      %dma_wait3A_154 = tpu.memref_slice %arg10[%dma_wait3A_152, %dma_wait3A_153] : memref<2x96xi32, #tpu.memory_space<vmem>> -> memref<1x96xi32, #tpu.memory_space<vmem>>
      %dma_wait3A_155 = tpu.memref_squeeze %dma_wait3A_154 : memref<1x96xi32, #tpu.memory_space<vmem>> -> memref<96xi32, #tpu.memory_space<vmem>>
      %dma_wait3A_156 = arith.constant 0 : i32
      %dma_wait3A_157 = arith.constant 0 : i32
      %dma_wait3A_158 = tpu.memref_slice %arg2[%dma_wait3A_156, %dma_wait3A_157] : memref<10000x128xf32, #tpu.memory_space<hbm>> -> memref<10000x128xf32, #tpu.memory_space<hbm>>
      tpu.wait_indirect_dma semaphore(%arg21 : memref<!tpu.dma_semaphore, #tpu.memory_space<semaphore_mem>>) src(%dma_wait3A_158 : memref<10000x128xf32, #tpu.memory_space<hbm>>) dst(%arg14 : memref<96x128xf32, #tpu.memory_space<vmem>>)
      %parallel_loop3A_159 = arith.constant 0 : i32
      %parallel_loop3A_160 = arith.constant 96 : i32
      %parallel_loop3A_161 = arith.constant 1 : i32
      scf.for %parallel_loop3A_237 = %parallel_loop3A_159 to %parallel_loop3A_160 step %parallel_loop3A_161  : i32 {
        %parallel_loop3A_238 = vector.broadcast %parallel_loop3A_237 : i32 to vector<16xi32>
        %parallel_loop3A_239 = tpu.vector_load_idx %arg15[%parallel_loop3A_238] : memref<96xf32, #tpu.memory_space<vmem>>[vector<16xi32>], vector<16xf32>,
        %parallel_loop3A_240 = arith.index_cast %parallel_loop3A_237 : i32 to index
        %parallel_loop3A_241 = arith.constant 0 : index
        %parallel_loop3A_242 = tpu.vector_load %arg14[%parallel_loop3A_240, %parallel_loop3A_241] {strides = array<i32>} : memref<96x128xf32, #tpu.memory_space<vmem>>, vector<16xf32>,
        %parallel_loop3A_243 = arith.mulf %parallel_loop3A_242, %parallel_loop3A_239 : vector<16xf32>
        %parallel_loop3A_244 = arith.index_cast %parallel_loop3A_237 : i32 to index
        %parallel_loop3A_245 = arith.constant 0 : index
        %parallel_loop3A_246 = tpu.vector_load %arg14[%parallel_loop3A_244, %parallel_loop3A_245] {strides = array<i32>} : memref<96x128xf32, #tpu.memory_space<vmem>>, vector<16xf32>,
        tpu.vector_store %arg14[%parallel_loop3A_244, %parallel_loop3A_245], %parallel_loop3A_243 {strides = array<i32>} : memref<96x128xf32, #tpu.memory_space<vmem>>, vector<16xf32>,
        %parallel_loop3A_247 = arith.index_cast %parallel_loop3A_237 : i32 to index
        %parallel_loop3A_248 = arith.constant 16 : index
        %parallel_loop3A_249 = tpu.vector_load %arg14[%parallel_loop3A_247, %parallel_loop3A_248] {strides = array<i32>} : memref<96x128xf32, #tpu.memory_space<vmem>>, vector<16xf32>,
        %parallel_loop3A_250 = arith.mulf %parallel_loop3A_249, %parallel_loop3A_239 : vector<16xf32>
        %parallel_loop3A_251 = arith.index_cast %parallel_loop3A_237 : i32 to index
        %parallel_loop3A_252 = arith.constant 16 : index
        %parallel_loop3A_253 = tpu.vector_load %arg14[%parallel_loop3A_251, %parallel_loop3A_252] {strides = array<i32>} : memref<96x128xf32, #tpu.memory_space<vmem>>, vector<16xf32>,
        tpu.vector_store %arg14[%parallel_loop3A_251, %parallel_loop3A_252], %parallel_loop3A_250 {strides = array<i32>} : memref<96x128xf32, #tpu.memory_space<vmem>>, vector<16xf32>,
        %parallel_loop3A_254 = arith.index_cast %parallel_loop3A_237 : i32 to index
        %parallel_loop3A_255 = arith.constant 32 : index
        %parallel_loop3A_256 = tpu.vector_load %arg14[%parallel_loop3A_254, %parallel_loop3A_255] {strides = array<i32>} : memref<96x128xf32, #tpu.memory_space<vmem>>, vector<16xf32>,
        %parallel_loop3A_257 = arith.mulf %parallel_loop3A_256, %parallel_loop3A_239 : vector<16xf32>
        %parallel_loop3A_258 = arith.index_cast %parallel_loop3A_237 : i32 to index
        %parallel_loop3A_259 = arith.constant 32 : index
        %parallel_loop3A_260 = tpu.vector_load %arg14[%parallel_loop3A_258, %parallel_loop3A_259] {strides = array<i32>} : memref<96x128xf32, #tpu.memory_space<vmem>>, vector<16xf32>,
        tpu.vector_store %arg14[%parallel_loop3A_258, %parallel_loop3A_259], %parallel_loop3A_257 {strides = array<i32>} : memref<96x128xf32, #tpu.memory_space<vmem>>, vector<16xf32>,
        %parallel_loop3A_261 = arith.index_cast %parallel_loop3A_237 : i32 to index
        %parallel_loop3A_262 = arith.constant 48 : index
        %parallel_loop3A_263 = tpu.vector_load %arg14[%parallel_loop3A_261, %parallel_loop3A_262] {strides = array<i32>} : memref<96x128xf32, #tpu.memory_space<vmem>>, vector<16xf32>,
        %parallel_loop3A_264 = arith.mulf %parallel_loop3A_263, %parallel_loop3A_239 : vector<16xf32>
        %parallel_loop3A_265 = arith.index_cast %parallel_loop3A_237 : i32 to index
        %parallel_loop3A_266 = arith.constant 48 : index
        %parallel_loop3A_267 = tpu.vector_load %arg14[%parallel_loop3A_265, %parallel_loop3A_266] {strides = array<i32>} : memref<96x128xf32, #tpu.memory_space<vmem>>, vector<16xf32>,
        tpu.vector_store %arg14[%parallel_loop3A_265, %parallel_loop3A_266], %parallel_loop3A_264 {strides = array<i32>} : memref<96x128xf32, #tpu.memory_space<vmem>>, vector<16xf32>,
        %parallel_loop3A_268 = arith.index_cast %parallel_loop3A_237 : i32 to index
        %parallel_loop3A_269 = arith.constant 64 : index
        %parallel_loop3A_270 = tpu.vector_load %arg14[%parallel_loop3A_268, %parallel_loop3A_269] {strides = array<i32>} : memref<96x128xf32, #tpu.memory_space<vmem>>, vector<16xf32>,
        %parallel_loop3A_271 = arith.mulf %parallel_loop3A_270, %parallel_loop3A_239 : vector<16xf32>
        %parallel_loop3A_272 = arith.index_cast %parallel_loop3A_237 : i32 to index
        %parallel_loop3A_273 = arith.constant 64 : index
        %parallel_loop3A_274 = tpu.vector_load %arg14[%parallel_loop3A_272, %parallel_loop3A_273] {strides = array<i32>} : memref<96x128xf32, #tpu.memory_space<vmem>>, vector<16xf32>,
        tpu.vector_store %arg14[%parallel_loop3A_272, %parallel_loop3A_273], %parallel_loop3A_271 {strides = array<i32>} : memref<96x128xf32, #tpu.memory_space<vmem>>, vector<16xf32>,
        %parallel_loop3A_275 = arith.index_cast %parallel_loop3A_237 : i32 to index
        %parallel_loop3A_276 = arith.constant 80 : index
        %parallel_loop3A_277 = tpu.vector_load %arg14[%parallel_loop3A_275, %parallel_loop3A_276] {strides = array<i32>} : memref<96x128xf32, #tpu.memory_space<vmem>>, vector<16xf32>,
        %parallel_loop3A_278 = arith.mulf %parallel_loop3A_277, %parallel_loop3A_239 : vector<16xf32>
        %parallel_loop3A_279 = arith.index_cast %parallel_loop3A_237 : i32 to index
        %parallel_loop3A_280 = arith.constant 80 : index
        %parallel_loop3A_281 = tpu.vector_load %arg14[%parallel_loop3A_279, %parallel_loop3A_280] {strides = array<i32>} : memref<96x128xf32, #tpu.memory_space<vmem>>, vector<16xf32>,
        tpu.vector_store %arg14[%parallel_loop3A_279, %parallel_loop3A_280], %parallel_loop3A_278 {strides = array<i32>} : memref<96x128xf32, #tpu.memory_space<vmem>>, vector<16xf32>,
        %parallel_loop3A_282 = arith.index_cast %parallel_loop3A_237 : i32 to index
        %parallel_loop3A_283 = arith.constant 96 : index
        %parallel_loop3A_284 = tpu.vector_load %arg14[%parallel_loop3A_282, %parallel_loop3A_283] {strides = array<i32>} : memref<96x128xf32, #tpu.memory_space<vmem>>, vector<16xf32>,
        %parallel_loop3A_285 = arith.mulf %parallel_loop3A_284, %parallel_loop3A_239 : vector<16xf32>
        %parallel_loop3A_286 = arith.index_cast %parallel_loop3A_237 : i32 to index
        %parallel_loop3A_287 = arith.constant 96 : index
        %parallel_loop3A_288 = tpu.vector_load %arg14[%parallel_loop3A_286, %parallel_loop3A_287] {strides = array<i32>} : memref<96x128xf32, #tpu.memory_space<vmem>>, vector<16xf32>,
        tpu.vector_store %arg14[%parallel_loop3A_286, %parallel_loop3A_287], %parallel_loop3A_285 {strides = array<i32>} : memref<96x128xf32, #tpu.memory_space<vmem>>, vector<16xf32>,
        %parallel_loop3A_289 = arith.index_cast %parallel_loop3A_237 : i32 to index
        %parallel_loop3A_290 = arith.constant 112 : index
        %parallel_loop3A_291 = tpu.vector_load %arg14[%parallel_loop3A_289, %parallel_loop3A_290] {strides = array<i32>} : memref<96x128xf32, #tpu.memory_space<vmem>>, vector<16xf32>,
        %parallel_loop3A_292 = arith.mulf %parallel_loop3A_291, %parallel_loop3A_239 : vector<16xf32>
        %parallel_loop3A_293 = arith.index_cast %parallel_loop3A_237 : i32 to index
        %parallel_loop3A_294 = arith.constant 112 : index
        %parallel_loop3A_295 = tpu.vector_load %arg14[%parallel_loop3A_293, %parallel_loop3A_294] {strides = array<i32>} : memref<96x128xf32, #tpu.memory_space<vmem>>, vector<16xf32>,
        tpu.vector_store %arg14[%parallel_loop3A_293, %parallel_loop3A_294], %parallel_loop3A_292 {strides = array<i32>} : memref<96x128xf32, #tpu.memory_space<vmem>>, vector<16xf32>,
      } {sc.loop_unroll_factor = 2 : i64, sc.parallel_access}
      %dma_start3A_162 = arith.constant 1 : i32
      %dma_start3A_163 = arith.constant 0 : i32
      %dma_start3A_164 = tpu.memref_slice %arg10[%dma_start3A_162, %dma_start3A_163] : memref<2x96xi32, #tpu.memory_space<vmem>> -> memref<1x96xi32, #tpu.memory_space<vmem>>
      %dma_start3A_165 = tpu.memref_squeeze %dma_start3A_164 : memref<1x96xi32, #tpu.memory_space<vmem>> -> memref<96xi32, #tpu.memory_space<vmem>>
      %dma_start3A_166 = arith.constant 0 : i32
      %dma_start3A_167 = arith.constant 0 : i32
      %dma_start3A_168 = tpu.memref_slice %arg16[%dma_start3A_166, %dma_start3A_167] : memref<10240x128xf32, #tpu.memory_space<vmem_shared>> -> memref<10240x128xf32, #tpu.memory_space<vmem_shared>>
      tpu.enqueue_indirect_dma source(%arg14 : memref<96x128xf32, #tpu.memory_space<vmem>>) target(%dma_start3A_168 : memref<10240x128xf32, #tpu.memory_space<vmem_shared>>) offsets(%dma_start3A_165 : memref<96xi32, #tpu.memory_space<vmem>>) semaphore(%arg23 : memref<!tpu.dma_semaphore, #tpu.memory_space<semaphore_mem>>) {add = true}
      %mul3A_169 = arith.constant 6 : i32
      %mul3A_170 = arith.muli %mul3A_169, %scan3A_36 : i32
      %add3A_171 = arith.constant 4 : i32
      %add3A_172 = arith.addi %mul3A_170, %add3A_171 : i32
      %add3A_173 = arith.constant 1 : i32
      %add3A_174 = arith.addi %add3A_172, %add3A_173 : i32
      %lt3A_175 = arith.constant 108 : i32
      %lt3A_176 = arith.cmpi slt, %add3A_174, %lt3A_175 : i32
      %convert_element_type3A_177 = arith.extui %lt3A_176 : i1 to i32
      %cond3A_178 = arith.constant 0 : i32
      %cond3A_179 = arith.cmpi ne, %convert_element_type3A_177, %cond3A_178 : i32
      scf.if %cond3A_179 {
        %ge3A = arith.constant 1 : i32
        %ge3A_237 = arith.cmpi sge, %add3A_172, %ge3A : i32
        %convert_element_type3A_238 = arith.extui %ge3A_237 : i1 to i32
        %cond3A_239 = arith.constant 0 : i32
        %cond3A_240 = arith.cmpi ne, %convert_element_type3A_238, %cond3A_239 : i32
        scf.if %cond3A_240 {
          %dma_wait3A_251 = arith.constant 1 : i32
          %dma_wait3A_252 = arith.constant 0 : i32
          %dma_wait3A_253 = tpu.memref_slice %arg10[%dma_wait3A_251, %dma_wait3A_252] : memref<2x96xi32, #tpu.memory_space<vmem>> -> memref<1x96xi32, #tpu.memory_space<vmem>>
          %dma_wait3A_254 = tpu.memref_squeeze %dma_wait3A_253 : memref<1x96xi32, #tpu.memory_space<vmem>> -> memref<96xi32, #tpu.memory_space<vmem>>
          %dma_wait3A_255 = arith.constant 0 : i32
          %dma_wait3A_256 = arith.constant 0 : i32
          %dma_wait3A_257 = tpu.memref_slice %arg16[%dma_wait3A_255, %dma_wait3A_256] : memref<10240x128xf32, #tpu.memory_space<vmem_shared>> -> memref<10240x128xf32, #tpu.memory_space<vmem_shared>>
          tpu.wait_indirect_dma semaphore(%arg23 : memref<!tpu.dma_semaphore, #tpu.memory_space<semaphore_mem>>) src(%arg14 : memref<96x128xf32, #tpu.memory_space<vmem>>) dst(%dma_wait3A_257 : memref<10240x128xf32, #tpu.memory_space<vmem_shared>>)
        } else {
        }
        %add3A_241 = arith.addi %mul3A_6, %add3A_172 : i32
        %add3A_242 = arith.constant 1 : i32
        %add3A_243 = arith.addi %add3A_241, %add3A_242 : i32
        "tpu.region"() ({
          %run_scoped3A = tpu.sem_alloc : memref<!tpu.dma_semaphore, #tpu.memory_space<semaphore_mem>>
          %dma_start3A_251 = arith.constant 0 : i32
          %dma_start3A_252 = arith.constant 0 : i32
          %dma_start3A_253 = tpu.memref_slice %arg3[%add3A_243, %dma_start3A_251, %dma_start3A_252] : memref<3456x2x96xi32, #tpu.memory_space<hbm>> -> memref<1x2x96xi32, #tpu.memory_space<hbm>>
          %dma_start3A_254 = tpu.memref_squeeze %dma_start3A_253 : memref<1x2x96xi32, #tpu.memory_space<hbm>> -> memref<2x96xi32, #tpu.memory_space<hbm>>
          %dma_start3A_255 = arith.constant 0 : i32
          %dma_start3A_256 = arith.constant 0 : i32
          %dma_start3A_257 = tpu.memref_slice %arg3[%add3A_243, %dma_start3A_255, %dma_start3A_256] : memref<3456x2x96xi32, #tpu.memory_space<hbm>> -> memref<1x2x96xi32, #tpu.memory_space<hbm>>
          %dma_start3A_258 = tpu.memref_squeeze %dma_start3A_257 : memref<1x2x96xi32, #tpu.memory_space<hbm>> -> memref<2x96xi32, #tpu.memory_space<hbm>>
          tpu.enqueue_dma source(%dma_start3A_258 : memref<2x96xi32, #tpu.memory_space<hbm>>) target(%arg12 : memref<2x96xi32, #tpu.memory_space<vmem>>) target_semaphore(%run_scoped3A : memref<!tpu.dma_semaphore, #tpu.memory_space<semaphore_mem>>)
          %dma_wait3A_259 = arith.constant 0 : i32
          %dma_wait3A_260 = arith.constant 0 : i32
          %dma_wait3A_261 = tpu.memref_slice %arg3[%add3A_243, %dma_wait3A_259, %dma_wait3A_260] : memref<3456x2x96xi32, #tpu.memory_space<hbm>> -> memref<1x2x96xi32, #tpu.memory_space<hbm>>
          %dma_wait3A_262 = tpu.memref_squeeze %dma_wait3A_261 : memref<1x2x96xi32, #tpu.memory_space<hbm>> -> memref<2x96xi32, #tpu.memory_space<hbm>>
          %dma_wait3A_263 = arith.constant 0 : i32
          %dma_wait3A_264 = arith.constant 0 : i32
          %dma_wait3A_265 = tpu.memref_slice %arg3[%add3A_243, %dma_wait3A_263, %dma_wait3A_264] : memref<3456x2x96xi32, #tpu.memory_space<hbm>> -> memref<1x2x96xi32, #tpu.memory_space<hbm>>
          %dma_wait3A_266 = tpu.memref_squeeze %dma_wait3A_265 : memref<1x2x96xi32, #tpu.memory_space<hbm>> -> memref<2x96xi32, #tpu.memory_space<hbm>>
          tpu.wait_dma2 semaphore(%run_scoped3A : memref<!tpu.dma_semaphore, #tpu.memory_space<semaphore_mem>>) src(%dma_wait3A_266 : memref<2x96xi32, #tpu.memory_space<hbm>>) dst(%arg12 : memref<2x96xi32, #tpu.memory_space<vmem>>)
          tpu.yield
        }) : () -> ()
        %dma_start3A_244 = arith.constant 0 : i32
        %dma_start3A_245 = arith.constant 0 : i32
        %dma_start3A_246 = tpu.memref_slice %arg12[%dma_start3A_244, %dma_start3A_245] : memref<2x96xi32, #tpu.memory_space<vmem>> -> memref<1x96xi32, #tpu.memory_space<vmem>>
        %dma_start3A_247 = tpu.memref_squeeze %dma_start3A_246 : memref<1x96xi32, #tpu.memory_space<vmem>> -> memref<96xi32, #tpu.memory_space<vmem>>
        %dma_start3A_248 = arith.constant 0 : i32
        %dma_start3A_249 = arith.constant 0 : i32
        %dma_start3A_250 = tpu.memref_slice %arg2[%dma_start3A_248, %dma_start3A_249] : memref<10000x128xf32, #tpu.memory_space<hbm>> -> memref<10000x128xf32, #tpu.memory_space<hbm>>
        tpu.enqueue_indirect_dma source(%dma_start3A_250 : memref<10000x128xf32, #tpu.memory_space<hbm>>) target(%arg14 : memref<96x128xf32, #tpu.memory_space<vmem>>) offsets(%dma_start3A_247 : memref<96xi32, #tpu.memory_space<vmem>>) semaphore(%arg21 : memref<!tpu.dma_semaphore, #tpu.memory_space<semaphore_mem>>)
      } else {
      }
      %add3A_180 = arith.addi %mul3A_6, %add3A_172 : i32
      %mul3A_181 = arith.constant 96 : i32
      %mul3A_182 = arith.muli %add3A_180, %mul3A_181 : i32
      %parallel_loop3A_183 = arith.constant 0 : i32
      %parallel_loop3A_184 = arith.constant 6 : i32
      %parallel_loop3A_185 = arith.constant 1 : i32
      scf.for %parallel_loop3A_237 = %parallel_loop3A_183 to %parallel_loop3A_184 step %parallel_loop3A_185  : i32 {
        %parallel_loop3A_238 = arith.constant 16 : i32
        %parallel_loop3A_239 = arith.muli %parallel_loop3A_237, %parallel_loop3A_238 : i32
        %parallel_loop3A_240 = arith.constant 0 : i32
        %parallel_loop3A_241 = arith.index_cast %parallel_loop3A_240 : i32 to index
        %parallel_loop3A_242 = arith.index_cast %parallel_loop3A_239 : i32 to index
        %parallel_loop3A_243 = tpu.vector_load %arg11[%parallel_loop3A_241, %parallel_loop3A_242] {strides = array<i32>} : memref<2x96xi32, #tpu.memory_space<vmem>>, vector<16xi32>,
        %parallel_loop3A_244 = arith.constant 16 : i32
        %parallel_loop3A_245 = arith.muli %parallel_loop3A_237, %parallel_loop3A_244 : i32
        %parallel_loop3A_246 = arith.constant 1 : i32
        %parallel_loop3A_247 = arith.index_cast %parallel_loop3A_246 : i32 to index
        %parallel_loop3A_248 = arith.index_cast %parallel_loop3A_245 : i32 to index
        %parallel_loop3A_249 = tpu.vector_load %arg11[%parallel_loop3A_247, %parallel_loop3A_248] {strides = array<i32>} : memref<2x96xi32, #tpu.memory_space<vmem>>, vector<16xi32>,
        %parallel_loop3A_250 = tpu.vector_load_idx %arg8[%parallel_loop3A_249] : memref<10000xf32, #tpu.memory_space<vmem>>[vector<16xi32>], vector<16xf32>,
        %parallel_loop3A_251 = tpu.vector_load_idx %arg9[%parallel_loop3A_243] : memref<10000xf32, #tpu.memory_space<vmem>>[vector<16xi32>], vector<16xf32>,
        %parallel_loop3A_252 = arith.addf %parallel_loop3A_250, %parallel_loop3A_251 : vector<16xf32>
        %parallel_loop3A_253 = math.absf %parallel_loop3A_252 : vector<16xf32>
        %parallel_loop3A_254 = arith.constant -2.000000e+00 : f32
        %parallel_loop3A_255 = vector.broadcast %parallel_loop3A_254 : f32 to vector<16xf32>
        %parallel_loop3A_256 = arith.mulf %parallel_loop3A_253, %parallel_loop3A_255 : vector<16xf32>
        %parallel_loop3A_257 = math.exp %parallel_loop3A_256 : vector<16xf32>
        %parallel_loop3A_258 = arith.constant 1.000000e+00 : f32
        %parallel_loop3A_259 = vector.broadcast %parallel_loop3A_258 : f32 to vector<16xf32>
        %parallel_loop3A_260 = arith.subf %parallel_loop3A_259, %parallel_loop3A_257 : vector<16xf32>
        %parallel_loop3A_261 = arith.constant 1.000000e+00 : f32
        %parallel_loop3A_262 = vector.broadcast %parallel_loop3A_261 : f32 to vector<16xf32>
        %parallel_loop3A_263 = arith.addf %parallel_loop3A_262, %parallel_loop3A_257 : vector<16xf32>
        %parallel_loop3A_264 = arith.divf %parallel_loop3A_260, %parallel_loop3A_263 : vector<16xf32>
        %parallel_loop3A_265 = arith.constant 0.000000e+00 : f32
        %parallel_loop3A_266 = vector.broadcast %parallel_loop3A_265 : f32 to vector<16xf32>
        %parallel_loop3A_267 = arith.cmpf olt, %parallel_loop3A_252, %parallel_loop3A_266 : vector<16xf32>
        %parallel_loop3A_268 = arith.constant 0.000000e+00 : f32
        %parallel_loop3A_269 = vector.broadcast %parallel_loop3A_268 : f32 to vector<16xf32>
        %parallel_loop3A_270 = arith.subf %parallel_loop3A_269, %parallel_loop3A_264 : vector<16xf32>
        %parallel_loop3A_271 = arith.select %parallel_loop3A_267, %parallel_loop3A_270, %parallel_loop3A_264 : vector<16xi1>, vector<16xf32>
        %parallel_loop3A_272 = arith.constant 16 : i32
        %parallel_loop3A_273 = arith.muli %parallel_loop3A_237, %parallel_loop3A_272 : i32
        %parallel_loop3A_274 = arith.addi %mul3A_182, %parallel_loop3A_273 : i32
        %parallel_loop3A_275 = tpu.iota {dimensions = array<i32: 0>} : vector<16xi32>
        %parallel_loop3A_276 = vector.broadcast %parallel_loop3A_274 : i32 to vector<16xi32>
        %parallel_loop3A_277 = arith.addi %parallel_loop3A_276, %parallel_loop3A_275 : vector<16xi32>
        %parallel_loop3A_278 = arith.constant 320000 : i32
        %parallel_loop3A_279 = vector.broadcast %parallel_loop3A_278 : i32 to vector<16xi32>
        %parallel_loop3A_280 = arith.cmpi slt, %parallel_loop3A_277, %parallel_loop3A_279 : vector<16xi32>
        %parallel_loop3A_281 = arith.constant 0.000000e+00 : f32
        %parallel_loop3A_282 = vector.broadcast %parallel_loop3A_281 : f32 to vector<16xf32>
        %parallel_loop3A_283 = arith.select %parallel_loop3A_280, %parallel_loop3A_271, %parallel_loop3A_282 : vector<16xi1>, vector<16xf32>
        %parallel_loop3A_284 = arith.constant 16 : i32
        %parallel_loop3A_285 = arith.muli %parallel_loop3A_237, %parallel_loop3A_284 : i32
        %parallel_loop3A_286 = arith.index_cast %parallel_loop3A_285 : i32 to index
        %parallel_loop3A_287 = tpu.vector_load %arg15[%parallel_loop3A_286] {strides = array<i32>} : memref<96xf32, #tpu.memory_space<vmem>>, vector<16xf32>,
        tpu.vector_store %arg15[%parallel_loop3A_286], %parallel_loop3A_283 {strides = array<i32>} : memref<96xf32, #tpu.memory_space<vmem>>, vector<16xf32>,
      } {sc.loop_unroll_factor = 2 : i64, sc.parallel_access}
      %dma_wait3A_186 = arith.constant 0 : i32
      %dma_wait3A_187 = arith.constant 0 : i32
      %dma_wait3A_188 = tpu.memref_slice %arg11[%dma_wait3A_186, %dma_wait3A_187] : memref<2x96xi32, #tpu.memory_space<vmem>> -> memref<1x96xi32, #tpu.memory_space<vmem>>
      %dma_wait3A_189 = tpu.memref_squeeze %dma_wait3A_188 : memref<1x96xi32, #tpu.memory_space<vmem>> -> memref<96xi32, #tpu.memory_space<vmem>>
      %dma_wait3A_190 = arith.constant 0 : i32
      %dma_wait3A_191 = arith.constant 0 : i32
      %dma_wait3A_192 = tpu.memref_slice %arg2[%dma_wait3A_190, %dma_wait3A_191] : memref<10000x128xf32, #tpu.memory_space<hbm>> -> memref<10000x128xf32, #tpu.memory_space<hbm>>
      tpu.wait_indirect_dma semaphore(%arg20 : memref<!tpu.dma_semaphore, #tpu.memory_space<semaphore_mem>>) src(%dma_wait3A_192 : memref<10000x128xf32, #tpu.memory_space<hbm>>) dst(%arg13 : memref<96x128xf32, #tpu.memory_space<vmem>>)
      %parallel_loop3A_193 = arith.constant 0 : i32
      %parallel_loop3A_194 = arith.constant 96 : i32
      %parallel_loop3A_195 = arith.constant 1 : i32
      scf.for %parallel_loop3A_237 = %parallel_loop3A_193 to %parallel_loop3A_194 step %parallel_loop3A_195  : i32 {
        %parallel_loop3A_238 = vector.broadcast %parallel_loop3A_237 : i32 to vector<16xi32>
        %parallel_loop3A_239 = tpu.vector_load_idx %arg15[%parallel_loop3A_238] : memref<96xf32, #tpu.memory_space<vmem>>[vector<16xi32>], vector<16xf32>,
        %parallel_loop3A_240 = arith.index_cast %parallel_loop3A_237 : i32 to index
        %parallel_loop3A_241 = arith.constant 0 : index
        %parallel_loop3A_242 = tpu.vector_load %arg13[%parallel_loop3A_240, %parallel_loop3A_241] {strides = array<i32>} : memref<96x128xf32, #tpu.memory_space<vmem>>, vector<16xf32>,
        %parallel_loop3A_243 = arith.mulf %parallel_loop3A_242, %parallel_loop3A_239 : vector<16xf32>
        %parallel_loop3A_244 = arith.index_cast %parallel_loop3A_237 : i32 to index
        %parallel_loop3A_245 = arith.constant 0 : index
        %parallel_loop3A_246 = tpu.vector_load %arg13[%parallel_loop3A_244, %parallel_loop3A_245] {strides = array<i32>} : memref<96x128xf32, #tpu.memory_space<vmem>>, vector<16xf32>,
        tpu.vector_store %arg13[%parallel_loop3A_244, %parallel_loop3A_245], %parallel_loop3A_243 {strides = array<i32>} : memref<96x128xf32, #tpu.memory_space<vmem>>, vector<16xf32>,
        %parallel_loop3A_247 = arith.index_cast %parallel_loop3A_237 : i32 to index
        %parallel_loop3A_248 = arith.constant 16 : index
        %parallel_loop3A_249 = tpu.vector_load %arg13[%parallel_loop3A_247, %parallel_loop3A_248] {strides = array<i32>} : memref<96x128xf32, #tpu.memory_space<vmem>>, vector<16xf32>,
        %parallel_loop3A_250 = arith.mulf %parallel_loop3A_249, %parallel_loop3A_239 : vector<16xf32>
        %parallel_loop3A_251 = arith.index_cast %parallel_loop3A_237 : i32 to index
        %parallel_loop3A_252 = arith.constant 16 : index
        %parallel_loop3A_253 = tpu.vector_load %arg13[%parallel_loop3A_251, %parallel_loop3A_252] {strides = array<i32>} : memref<96x128xf32, #tpu.memory_space<vmem>>, vector<16xf32>,
        tpu.vector_store %arg13[%parallel_loop3A_251, %parallel_loop3A_252], %parallel_loop3A_250 {strides = array<i32>} : memref<96x128xf32, #tpu.memory_space<vmem>>, vector<16xf32>,
        %parallel_loop3A_254 = arith.index_cast %parallel_loop3A_237 : i32 to index
        %parallel_loop3A_255 = arith.constant 32 : index
        %parallel_loop3A_256 = tpu.vector_load %arg13[%parallel_loop3A_254, %parallel_loop3A_255] {strides = array<i32>} : memref<96x128xf32, #tpu.memory_space<vmem>>, vector<16xf32>,
        %parallel_loop3A_257 = arith.mulf %parallel_loop3A_256, %parallel_loop3A_239 : vector<16xf32>
        %parallel_loop3A_258 = arith.index_cast %parallel_loop3A_237 : i32 to index
        %parallel_loop3A_259 = arith.constant 32 : index
        %parallel_loop3A_260 = tpu.vector_load %arg13[%parallel_loop3A_258, %parallel_loop3A_259] {strides = array<i32>} : memref<96x128xf32, #tpu.memory_space<vmem>>, vector<16xf32>,
        tpu.vector_store %arg13[%parallel_loop3A_258, %parallel_loop3A_259], %parallel_loop3A_257 {strides = array<i32>} : memref<96x128xf32, #tpu.memory_space<vmem>>, vector<16xf32>,
        %parallel_loop3A_261 = arith.index_cast %parallel_loop3A_237 : i32 to index
        %parallel_loop3A_262 = arith.constant 48 : index
        %parallel_loop3A_263 = tpu.vector_load %arg13[%parallel_loop3A_261, %parallel_loop3A_262] {strides = array<i32>} : memref<96x128xf32, #tpu.memory_space<vmem>>, vector<16xf32>,
        %parallel_loop3A_264 = arith.mulf %parallel_loop3A_263, %parallel_loop3A_239 : vector<16xf32>
        %parallel_loop3A_265 = arith.index_cast %parallel_loop3A_237 : i32 to index
        %parallel_loop3A_266 = arith.constant 48 : index
        %parallel_loop3A_267 = tpu.vector_load %arg13[%parallel_loop3A_265, %parallel_loop3A_266] {strides = array<i32>} : memref<96x128xf32, #tpu.memory_space<vmem>>, vector<16xf32>,
        tpu.vector_store %arg13[%parallel_loop3A_265, %parallel_loop3A_266], %parallel_loop3A_264 {strides = array<i32>} : memref<96x128xf32, #tpu.memory_space<vmem>>, vector<16xf32>,
        %parallel_loop3A_268 = arith.index_cast %parallel_loop3A_237 : i32 to index
        %parallel_loop3A_269 = arith.constant 64 : index
        %parallel_loop3A_270 = tpu.vector_load %arg13[%parallel_loop3A_268, %parallel_loop3A_269] {strides = array<i32>} : memref<96x128xf32, #tpu.memory_space<vmem>>, vector<16xf32>,
        %parallel_loop3A_271 = arith.mulf %parallel_loop3A_270, %parallel_loop3A_239 : vector<16xf32>
        %parallel_loop3A_272 = arith.index_cast %parallel_loop3A_237 : i32 to index
        %parallel_loop3A_273 = arith.constant 64 : index
        %parallel_loop3A_274 = tpu.vector_load %arg13[%parallel_loop3A_272, %parallel_loop3A_273] {strides = array<i32>} : memref<96x128xf32, #tpu.memory_space<vmem>>, vector<16xf32>,
        tpu.vector_store %arg13[%parallel_loop3A_272, %parallel_loop3A_273], %parallel_loop3A_271 {strides = array<i32>} : memref<96x128xf32, #tpu.memory_space<vmem>>, vector<16xf32>,
        %parallel_loop3A_275 = arith.index_cast %parallel_loop3A_237 : i32 to index
        %parallel_loop3A_276 = arith.constant 80 : index
        %parallel_loop3A_277 = tpu.vector_load %arg13[%parallel_loop3A_275, %parallel_loop3A_276] {strides = array<i32>} : memref<96x128xf32, #tpu.memory_space<vmem>>, vector<16xf32>,
        %parallel_loop3A_278 = arith.mulf %parallel_loop3A_277, %parallel_loop3A_239 : vector<16xf32>
        %parallel_loop3A_279 = arith.index_cast %parallel_loop3A_237 : i32 to index
        %parallel_loop3A_280 = arith.constant 80 : index
        %parallel_loop3A_281 = tpu.vector_load %arg13[%parallel_loop3A_279, %parallel_loop3A_280] {strides = array<i32>} : memref<96x128xf32, #tpu.memory_space<vmem>>, vector<16xf32>,
        tpu.vector_store %arg13[%parallel_loop3A_279, %parallel_loop3A_280], %parallel_loop3A_278 {strides = array<i32>} : memref<96x128xf32, #tpu.memory_space<vmem>>, vector<16xf32>,
        %parallel_loop3A_282 = arith.index_cast %parallel_loop3A_237 : i32 to index
        %parallel_loop3A_283 = arith.constant 96 : index
        %parallel_loop3A_284 = tpu.vector_load %arg13[%parallel_loop3A_282, %parallel_loop3A_283] {strides = array<i32>} : memref<96x128xf32, #tpu.memory_space<vmem>>, vector<16xf32>,
        %parallel_loop3A_285 = arith.mulf %parallel_loop3A_284, %parallel_loop3A_239 : vector<16xf32>
        %parallel_loop3A_286 = arith.index_cast %parallel_loop3A_237 : i32 to index
        %parallel_loop3A_287 = arith.constant 96 : index
        %parallel_loop3A_288 = tpu.vector_load %arg13[%parallel_loop3A_286, %parallel_loop3A_287] {strides = array<i32>} : memref<96x128xf32, #tpu.memory_space<vmem>>, vector<16xf32>,
        tpu.vector_store %arg13[%parallel_loop3A_286, %parallel_loop3A_287], %parallel_loop3A_285 {strides = array<i32>} : memref<96x128xf32, #tpu.memory_space<vmem>>, vector<16xf32>,
        %parallel_loop3A_289 = arith.index_cast %parallel_loop3A_237 : i32 to index
        %parallel_loop3A_290 = arith.constant 112 : index
        %parallel_loop3A_291 = tpu.vector_load %arg13[%parallel_loop3A_289, %parallel_loop3A_290] {strides = array<i32>} : memref<96x128xf32, #tpu.memory_space<vmem>>, vector<16xf32>,
        %parallel_loop3A_292 = arith.mulf %parallel_loop3A_291, %parallel_loop3A_239 : vector<16xf32>
        %parallel_loop3A_293 = arith.index_cast %parallel_loop3A_237 : i32 to index
        %parallel_loop3A_294 = arith.constant 112 : index
        %parallel_loop3A_295 = tpu.vector_load %arg13[%parallel_loop3A_293, %parallel_loop3A_294] {strides = array<i32>} : memref<96x128xf32, #tpu.memory_space<vmem>>, vector<16xf32>,
        tpu.vector_store %arg13[%parallel_loop3A_293, %parallel_loop3A_294], %parallel_loop3A_292 {strides = array<i32>} : memref<96x128xf32, #tpu.memory_space<vmem>>, vector<16xf32>,
      } {sc.loop_unroll_factor = 2 : i64, sc.parallel_access}
      %dma_start3A_196 = arith.constant 1 : i32
      %dma_start3A_197 = arith.constant 0 : i32
      %dma_start3A_198 = tpu.memref_slice %arg11[%dma_start3A_196, %dma_start3A_197] : memref<2x96xi32, #tpu.memory_space<vmem>> -> memref<1x96xi32, #tpu.memory_space<vmem>>
      %dma_start3A_199 = tpu.memref_squeeze %dma_start3A_198 : memref<1x96xi32, #tpu.memory_space<vmem>> -> memref<96xi32, #tpu.memory_space<vmem>>
      %dma_start3A_200 = arith.constant 0 : i32
      %dma_start3A_201 = arith.constant 0 : i32
      %dma_start3A_202 = tpu.memref_slice %arg16[%dma_start3A_200, %dma_start3A_201] : memref<10240x128xf32, #tpu.memory_space<vmem_shared>> -> memref<10240x128xf32, #tpu.memory_space<vmem_shared>>
      tpu.enqueue_indirect_dma source(%arg13 : memref<96x128xf32, #tpu.memory_space<vmem>>) target(%dma_start3A_202 : memref<10240x128xf32, #tpu.memory_space<vmem_shared>>) offsets(%dma_start3A_199 : memref<96xi32, #tpu.memory_space<vmem>>) semaphore(%arg22 : memref<!tpu.dma_semaphore, #tpu.memory_space<semaphore_mem>>) {add = true}
      %mul3A_203 = arith.constant 6 : i32
      %mul3A_204 = arith.muli %mul3A_203, %scan3A_36 : i32
      %add3A_205 = arith.constant 5 : i32
      %add3A_206 = arith.addi %mul3A_204, %add3A_205 : i32
      %add3A_207 = arith.constant 1 : i32
      %add3A_208 = arith.addi %add3A_206, %add3A_207 : i32
      %lt3A_209 = arith.constant 108 : i32
      %lt3A_210 = arith.cmpi slt, %add3A_208, %lt3A_209 : i32
      %convert_element_type3A_211 = arith.extui %lt3A_210 : i1 to i32
      %cond3A_212 = arith.constant 0 : i32
      %cond3A_213 = arith.cmpi ne, %convert_element_type3A_211, %cond3A_212 : i32
      scf.if %cond3A_213 {
        %ge3A = arith.constant 1 : i32
        %ge3A_237 = arith.cmpi sge, %add3A_206, %ge3A : i32
        %convert_element_type3A_238 = arith.extui %ge3A_237 : i1 to i32
        %cond3A_239 = arith.constant 0 : i32
        %cond3A_240 = arith.cmpi ne, %convert_element_type3A_238, %cond3A_239 : i32
        scf.if %cond3A_240 {
          %dma_wait3A_251 = arith.constant 1 : i32
          %dma_wait3A_252 = arith.constant 0 : i32
          %dma_wait3A_253 = tpu.memref_slice %arg11[%dma_wait3A_251, %dma_wait3A_252] : memref<2x96xi32, #tpu.memory_space<vmem>> -> memref<1x96xi32, #tpu.memory_space<vmem>>
          %dma_wait3A_254 = tpu.memref_squeeze %dma_wait3A_253 : memref<1x96xi32, #tpu.memory_space<vmem>> -> memref<96xi32, #tpu.memory_space<vmem>>
          %dma_wait3A_255 = arith.constant 0 : i32
          %dma_wait3A_256 = arith.constant 0 : i32
          %dma_wait3A_257 = tpu.memref_slice %arg16[%dma_wait3A_255, %dma_wait3A_256] : memref<10240x128xf32, #tpu.memory_space<vmem_shared>> -> memref<10240x128xf32, #tpu.memory_space<vmem_shared>>
          tpu.wait_indirect_dma semaphore(%arg22 : memref<!tpu.dma_semaphore, #tpu.memory_space<semaphore_mem>>) src(%arg13 : memref<96x128xf32, #tpu.memory_space<vmem>>) dst(%dma_wait3A_257 : memref<10240x128xf32, #tpu.memory_space<vmem_shared>>)
        } else {
        }
        %add3A_241 = arith.addi %mul3A_6, %add3A_206 : i32
        %add3A_242 = arith.constant 1 : i32
        %add3A_243 = arith.addi %add3A_241, %add3A_242 : i32
        "tpu.region"() ({
          %run_scoped3A = tpu.sem_alloc : memref<!tpu.dma_semaphore, #tpu.memory_space<semaphore_mem>>
          %dma_start3A_251 = arith.constant 0 : i32
          %dma_start3A_252 = arith.constant 0 : i32
          %dma_start3A_253 = tpu.memref_slice %arg3[%add3A_243, %dma_start3A_251, %dma_start3A_252] : memref<3456x2x96xi32, #tpu.memory_space<hbm>> -> memref<1x2x96xi32, #tpu.memory_space<hbm>>
          %dma_start3A_254 = tpu.memref_squeeze %dma_start3A_253 : memref<1x2x96xi32, #tpu.memory_space<hbm>> -> memref<2x96xi32, #tpu.memory_space<hbm>>
          %dma_start3A_255 = arith.constant 0 : i32
          %dma_start3A_256 = arith.constant 0 : i32
          %dma_start3A_257 = tpu.memref_slice %arg3[%add3A_243, %dma_start3A_255, %dma_start3A_256] : memref<3456x2x96xi32, #tpu.memory_space<hbm>> -> memref<1x2x96xi32, #tpu.memory_space<hbm>>
          %dma_start3A_258 = tpu.memref_squeeze %dma_start3A_257 : memref<1x2x96xi32, #tpu.memory_space<hbm>> -> memref<2x96xi32, #tpu.memory_space<hbm>>
          tpu.enqueue_dma source(%dma_start3A_258 : memref<2x96xi32, #tpu.memory_space<hbm>>) target(%arg10 : memref<2x96xi32, #tpu.memory_space<vmem>>) target_semaphore(%run_scoped3A : memref<!tpu.dma_semaphore, #tpu.memory_space<semaphore_mem>>)
          %dma_wait3A_259 = arith.constant 0 : i32
          %dma_wait3A_260 = arith.constant 0 : i32
          %dma_wait3A_261 = tpu.memref_slice %arg3[%add3A_243, %dma_wait3A_259, %dma_wait3A_260] : memref<3456x2x96xi32, #tpu.memory_space<hbm>> -> memref<1x2x96xi32, #tpu.memory_space<hbm>>
          %dma_wait3A_262 = tpu.memref_squeeze %dma_wait3A_261 : memref<1x2x96xi32, #tpu.memory_space<hbm>> -> memref<2x96xi32, #tpu.memory_space<hbm>>
          %dma_wait3A_263 = arith.constant 0 : i32
          %dma_wait3A_264 = arith.constant 0 : i32
          %dma_wait3A_265 = tpu.memref_slice %arg3[%add3A_243, %dma_wait3A_263, %dma_wait3A_264] : memref<3456x2x96xi32, #tpu.memory_space<hbm>> -> memref<1x2x96xi32, #tpu.memory_space<hbm>>
          %dma_wait3A_266 = tpu.memref_squeeze %dma_wait3A_265 : memref<1x2x96xi32, #tpu.memory_space<hbm>> -> memref<2x96xi32, #tpu.memory_space<hbm>>
          tpu.wait_dma2 semaphore(%run_scoped3A : memref<!tpu.dma_semaphore, #tpu.memory_space<semaphore_mem>>) src(%dma_wait3A_266 : memref<2x96xi32, #tpu.memory_space<hbm>>) dst(%arg10 : memref<2x96xi32, #tpu.memory_space<vmem>>)
          tpu.yield
        }) : () -> ()
        %dma_start3A_244 = arith.constant 0 : i32
        %dma_start3A_245 = arith.constant 0 : i32
        %dma_start3A_246 = tpu.memref_slice %arg10[%dma_start3A_244, %dma_start3A_245] : memref<2x96xi32, #tpu.memory_space<vmem>> -> memref<1x96xi32, #tpu.memory_space<vmem>>
        %dma_start3A_247 = tpu.memref_squeeze %dma_start3A_246 : memref<1x96xi32, #tpu.memory_space<vmem>> -> memref<96xi32, #tpu.memory_space<vmem>>
        %dma_start3A_248 = arith.constant 0 : i32
        %dma_start3A_249 = arith.constant 0 : i32
        %dma_start3A_250 = tpu.memref_slice %arg2[%dma_start3A_248, %dma_start3A_249] : memref<10000x128xf32, #tpu.memory_space<hbm>> -> memref<10000x128xf32, #tpu.memory_space<hbm>>
        tpu.enqueue_indirect_dma source(%dma_start3A_250 : memref<10000x128xf32, #tpu.memory_space<hbm>>) target(%arg13 : memref<96x128xf32, #tpu.memory_space<vmem>>) offsets(%dma_start3A_247 : memref<96xi32, #tpu.memory_space<vmem>>) semaphore(%arg20 : memref<!tpu.dma_semaphore, #tpu.memory_space<semaphore_mem>>)
      } else {
      }
      %add3A_214 = arith.addi %mul3A_6, %add3A_206 : i32
      %mul3A_215 = arith.constant 96 : i32
      %mul3A_216 = arith.muli %add3A_214, %mul3A_215 : i32
      %parallel_loop3A_217 = arith.constant 0 : i32
      %parallel_loop3A_218 = arith.constant 6 : i32
      %parallel_loop3A_219 = arith.constant 1 : i32
      scf.for %parallel_loop3A_237 = %parallel_loop3A_217 to %parallel_loop3A_218 step %parallel_loop3A_219  : i32 {
        %parallel_loop3A_238 = arith.constant 16 : i32
        %parallel_loop3A_239 = arith.muli %parallel_loop3A_237, %parallel_loop3A_238 : i32
        %parallel_loop3A_240 = arith.constant 0 : i32
        %parallel_loop3A_241 = arith.index_cast %parallel_loop3A_240 : i32 to index
        %parallel_loop3A_242 = arith.index_cast %parallel_loop3A_239 : i32 to index
        %parallel_loop3A_243 = tpu.vector_load %arg12[%parallel_loop3A_241, %parallel_loop3A_242] {strides = array<i32>} : memref<2x96xi32, #tpu.memory_space<vmem>>, vector<16xi32>,
        %parallel_loop3A_244 = arith.constant 16 : i32
        %parallel_loop3A_245 = arith.muli %parallel_loop3A_237, %parallel_loop3A_244 : i32
        %parallel_loop3A_246 = arith.constant 1 : i32
        %parallel_loop3A_247 = arith.index_cast %parallel_loop3A_246 : i32 to index
        %parallel_loop3A_248 = arith.index_cast %parallel_loop3A_245 : i32 to index
        %parallel_loop3A_249 = tpu.vector_load %arg12[%parallel_loop3A_247, %parallel_loop3A_248] {strides = array<i32>} : memref<2x96xi32, #tpu.memory_space<vmem>>, vector<16xi32>,
        %parallel_loop3A_250 = tpu.vector_load_idx %arg8[%parallel_loop3A_249] : memref<10000xf32, #tpu.memory_space<vmem>>[vector<16xi32>], vector<16xf32>,
        %parallel_loop3A_251 = tpu.vector_load_idx %arg9[%parallel_loop3A_243] : memref<10000xf32, #tpu.memory_space<vmem>>[vector<16xi32>], vector<16xf32>,
        %parallel_loop3A_252 = arith.addf %parallel_loop3A_250, %parallel_loop3A_251 : vector<16xf32>
        %parallel_loop3A_253 = math.absf %parallel_loop3A_252 : vector<16xf32>
        %parallel_loop3A_254 = arith.constant -2.000000e+00 : f32
        %parallel_loop3A_255 = vector.broadcast %parallel_loop3A_254 : f32 to vector<16xf32>
        %parallel_loop3A_256 = arith.mulf %parallel_loop3A_253, %parallel_loop3A_255 : vector<16xf32>
        %parallel_loop3A_257 = math.exp %parallel_loop3A_256 : vector<16xf32>
        %parallel_loop3A_258 = arith.constant 1.000000e+00 : f32
        %parallel_loop3A_259 = vector.broadcast %parallel_loop3A_258 : f32 to vector<16xf32>
        %parallel_loop3A_260 = arith.subf %parallel_loop3A_259, %parallel_loop3A_257 : vector<16xf32>
        %parallel_loop3A_261 = arith.constant 1.000000e+00 : f32
        %parallel_loop3A_262 = vector.broadcast %parallel_loop3A_261 : f32 to vector<16xf32>
        %parallel_loop3A_263 = arith.addf %parallel_loop3A_262, %parallel_loop3A_257 : vector<16xf32>
        %parallel_loop3A_264 = arith.divf %parallel_loop3A_260, %parallel_loop3A_263 : vector<16xf32>
        %parallel_loop3A_265 = arith.constant 0.000000e+00 : f32
        %parallel_loop3A_266 = vector.broadcast %parallel_loop3A_265 : f32 to vector<16xf32>
        %parallel_loop3A_267 = arith.cmpf olt, %parallel_loop3A_252, %parallel_loop3A_266 : vector<16xf32>
        %parallel_loop3A_268 = arith.constant 0.000000e+00 : f32
        %parallel_loop3A_269 = vector.broadcast %parallel_loop3A_268 : f32 to vector<16xf32>
        %parallel_loop3A_270 = arith.subf %parallel_loop3A_269, %parallel_loop3A_264 : vector<16xf32>
        %parallel_loop3A_271 = arith.select %parallel_loop3A_267, %parallel_loop3A_270, %parallel_loop3A_264 : vector<16xi1>, vector<16xf32>
        %parallel_loop3A_272 = arith.constant 16 : i32
        %parallel_loop3A_273 = arith.muli %parallel_loop3A_237, %parallel_loop3A_272 : i32
        %parallel_loop3A_274 = arith.addi %mul3A_216, %parallel_loop3A_273 : i32
        %parallel_loop3A_275 = tpu.iota {dimensions = array<i32: 0>} : vector<16xi32>
        %parallel_loop3A_276 = vector.broadcast %parallel_loop3A_274 : i32 to vector<16xi32>
        %parallel_loop3A_277 = arith.addi %parallel_loop3A_276, %parallel_loop3A_275 : vector<16xi32>
        %parallel_loop3A_278 = arith.constant 320000 : i32
        %parallel_loop3A_279 = vector.broadcast %parallel_loop3A_278 : i32 to vector<16xi32>
        %parallel_loop3A_280 = arith.cmpi slt, %parallel_loop3A_277, %parallel_loop3A_279 : vector<16xi32>
        %parallel_loop3A_281 = arith.constant 0.000000e+00 : f32
        %parallel_loop3A_282 = vector.broadcast %parallel_loop3A_281 : f32 to vector<16xf32>
        %parallel_loop3A_283 = arith.select %parallel_loop3A_280, %parallel_loop3A_271, %parallel_loop3A_282 : vector<16xi1>, vector<16xf32>
        %parallel_loop3A_284 = arith.constant 16 : i32
        %parallel_loop3A_285 = arith.muli %parallel_loop3A_237, %parallel_loop3A_284 : i32
        %parallel_loop3A_286 = arith.index_cast %parallel_loop3A_285 : i32 to index
        %parallel_loop3A_287 = tpu.vector_load %arg15[%parallel_loop3A_286] {strides = array<i32>} : memref<96xf32, #tpu.memory_space<vmem>>, vector<16xf32>,
        tpu.vector_store %arg15[%parallel_loop3A_286], %parallel_loop3A_283 {strides = array<i32>} : memref<96xf32, #tpu.memory_space<vmem>>, vector<16xf32>,
      } {sc.loop_unroll_factor = 2 : i64, sc.parallel_access}
      %dma_wait3A_220 = arith.constant 0 : i32
      %dma_wait3A_221 = arith.constant 0 : i32
      %dma_wait3A_222 = tpu.memref_slice %arg12[%dma_wait3A_220, %dma_wait3A_221] : memref<2x96xi32, #tpu.memory_space<vmem>> -> memref<1x96xi32, #tpu.memory_space<vmem>>
      %dma_wait3A_223 = tpu.memref_squeeze %dma_wait3A_222 : memref<1x96xi32, #tpu.memory_space<vmem>> -> memref<96xi32, #tpu.memory_space<vmem>>
      %dma_wait3A_224 = arith.constant 0 : i32
      %dma_wait3A_225 = arith.constant 0 : i32
      %dma_wait3A_226 = tpu.memref_slice %arg2[%dma_wait3A_224, %dma_wait3A_225] : memref<10000x128xf32, #tpu.memory_space<hbm>> -> memref<10000x128xf32, #tpu.memory_space<hbm>>
      tpu.wait_indirect_dma semaphore(%arg21 : memref<!tpu.dma_semaphore, #tpu.memory_space<semaphore_mem>>) src(%dma_wait3A_226 : memref<10000x128xf32, #tpu.memory_space<hbm>>) dst(%arg14 : memref<96x128xf32, #tpu.memory_space<vmem>>)
      %parallel_loop3A_227 = arith.constant 0 : i32
      %parallel_loop3A_228 = arith.constant 96 : i32
      %parallel_loop3A_229 = arith.constant 1 : i32
      scf.for %parallel_loop3A_237 = %parallel_loop3A_227 to %parallel_loop3A_228 step %parallel_loop3A_229  : i32 {
        %parallel_loop3A_238 = vector.broadcast %parallel_loop3A_237 : i32 to vector<16xi32>
        %parallel_loop3A_239 = tpu.vector_load_idx %arg15[%parallel_loop3A_238] : memref<96xf32, #tpu.memory_space<vmem>>[vector<16xi32>], vector<16xf32>,
        %parallel_loop3A_240 = arith.index_cast %parallel_loop3A_237 : i32 to index
        %parallel_loop3A_241 = arith.constant 0 : index
        %parallel_loop3A_242 = tpu.vector_load %arg14[%parallel_loop3A_240, %parallel_loop3A_241] {strides = array<i32>} : memref<96x128xf32, #tpu.memory_space<vmem>>, vector<16xf32>,
        %parallel_loop3A_243 = arith.mulf %parallel_loop3A_242, %parallel_loop3A_239 : vector<16xf32>
        %parallel_loop3A_244 = arith.index_cast %parallel_loop3A_237 : i32 to index
        %parallel_loop3A_245 = arith.constant 0 : index
        %parallel_loop3A_246 = tpu.vector_load %arg14[%parallel_loop3A_244, %parallel_loop3A_245] {strides = array<i32>} : memref<96x128xf32, #tpu.memory_space<vmem>>, vector<16xf32>,
        tpu.vector_store %arg14[%parallel_loop3A_244, %parallel_loop3A_245], %parallel_loop3A_243 {strides = array<i32>} : memref<96x128xf32, #tpu.memory_space<vmem>>, vector<16xf32>,
        %parallel_loop3A_247 = arith.index_cast %parallel_loop3A_237 : i32 to index
        %parallel_loop3A_248 = arith.constant 16 : index
        %parallel_loop3A_249 = tpu.vector_load %arg14[%parallel_loop3A_247, %parallel_loop3A_248] {strides = array<i32>} : memref<96x128xf32, #tpu.memory_space<vmem>>, vector<16xf32>,
        %parallel_loop3A_250 = arith.mulf %parallel_loop3A_249, %parallel_loop3A_239 : vector<16xf32>
        %parallel_loop3A_251 = arith.index_cast %parallel_loop3A_237 : i32 to index
        %parallel_loop3A_252 = arith.constant 16 : index
        %parallel_loop3A_253 = tpu.vector_load %arg14[%parallel_loop3A_251, %parallel_loop3A_252] {strides = array<i32>} : memref<96x128xf32, #tpu.memory_space<vmem>>, vector<16xf32>,
        tpu.vector_store %arg14[%parallel_loop3A_251, %parallel_loop3A_252], %parallel_loop3A_250 {strides = array<i32>} : memref<96x128xf32, #tpu.memory_space<vmem>>, vector<16xf32>,
        %parallel_loop3A_254 = arith.index_cast %parallel_loop3A_237 : i32 to index
        %parallel_loop3A_255 = arith.constant 32 : index
        %parallel_loop3A_256 = tpu.vector_load %arg14[%parallel_loop3A_254, %parallel_loop3A_255] {strides = array<i32>} : memref<96x128xf32, #tpu.memory_space<vmem>>, vector<16xf32>,
        %parallel_loop3A_257 = arith.mulf %parallel_loop3A_256, %parallel_loop3A_239 : vector<16xf32>
        %parallel_loop3A_258 = arith.index_cast %parallel_loop3A_237 : i32 to index
        %parallel_loop3A_259 = arith.constant 32 : index
        %parallel_loop3A_260 = tpu.vector_load %arg14[%parallel_loop3A_258, %parallel_loop3A_259] {strides = array<i32>} : memref<96x128xf32, #tpu.memory_space<vmem>>, vector<16xf32>,
        tpu.vector_store %arg14[%parallel_loop3A_258, %parallel_loop3A_259], %parallel_loop3A_257 {strides = array<i32>} : memref<96x128xf32, #tpu.memory_space<vmem>>, vector<16xf32>,
        %parallel_loop3A_261 = arith.index_cast %parallel_loop3A_237 : i32 to index
        %parallel_loop3A_262 = arith.constant 48 : index
        %parallel_loop3A_263 = tpu.vector_load %arg14[%parallel_loop3A_261, %parallel_loop3A_262] {strides = array<i32>} : memref<96x128xf32, #tpu.memory_space<vmem>>, vector<16xf32>,
        %parallel_loop3A_264 = arith.mulf %parallel_loop3A_263, %parallel_loop3A_239 : vector<16xf32>
        %parallel_loop3A_265 = arith.index_cast %parallel_loop3A_237 : i32 to index
        %parallel_loop3A_266 = arith.constant 48 : index
        %parallel_loop3A_267 = tpu.vector_load %arg14[%parallel_loop3A_265, %parallel_loop3A_266] {strides = array<i32>} : memref<96x128xf32, #tpu.memory_space<vmem>>, vector<16xf32>,
        tpu.vector_store %arg14[%parallel_loop3A_265, %parallel_loop3A_266], %parallel_loop3A_264 {strides = array<i32>} : memref<96x128xf32, #tpu.memory_space<vmem>>, vector<16xf32>,
        %parallel_loop3A_268 = arith.index_cast %parallel_loop3A_237 : i32 to index
        %parallel_loop3A_269 = arith.constant 64 : index
        %parallel_loop3A_270 = tpu.vector_load %arg14[%parallel_loop3A_268, %parallel_loop3A_269] {strides = array<i32>} : memref<96x128xf32, #tpu.memory_space<vmem>>, vector<16xf32>,
        %parallel_loop3A_271 = arith.mulf %parallel_loop3A_270, %parallel_loop3A_239 : vector<16xf32>
        %parallel_loop3A_272 = arith.index_cast %parallel_loop3A_237 : i32 to index
        %parallel_loop3A_273 = arith.constant 64 : index
        %parallel_loop3A_274 = tpu.vector_load %arg14[%parallel_loop3A_272, %parallel_loop3A_273] {strides = array<i32>} : memref<96x128xf32, #tpu.memory_space<vmem>>, vector<16xf32>,
        tpu.vector_store %arg14[%parallel_loop3A_272, %parallel_loop3A_273], %parallel_loop3A_271 {strides = array<i32>} : memref<96x128xf32, #tpu.memory_space<vmem>>, vector<16xf32>,
        %parallel_loop3A_275 = arith.index_cast %parallel_loop3A_237 : i32 to index
        %parallel_loop3A_276 = arith.constant 80 : index
        %parallel_loop3A_277 = tpu.vector_load %arg14[%parallel_loop3A_275, %parallel_loop3A_276] {strides = array<i32>} : memref<96x128xf32, #tpu.memory_space<vmem>>, vector<16xf32>,
        %parallel_loop3A_278 = arith.mulf %parallel_loop3A_277, %parallel_loop3A_239 : vector<16xf32>
        %parallel_loop3A_279 = arith.index_cast %parallel_loop3A_237 : i32 to index
        %parallel_loop3A_280 = arith.constant 80 : index
        %parallel_loop3A_281 = tpu.vector_load %arg14[%parallel_loop3A_279, %parallel_loop3A_280] {strides = array<i32>} : memref<96x128xf32, #tpu.memory_space<vmem>>, vector<16xf32>,
        tpu.vector_store %arg14[%parallel_loop3A_279, %parallel_loop3A_280], %parallel_loop3A_278 {strides = array<i32>} : memref<96x128xf32, #tpu.memory_space<vmem>>, vector<16xf32>,
        %parallel_loop3A_282 = arith.index_cast %parallel_loop3A_237 : i32 to index
        %parallel_loop3A_283 = arith.constant 96 : index
        %parallel_loop3A_284 = tpu.vector_load %arg14[%parallel_loop3A_282, %parallel_loop3A_283] {strides = array<i32>} : memref<96x128xf32, #tpu.memory_space<vmem>>, vector<16xf32>,
        %parallel_loop3A_285 = arith.mulf %parallel_loop3A_284, %parallel_loop3A_239 : vector<16xf32>
        %parallel_loop3A_286 = arith.index_cast %parallel_loop3A_237 : i32 to index
        %parallel_loop3A_287 = arith.constant 96 : index
        %parallel_loop3A_288 = tpu.vector_load %arg14[%parallel_loop3A_286, %parallel_loop3A_287] {strides = array<i32>} : memref<96x128xf32, #tpu.memory_space<vmem>>, vector<16xf32>,
        tpu.vector_store %arg14[%parallel_loop3A_286, %parallel_loop3A_287], %parallel_loop3A_285 {strides = array<i32>} : memref<96x128xf32, #tpu.memory_space<vmem>>, vector<16xf32>,
        %parallel_loop3A_289 = arith.index_cast %parallel_loop3A_237 : i32 to index
        %parallel_loop3A_290 = arith.constant 112 : index
        %parallel_loop3A_291 = tpu.vector_load %arg14[%parallel_loop3A_289, %parallel_loop3A_290] {strides = array<i32>} : memref<96x128xf32, #tpu.memory_space<vmem>>, vector<16xf32>,
        %parallel_loop3A_292 = arith.mulf %parallel_loop3A_291, %parallel_loop3A_239 : vector<16xf32>
        %parallel_loop3A_293 = arith.index_cast %parallel_loop3A_237 : i32 to index
        %parallel_loop3A_294 = arith.constant 112 : index
        %parallel_loop3A_295 = tpu.vector_load %arg14[%parallel_loop3A_293, %parallel_loop3A_294] {strides = array<i32>} : memref<96x128xf32, #tpu.memory_space<vmem>>, vector<16xf32>,
        tpu.vector_store %arg14[%parallel_loop3A_293, %parallel_loop3A_294], %parallel_loop3A_292 {strides = array<i32>} : memref<96x128xf32, #tpu.memory_space<vmem>>, vector<16xf32>,
      } {sc.loop_unroll_factor = 2 : i64, sc.parallel_access}
      %dma_start3A_230 = arith.constant 1 : i32
      %dma_start3A_231 = arith.constant 0 : i32
      %dma_start3A_232 = tpu.memref_slice %arg12[%dma_start3A_230, %dma_start3A_231] : memref<2x96xi32, #tpu.memory_space<vmem>> -> memref<1x96xi32, #tpu.memory_space<vmem>>
      %dma_start3A_233 = tpu.memref_squeeze %dma_start3A_232 : memref<1x96xi32, #tpu.memory_space<vmem>> -> memref<96xi32, #tpu.memory_space<vmem>>
      %dma_start3A_234 = arith.constant 0 : i32
      %dma_start3A_235 = arith.constant 0 : i32
      %dma_start3A_236 = tpu.memref_slice %arg16[%dma_start3A_234, %dma_start3A_235] : memref<10240x128xf32, #tpu.memory_space<vmem_shared>> -> memref<10240x128xf32, #tpu.memory_space<vmem_shared>>
      tpu.enqueue_indirect_dma source(%arg14 : memref<96x128xf32, #tpu.memory_space<vmem>>) target(%dma_start3A_236 : memref<10240x128xf32, #tpu.memory_space<vmem_shared>>) offsets(%dma_start3A_233 : memref<96xi32, #tpu.memory_space<vmem>>) semaphore(%arg23 : memref<!tpu.dma_semaphore, #tpu.memory_space<semaphore_mem>>) {add = true}
    }
    %scan3A_17 = arith.constant 18 : i32
    %dma_wait3A = arith.constant 1 : i32
    %dma_wait3A_18 = arith.constant 0 : i32
    %dma_wait3A_19 = tpu.memref_slice %arg11[%dma_wait3A, %dma_wait3A_18] : memref<2x96xi32, #tpu.memory_space<vmem>> -> memref<1x96xi32, #tpu.memory_space<vmem>>
    %dma_wait3A_20 = tpu.memref_squeeze %dma_wait3A_19 : memref<1x96xi32, #tpu.memory_space<vmem>> -> memref<96xi32, #tpu.memory_space<vmem>>
    %dma_wait3A_21 = arith.constant 0 : i32
    %dma_wait3A_22 = arith.constant 0 : i32
    %dma_wait3A_23 = tpu.memref_slice %arg16[%dma_wait3A_21, %dma_wait3A_22] : memref<10240x128xf32, #tpu.memory_space<vmem_shared>> -> memref<10240x128xf32, #tpu.memory_space<vmem_shared>>
    tpu.wait_indirect_dma semaphore(%arg22 : memref<!tpu.dma_semaphore, #tpu.memory_space<semaphore_mem>>) src(%arg13 : memref<96x128xf32, #tpu.memory_space<vmem>>) dst(%dma_wait3A_23 : memref<10240x128xf32, #tpu.memory_space<vmem_shared>>)
    %dma_wait3A_24 = arith.constant 1 : i32
    %dma_wait3A_25 = arith.constant 0 : i32
    %dma_wait3A_26 = tpu.memref_slice %arg12[%dma_wait3A_24, %dma_wait3A_25] : memref<2x96xi32, #tpu.memory_space<vmem>> -> memref<1x96xi32, #tpu.memory_space<vmem>>
    %dma_wait3A_27 = tpu.memref_squeeze %dma_wait3A_26 : memref<1x96xi32, #tpu.memory_space<vmem>> -> memref<96xi32, #tpu.memory_space<vmem>>
    %dma_wait3A_28 = arith.constant 0 : i32
    %dma_wait3A_29 = arith.constant 0 : i32
    %dma_wait3A_30 = tpu.memref_slice %arg16[%dma_wait3A_28, %dma_wait3A_29] : memref<10240x128xf32, #tpu.memory_space<vmem_shared>> -> memref<10240x128xf32, #tpu.memory_space<vmem_shared>>
    tpu.wait_indirect_dma semaphore(%arg23 : memref<!tpu.dma_semaphore, #tpu.memory_space<semaphore_mem>>) src(%arg14 : memref<96x128xf32, #tpu.memory_space<vmem>>) dst(%dma_wait3A_30 : memref<10240x128xf32, #tpu.memory_space<vmem_shared>>)
    %barrier3A_31 = arith.constant 0 : index
    tpu.barrier barrier_id(%barrier3A_31)
    %mul3A_32 = arith.constant 640 : i32
    %mul3A_33 = arith.muli %arg1, %mul3A_32 : i32
    %mul3A_34 = arith.constant 640 : i32
    %mul3A_35 = arith.muli %arg1, %mul3A_34 : i32
    "tpu.region"() ({
      %run_scoped3A = tpu.sem_alloc : memref<!tpu.dma_semaphore, #tpu.memory_space<semaphore_mem>>
      %dma_start3A_36 = arith.constant 0 : i32
      %dma_start3A_37 = tpu.memref_slice %arg7[%arg0, %mul3A_35, %dma_start3A_36] : memref<2x10240x128xf32, #tpu.memory_space<hbm>> -> memref<1x640x128xf32, #tpu.memory_space<hbm>>
      %dma_start3A_38 = tpu.memref_squeeze %dma_start3A_37 : memref<1x640x128xf32, #tpu.memory_space<hbm>> -> memref<640x128xf32, #tpu.memory_space<hbm>>
      %dma_start3A_39 = arith.constant 0 : i32
      %dma_start3A_40 = tpu.memref_slice %arg16[%mul3A_33, %dma_start3A_39] : memref<10240x128xf32, #tpu.memory_space<vmem_shared>> -> memref<640x128xf32, #tpu.memory_space<vmem_shared>>
      tpu.enqueue_dma source(%dma_start3A_40 : memref<640x128xf32, #tpu.memory_space<vmem_shared>>) target(%dma_start3A_38 : memref<640x128xf32, #tpu.memory_space<hbm>>) target_semaphore(%run_scoped3A : memref<!tpu.dma_semaphore, #tpu.memory_space<semaphore_mem>>)
      %dma_wait3A_41 = arith.constant 0 : i32
      %dma_wait3A_42 = tpu.memref_slice %arg7[%arg0, %mul3A_35, %dma_wait3A_41] : memref<2x10240x128xf32, #tpu.memory_space<hbm>> -> memref<1x640x128xf32, #tpu.memory_space<hbm>>
      %dma_wait3A_43 = tpu.memref_squeeze %dma_wait3A_42 : memref<1x640x128xf32, #tpu.memory_space<hbm>> -> memref<640x128xf32, #tpu.memory_space<hbm>>
      %dma_wait3A_44 = arith.constant 0 : i32
      %dma_wait3A_45 = tpu.memref_slice %arg16[%mul3A_33, %dma_wait3A_44] : memref<10240x128xf32, #tpu.memory_space<vmem_shared>> -> memref<640x128xf32, #tpu.memory_space<vmem_shared>>
      tpu.wait_dma2 semaphore(%run_scoped3A : memref<!tpu.dma_semaphore, #tpu.memory_space<semaphore_mem>>) src(%dma_wait3A_45 : memref<640x128xf32, #tpu.memory_space<vmem_shared>>) dst(%dma_wait3A_43 : memref<640x128xf32, #tpu.memory_space<hbm>>)
      tpu.yield
    }) : () -> ()
    return
  }
}

module attributes {stable_mosaic.version = 14 : i64} {
  func.func @_pq_body(%arg0: memref<10000x128xf32, #tpu.memory_space<vmem>>, %arg1: memref<2x128xf32, #tpu.memory_space<vmem>>, %arg2: memref<10000xf32, #tpu.memory_space<vmem>>, %arg3: memref<1xf32, #tpu.memory_space<smem>>, %arg4: memref<10000xf32, #tpu.memory_space<vmem>>, %arg5: memref<10000xf32, #tpu.memory_space<vmem>>, %arg6: memref<10000x128xf32, #tpu.memory_space<vmem>>) attributes {dimension_semantics = [], scalar_prefetch = 0 : i64, scratch_operands = 0 : i64, tpu.core_type = #tpu.core_type<tc>} {
    %get3A = arith.constant 0 : index
    %get3A_0 = arith.constant 0 : index
    %get3A_1 = vector.load %arg1[%get3A, %get3A_0] : memref<2x128xf32, #tpu.memory_space<vmem>>, vector<2x128xf32>
    %get3A_2 = arith.constant 0 : index
    %get3A_3 = arith.constant 0 : index
    %get3A_4 = vector.load %arg0[%get3A_2, %get3A_3] : memref<10000x128xf32, #tpu.memory_space<vmem>>, vector<10000x128xf32>
    %dot_general3A = arith.constant dense<0.000000e+00> : vector<2x10000xf32>
    %dot_general3A_5 = tpu.matmul %get3A_1, %get3A_4, %dot_general3A {dimension_numbers = #tpu.dot_dimension_numbers<[1], [1], [0], [0], [0, 0, 1, 0], [], []>, transpose_lhs_hint = false} : vector<2x128xf32>, vector<10000x128xf32>, vector<2x10000xf32> -> vector<2x10000xf32>
    %slice3A = vector.extract_strided_slice %dot_general3A_5 {offsets = [0, 0], sizes = [1, 10000], strides = [1, 1]} : vector<2x10000xf32> to vector<1x10000xf32>
    %squeeze3A = vector.shape_cast %slice3A : vector<1x10000xf32> to vector<10000xf32>
    %get3A_6 = arith.constant 0 : index
    %get3A_7 = memref.load %arg3[%get3A_6] : memref<1xf32, #tpu.memory_space<smem>>
    %add3A = vector.broadcast %get3A_7 : f32 to vector<10000xf32>
    %add3A_8 = arith.addf %squeeze3A, %add3A : vector<10000xf32>
    %swap3A = arith.constant 0 : index
    %swap3A_9 = vector.load %arg4[%swap3A] : memref<10000xf32, #tpu.memory_space<vmem>>, vector<10000xf32>
    tpu.vector_store %arg4[%swap3A], %add3A_8 {strides = array<i32>} : memref<10000xf32, #tpu.memory_space<vmem>>, vector<10000xf32>,
    %slice3A_10 = vector.extract_strided_slice %dot_general3A_5 {offsets = [1, 0], sizes = [1, 10000], strides = [1, 1]} : vector<2x10000xf32> to vector<1x10000xf32>
    %squeeze3A_11 = vector.shape_cast %slice3A_10 : vector<1x10000xf32> to vector<10000xf32>
    %swap3A_12 = arith.constant 0 : index
    %swap3A_13 = vector.load %arg5[%swap3A_12] : memref<10000xf32, #tpu.memory_space<vmem>>, vector<10000xf32>
    tpu.vector_store %arg5[%swap3A_12], %squeeze3A_11 {strides = array<i32>} : memref<10000xf32, #tpu.memory_space<vmem>>, vector<10000xf32>,
    %get3A_14 = arith.constant 0 : index
    %get3A_15 = arith.constant 0 : index
    %get3A_16 = vector.load %arg0[%get3A_14, %get3A_15] : memref<10000x128xf32, #tpu.memory_space<vmem>>, vector<10000x128xf32>
    %get3A_17 = arith.constant 0 : index
    %get3A_18 = vector.load %arg2[%get3A_17] : memref<10000xf32, #tpu.memory_space<vmem>>, vector<10000xf32>
    %broadcast_in_dim3A = vector.shape_cast %get3A_18 : vector<10000xf32> to vector<10000x1xf32>
    %mul3A = vector.broadcast %broadcast_in_dim3A : vector<10000x1xf32> to vector<10000x128xf32>
    %mul3A_19 = arith.mulf %get3A_16, %mul3A : vector<10000x128xf32>
    %swap3A_20 = arith.constant 0 : index
    %swap3A_21 = arith.constant 0 : index
    %swap3A_22 = vector.load %arg6[%swap3A_20, %swap3A_21] : memref<10000x128xf32, #tpu.memory_space<vmem>>, vector<10000x128xf32>
    tpu.vector_store %arg6[%swap3A_20, %swap3A_21], %mul3A_19 {strides = array<i32>} : memref<10000x128xf32, #tpu.memory_space<vmem>>, vector<10000x128xf32>,
    return
  }
}

module attributes {stable_mosaic.version = 14 : i64} {
  func.func @_add_body(%arg0: i32, %arg1: memref<2x1024x128xf32, #tpu.memory_space<vmem>>, %arg2: memref<1x1x1024xf32, #tpu.memory_space<vmem>>, %arg3: memref<1024x128xf32, #tpu.memory_space<vmem>>) attributes {dimension_semantics = [#tpu.dimension_semantics<arbitrary>], iteration_bounds = array<i64: 10>, scalar_prefetch = 0 : i64, scratch_operands = 0 : i64, tpu.core_type = #tpu.core_type<tc>, window_params = [{transform_indices = @transform_0, window_bounds = array<i64: 2, 1024, 128>}, {transform_indices = @transform_1, window_bounds = array<i64: 1, 1, 1024>}, {transform_indices = @transform_2, window_bounds = array<i64: 1024, 128>}]} {
    %get3A = arith.constant 0 : index
    %get3A_0 = arith.constant 0 : index
    %get3A_1 = arith.constant 0 : index
    %get3A_2 = vector.load %arg1[%get3A, %get3A_0, %get3A_1] : memref<2x1024x128xf32, #tpu.memory_space<vmem>>, vector<1x1024x128xf32>
    %get3A_3 = vector.shape_cast %get3A_2 : vector<1x1024x128xf32> to vector<1024x128xf32>
    %get3A_4 = arith.constant 1 : index
    %get3A_5 = arith.constant 0 : index
    %get3A_6 = arith.constant 0 : index
    %get3A_7 = vector.load %arg1[%get3A_4, %get3A_5, %get3A_6] : memref<2x1024x128xf32, #tpu.memory_space<vmem>>, vector<1x1024x128xf32>
    %get3A_8 = vector.shape_cast %get3A_7 : vector<1x1024x128xf32> to vector<1024x128xf32>
    %add3A = arith.addf %get3A_3, %get3A_8 : vector<1024x128xf32>
    %get3A_9 = arith.constant 0 : index
    %get3A_10 = arith.constant 0 : index
    %get3A_11 = arith.constant 0 : index
    %get3A_12 = vector.load %arg2[%get3A_9, %get3A_10, %get3A_11] : memref<1x1x1024xf32, #tpu.memory_space<vmem>>, vector<1x1x1024xf32>
    %get3A_13 = vector.shape_cast %get3A_12 : vector<1x1x1024xf32> to vector<1024xf32>
    %broadcast_in_dim3A = vector.shape_cast %get3A_13 : vector<1024xf32> to vector<1024x1xf32>
    %mul3A = vector.broadcast %broadcast_in_dim3A : vector<1024x1xf32> to vector<1024x128xf32>
    %mul3A_14 = arith.mulf %add3A, %mul3A : vector<1024x128xf32>
    %swap3A = arith.constant 0 : index
    %swap3A_15 = arith.constant 0 : index
    %swap3A_16 = vector.load %arg3[%swap3A, %swap3A_15] : memref<1024x128xf32, #tpu.memory_space<vmem>>, vector<1024x128xf32>
    tpu.vector_store %arg3[%swap3A, %swap3A_15], %mul3A_14 {strides = array<i32>} : memref<1024x128xf32, #tpu.memory_space<vmem>>, vector<1024x128xf32>,
    return
  }
  func.func @transform_0(%arg0: i32) -> (i32, i32, i32) {
    %c0_i32 = arith.constant 0 : i32
    %c0_i32_0 = arith.constant 0 : i32
    %c0_i32_1 = arith.constant 0 : i32
    return %c0_i32, %arg0, %c0_i32_0 : i32, i32, i32
  }
  func.func @transform_1(%arg0: i32) -> (i32, i32, i32) {
    %c0_i32 = arith.constant 0 : i32
    %c0_i32_0 = arith.constant 0 : i32
    %c0_i32_1 = arith.constant 0 : i32
    return %arg0, %c0_i32, %c0_i32_0 : i32, i32, i32
  }
  func.func @transform_2(%arg0: i32) -> (i32, i32) {
    %c0_i32 = arith.constant 0 : i32
    %c0_i32_0 = arith.constant 0 : i32
    return %arg0, %c0_i32 : i32, i32
  }
}

</mosaic_0001>

<sc_bundles>
// kernel: kernel.5.cloned.1.call-start
scs
__scs_entry_jumppad:
0x0: {  	(pc) =	sbr.rel $0x88, $3  }
0x1: {  	(tag) =	ssettag $0x0;
	lr =	simm.s32 $0x1  }
0x2: {  	[smem:$0x3F9C] =	sst lr;
	_ =	strace $0xD0000000  }
0x3: {  	_ = 	snop  }
0x4: {  	_ = 	snop  }
0x5: {  	_ = 	snop  }
0x6: {  	_ = 	snop  }
0x7: {  	_ = 	snop  }
__scs_overlays_trampoline_lowered:
0x8: {  	[smem:$0x3FAB] =	sst s0  }
0x9: {  	[smem:$0x3FAC] =	sst s1  }
0xa: {  	[smem:$0x3FAD] =	sst s2  }
0xb: {  	[smem:$0x3FAE] =	sst s3  }
0xc: {  	[smem:$0x3FAF] =	sst s4  }
0xd: {  	[smem:$0x3FB0] =	sst s5  }
0xe: {  	[smem:$0x3FB1] =	sst s6  }
0xf: {  	[smem:$0x3FB2] =	sst s7  }
0x10: {  	[smem:$0x3FB3] =	sst s8  }
0x11: {  	[smem:$0x3FB4] =	sst s9;
	s0 =	simm.s32 @!p0 $0x0  }
0x12: {  	s1 =	sld [smem:$0x3F9A];
	s0 =	simm.s32 @p0 $0x1  }
0x13: {  	[smem:$0x3FB5] =	sst s0;
	s0 =	simm.s32 @!p1 $0x0  }
0x14: {  	s2 =	sld [smem:$0x3F99];
	s0 =	simm.s32 @p1 $0x1  }
0x15: {  	[smem:$0x3FB6] =	sst s0;
	s0 =	simm.s32 @!p2 $0x0  }
0x16: {  	s3 =	sld [smem:$0x3FDB];
	s0 =	simm.s32 @p2 $0x1  }
0x17: {  	s4 =	simm.s32 $0x1BF5;
	[smem:$0x3FB8] =	sst s0  }
0x18: {  	s0 =	sld [smem:$0x3F9B];
	_ =	swait.ge [sflag:s4], $0x0  }
0x19: {  	s7 =	sld [smem:$0x3F9C]  }
0x1a: {  	s8 =	sadd.s32 $0xFFFFE003, lr  }
0x1b: {  	s9 =	sadd.s32 $0xFFFFFEF7, lr;
	s5 =	simm.s32 $0xFFFFFFFF;
	p2 =	slt.u32 s8, $0xFFFFF086  }
0x1c: {  	p1 =	slt.u32 s9, $0xF7A;
	s5 =	simm.s32 @!p2 $0x0  }
0x1d: {  	s5 =	simm.s32 @p1 $0x1;
	p0 =	seq.s32 s7, s2  }
0x1e: {  	s7 =	smul.u32 @!p0 $0xF7A, s2;
	p2 =	seq.s32 @!p0 s5, $0x0  }
0x1f: {  	s9 =	smul.u32 $0xF7A, s1;
	s8 =	simm.s32 @!p0 $0x1BF5;
	p2 =	por !p2, p0  }
0x20: {  	[sflag:s8] =	ssyncset.s32 @!p0 $0xFFFFF086;
	s6 =	sadd.s32 @!p0 s3, s7;
	s7 =	simm.s32 @!p0 $0x108  }
0x21: {  	s3 =	sadd.s32 s3, s9;
	s6 =	sadd.s32 @!p0 $0x88, s6;
	s7 =	simm.s32 @p2 $0x1082  }
0x22: {  	[simem:s7], [sflag:s8] =	dma.local @!p0 [hbm:s6], $0xF7A  }
0x23: {  	s9 =	sor.u32 $0xD0000000, s2;
	s6 =	simm.s32 $0x108;
	_ =	swait.ge @!p0 [sflag:s8], $0x0  }
0x24: {  	s3 =	sadd.s32 $0x88, s3;
	s6 =	simm.s32 @!p1 $0x1082;
	[sflag:s4] =	ssyncset.s32 $0xFFFFF086  }
0x25: {  	[simem:s6], [sflag:s4] =	dma.local [hbm:s3], $0xF7A  }
0x26: {  	[smem:$0x3F9C] =	sst s1;
	(tag) =	ssettag s2;
	_ =	strace s9  }
0x27: {  	s1 =	sld [smem:$0x3FAC]  }
0x28: {  	s2 =	sld [smem:$0x3FAD]  }
0x29: {  	s4 =	sld [smem:$0x3FAF]  }
0x2a: {  	p0 =	seq.s32 s5, $0x0;
	s5 =	sld [smem:$0x3FB0]  }
0x2b: {  	s6 =	sld [smem:$0x3FB1]  }
0x2c: {  	s7 =	sld [smem:$0x3FB2]  }
0x2d: {  	s3 =	simm.s32 $0x108;
	s8 =	sld [smem:$0x3FB3]  }
0x2e: {  	s3 =	simm.s32 @!p0 $0x1082;
	s9 =	sld [smem:$0x3FB4]  }
0x2f: {  	lr =	sadd.s32 s0, s3;
	s0 =	sld [smem:$0x3FAB]  }
0x30: {  	s3 =	sld [smem:$0x3FAE]  }
0x31: {  	[smem:$0x3FB7] =	sst s10  }
0x32: {  	s10 =	sld [smem:$0x3FB5];
	_ =	sdelay $0x3  }
0x33: {  	p0 =	seq.s32 s10, $0x1;
	s10 =	sld [smem:$0x3FB7];
	_ =	sdelay $0x3  }
0x34: {  	[smem:$0x3FB7] =	sst s10  }
0x35: {  	s10 =	sld [smem:$0x3FB6];
	_ =	sdelay $0x3  }
0x36: {  	p1 =	seq.s32 s10, $0x1;
	s10 =	sld [smem:$0x3FB7];
	_ =	sdelay $0x3  }
0x37: {  	[smem:$0x3FB7] =	sst s10  }
0x38: {  	s10 =	sld [smem:$0x3FB8]  }
0x39: {  	_ = 	snop;
	(pc) =	sbr.ind lr, $3  }
0x3a: {  	_ = 	snop  }
0x3b: {  	_ = 	snop  }
0x3c: {  	p2 =	seq.s32 s10, $0x1;
	s10 =	sld [smem:$0x3FB7]  }
0x3d: {  	_ =	shalt  }
0x3e: {  	_ =	shalt  }
0x3f: {  	_ =	shalt  }
0x40: {  	_ =	shalt  }
0x41: {  	_ =	shalt  }
0x42: {  	_ =	shalt  }
0x43: {  	_ =	shalt  }
0x44: {  	_ =	shalt  }
0x45: {  	_ =	shalt  }
0x46: {  	_ =	shalt  }
0x47: {  	_ =	shalt  }
0x48: {  	_ =	shalt  }
0x49: {  	_ =	shalt  }
0x4a: {  	_ =	shalt  }
0x4b: {  	_ =	shalt  }
0x4c: {  	_ =	shalt  }
0x4d: {  	_ =	shalt  }
0x4e: {  	_ =	shalt  }
0x4f: {  	_ =	shalt  }
0x50: {  	_ =	shalt  }
0x51: {  	_ =	shalt  }
0x52: {  	_ =	shalt  }
0x53: {  	_ =	shalt  }
0x54: {  	_ =	shalt  }
0x55: {  	_ =	shalt  }
0x56: {  	_ =	shalt  }
0x57: {  	_ =	shalt  }
0x58: {  	_ =	shalt  }
0x59: {  	_ =	shalt  }
0x5a: {  	_ =	shalt  }
0x5b: {  	_ =	shalt  }
0x5c: {  	_ =	shalt  }
0x5d: {  	_ =	shalt  }
0x5e: {  	_ =	shalt  }
0x5f: {  	_ =	shalt  }
0x60: {  	_ =	shalt  }
0x61: {  	_ =	shalt  }
0x62: {  	_ =	shalt  }
0x63: {  	_ =	shalt  }
0x64: {  	_ =	shalt  }
0x65: {  	_ =	shalt  }
0x66: {  	_ =	shalt  }
0x67: {  	_ =	shalt  }
0x68: {  	_ =	shalt  }
0x69: {  	_ =	shalt  }
0x6a: {  	_ =	shalt  }
0x6b: {  	_ =	shalt  }
0x6c: {  	_ =	shalt  }
0x6d: {  	_ =	shalt  }
0x6e: {  	_ =	shalt  }
0x6f: {  	_ =	shalt  }
0x70: {  	_ =	shalt  }
0x71: {  	_ =	shalt  }
0x72: {  	_ =	shalt  }
0x73: {  	_ =	shalt  }
0x74: {  	_ =	shalt  }
0x75: {  	_ =	shalt  }
0x76: {  	_ =	shalt  }
0x77: {  	_ =	shalt  }
0x78: {  	_ =	shalt  }
0x79: {  	_ =	shalt  }
0x7a: {  	_ =	shalt  }
0x7b: {  	_ =	shalt  }
0x7c: {  	_ =	shalt  }
0x7d: {  	_ =	shalt  }
0x7e: {  	_ =	shalt  }
0x7f: {  	_ =	shalt  }
0x80: {  	_ =	shalt  }
0x81: {  	_ =	shalt  }
0x82: {  	_ =	shalt  }
0x83: {  	_ =	shalt  }
0x84: {  	_ =	shalt  }
0x85: {  	_ =	shalt  }
0x86: {  	_ =	shalt  }
0x87: {  	_ =	shalt  }
.Lfunc_end0:
.L_simem_size_0:
called_computation_lowered:
.L_overlay_start_0:
0x88: {  	s2 =	sld [smem:$0x3FD9]  }
0x89: {  	s3 =	sld [smem:$0x3FFE];
	_ =	sdelay $0x1  }
0x8a: {  	s1 =	srdreg.scid  }
0x8b: {  	s0 =	sand.u32 $0x1, s1  }
0x8c: {  	s17 =	sshll.u32 s0, $0xA;
	s2 =	sadd.s32 s3, s2  }
0x8d: {  	s2 =	sadd.s32 s2, s17  }
0x8e: {  	[smem:$0x3FC3] =	sst s2  }
0x8f: {  	_ = 	snop  }
0x90: {  	s2 =	sld [smem:$0x3FD0];
	(tm) =	ssettm $0x1  }
0x91: {  	s18 =	sld [smem:$0x3FFB];
	_ =	sdelay $0x3  }
0x92: {  	_ =	strace s18  }
0x93: {  	s3 =	sld [smem:$0x3FFC];
	_ =	sdelay $0x3  }
0x94: {  	_ =	strace s3  }
0x95: {  	s3 =	sld [smem:$0x3FFD];
	_ =	sdelay $0x3  }
0x96: {  	_ =	strace s3  }
0x97: {  	_ =	strace $0x8FFFFFFF  }
0x98: {  	s19 =	sld [smem:$0x3FDB];
	_ =	sdelay $0x1  }
0x99: {  	s4 =	simm.s32 $_scs_section_size  }
0x9a: {  	s5 =	simm.s32 $_size__tile_overlayer_lowered;
	s6 =	simm.s32 $_tile_overlayer_lowered  }
0x9b: {  	s22 =	simm.s32 $0x1BFF;
	s21 =	sshll.u32 s6, $0x1;
	s3 =	sadd.s32 s4, s19  }
0x9c: {  	s7 =	simm.s32 $0x0;
	s20 =	sshll.u32 s5, $0x1;
	s5 =	sadd.s32 s21, s3  }
0x9d: {  	[timem:s7], [sflag:s22] =	dma.local [hbm:s5], s20  }
0x9e: {  	_ =	swait.ge [sflag:s22], s20  }
0x9f: {  	s4 =	ssub.s32 $0x0, s20;
	[sflag:s22] =	ssyncset.done $0x0  }
0xa0: {  	[sflag:s22] =	ssyncadd.s32 s4;
	_ =	sdelay $0x1  }
0xa1: {  	s23 =	simm.s32 $0x1B8B  }
0xa2: {  	_ =	swait.ge [sflag:s23], $0x1  }
0xa3: {  	[sflag:s23] =	ssyncset.done $0x0  }
0xa4: {  	s25 =	simm.s32 $0x1B8E;
	s24 =	sld [smem:$0x3FFE];
	[sflag:s23] =	ssyncadd.s32 $0xFFFFFFFF  }
0xa5: {  	s26 =	simm.s32 $execute0_lowered;
	[smem:$0x3FD2] =	sst s25  }
0xa6: {  	s5 =	sshll.u32 s26, $0x1;
	_ =	strace $0x80000046;
	[dreg:$0x1] =	wrdreg $0xFFFFFFFF  }
0xa7: {  	s28 =	simm.s32 $_size_execute0_lowered;
	s3 =	sadd.s32 s3, s5;
	[dreg:$0x0] =	wrdreg $0x0  }
0xa8: {  	s5 =	sshll.u32 s28, $0x1;
	[dreg:$0x2] =	wrdreg s3  }
0xa9: {  	[dreg:$0x3] =	wrdreg s5  }
0xaa: {  	[dreg:$0x4] =	wrdreg $0xC0  }
0xab: {  	_ =	task [dreg:s7], $0x5FFFF  }
0xac: {  	[dreg:$0x1] =	wrdreg $0xFFFFFFFF  }
0xad: {  	[dreg:$0x0] =	wrdreg $0x60  }
0xae: {  	[dreg:$0x2] =	wrdreg s2  }
0xaf: {  	[dreg:$0x3] =	wrdreg s24  }
0xb0: {  	[dreg:$0x4] =	wrdreg $0xB0C00  }
0xb1: {  	[dreg:$0x5] =	wrdreg $0x9  }
0xb2: {  	_ =	task.clear_ibuf [dreg:s7], $0x6FFFF;
	_ =	strace $0x90000046  }
0xb3: {  	s29 =	simm.s32 $0x9;
	_ =	strace $0x80000048  }
0xb4: {  	_ =	swait.ge [sflag:s29], $0x1  }
0xb5: {  	[sflag:s29] =	ssyncadd.s32 $0xFFFFFFFF  }
0xb6: {  	_ =	strace $0x90000048  }
0xb7: {  	_ =	sfence  }
0xb8: {  	s30 =	sld [smem:$0x0];
	_ =	sdelay $0x2  }
0xb9: {  	s31 =	sshll.u32 s1, $0xD;
	s1 =	sshrl.u32 s1, $0x2  }
0xba: {  	s3 =	sand.u32 $0x4000, s31;
	s1 =	sadd.s32 s1, s30  }
0xbb: {  	s0 =	sor.u32 s3, s0;
	s1 =	sshll.u32 s1, $0x11  }
0xbc: {  	s0 =	sor.u32 s1, s0  }
0xbd: {  	s0 =	sadd.s32 $0x8F2B, s0  }
0xbe: {  	[sflag:s0] =	ssyncadd.remote.s32 $0x1  }
0xbf: {  	_ =	sfence.sel $0xFFFF  }
0xc0: {  	[dreg:$0x0] =	wrdreg $0xFFFFFFFF;
	(pc) =	sbr.abs _section_cstart, $3  }
0xc1: {  	[dreg:$0x1] =	wrdreg $0xFFFFFFFF  }
0xc2: {  	_ =	task.clear_ibuf [dreg:s7], $0x2FFFF;
	_ =	strace $0x9FFFFFFF  }
0xc3: {  	(tm) =	ssettm $0x7FFFFFFF  }
tec
execute0_lowered:
.L_overlay_start_1:
0x0: {  	(tag) =	ssettag $0x1  }
0x1: {  	s1 =	rddreg [dreg:$0x0]  }
0x2: {  	s0 =	rddreg [dreg:$0x1]  }
0x3: {  	s3 =	rddreg [dreg:$0x2];
	s4 =	simm.s32 $0x0;
	s12 =	stileid.u32  }
0x4: {  	s2 =	srdreg.scid;
	s28 =	simm.s32 $0xB060;
	s29 =	simm.s32 $0x4E80  }
0x5: {  	s30 =	simm.s32 $0x3;
	s31 =	simm.s32 $0x4FA0;
	[smem:$0x7FF] =	sst s4  }
0x6: {  	s6 =	smul.u32 $0x14000, s12;
	s2 =	sand.u32 $0x1, s2;
	s5 =	sadd.s32 $0x1200, s0  }
0x7: {  	s8 =	sadd.s32 $0x15600, s0;
	s16 =	sadd.s32 $0x15C00, s0;
	s23 =	smul.u32 $0x2880, s12  }
0x8: {  	s26 =	sshll.u32 s12, $0x6;
	_ =	strace $0x80000047;
	[dreg:$0x4] =	wrdreg s8  }
0x9: {  	s7 =	smul.u32 $0x140000, s2;
	[dreg:$0x5] =	wrdreg s16;
	s18 =	sshll.u32 s2, $0x4  }
0xa: {  	s10 =	ssub.s32 $0x2, s2;
	s2 =	smul.u32 $0x28800, s2;
	s17 =	sshrl.u32 s6, $0x3  }
0xb: {  	s8 =	sor.u32 s12, s18;
	s19 =	sshrl.u32 s10, $0x1;
	s18 =	simm.s32 $0x2710  }
0xc: {  	s12 =	simm.s32 $0x0;
	s9 =	sadd.s32 s17, s0;
	s11 =	smul.u32 $0xA20, s8  }
0xd: {  	s7 =	sadd.s32 s6, s7;
	s6 =	sadd.s32 s6, s3;
	s8 =	smul.u32 $0x6C, s8  }
0xe: {  	s25 =	sadd.s32 s23, s2;
	s17 =	simm.s32 $0x5;
	s23 =	simm.s32 $0x5060  }
0xf: {  	s2 =	simm.s32 $0x4F40;
	s7 =	sshrl.u32 s7, $0x3;
	s9 =	sadd.s32 $0x16200, s9  }
0x10: {  	[dreg:$0xc] =	wrdreg s25;
	s25 =	simm.s32 $0x8060;
	s0 =	sadd.s32 s7, s0  }
0x11: {  	s7 =	ssub.s32 s10, s19;
	[dreg:$0x6] =	wrdreg s9;
	s20 =	sadd.s32 s5, s11  }
0x12: {  	s21 =	sor.u32 $0x2, s8;
	s22 =	sor.u32 $0x3, s8;
	[dreg:$0x7] =	wrdreg s20  }
0x13: {  	s13 =	sadd.s32 $0x4, s8;
	s10 =	sor.u32 $0x1C05, s26;
	[dreg:$0x8] =	wrdreg s21  }
0x14: {  	s11 =	sshrl.u32 s6, $0x3;
	s26 =	simm.s32 $0x1;
	[dreg:$0x9] =	wrdreg s22  }
0x15: {  	s6 =	simm.s32 $0x4;
	s0 =	sadd.s32 $0x3E200, s0;
	[dreg:$0xd] =	wrdreg s10  }
0x16: {  	s24 =	smax.u32 s7, $0x1;
	s21 =	simm.s32 $0x4E20;
	[dreg:$0xe] =	wrdreg s11  }
0x17: {  	s22 =	simm.s32 $0x60;
	s7 =	simm.s32 $0x5000;
	[dreg:$0xa] =	wrdreg s0  }
0x18: {  	[dreg:$0xb] =	wrdreg s24;
	s24 =	simm.s32 $0x4EE0;
	s0 =	simm.s32 $0x2  }
.LBB2_1:
0x19: {  	[dreg:$0xf] =	wrdreg s12  }
0x1a: {  	s9 =	rddreg [dreg:$0x4]  }
0x1b: {  	[tilespmem:s4], [sflag:$0x5] =	stream.linear.gather [hbm4b:s9+s4], $0x2710, $0x38;
	[tilespmem:$0x1F0C0] =	vst v63  }
0x1c: {  	_ =	swait.ge [sflag:s17], $0x2710  }
0x1d: {  	[sflag:s17] =	ssyncset.done $0x0  }
0x1e: {  	s16 =	rddreg [dreg:$0x5];
	[sflag:s17] =	ssyncadd.s32 $0xFFFFD8F0  }
0x1f: {  	[tilespmem:s18], [sflag:$0x5] =	stream.linear.gather [hbm4b:s16+s4], $0x2710, $0x38;
	[tilespmem:$0x1F0C0] =	vst v63  }
0x20: {  	_ =	swait.ge [sflag:s17], $0x2710  }
0x21: {  	[sflag:s17] =	ssyncset.done $0x0  }
0x22: {  	s19 =	rddreg [dreg:$0x6];
	[sflag:s17] =	ssyncadd.s32 $0xFFFFD8F0  }
0x23: {  	[spmem:s11], [sflag:s10] =	dma.local [hbm:s19], $0x2800  }
0x24: {  	_ =	swait.ge [sflag:s17], $0x2800  }
0x25: {  	[sflag:s17] =	ssyncset.done $0x0  }
0x26: {  	[sflag:s17] =	ssyncadd.s32 $0xFFFFD800  }
0x27: {  	[bflag:$0x0] =	sbarrier.arrive $0xFFFF  }
0x28: {  	s20 =	rddreg [dreg:$0x7]  }
0x29: {  	[tilespmem:s21], [sflag:$0x5] =	stream.linear.gather [hbm4b:s20+s4], $0xC0, $0x38;
	[tilespmem:$0x1F0C0] =	vst v63  }
0x2a: {  	_ =	swait.ge [sflag:s17], $0xC0  }
0x2b: {  	[sflag:s17] =	ssyncset.done $0x0  }
0x2c: {  	s14 =	simm.s32 $0x0;
	s16 =	rddreg [dreg:$0xc];
	[sflag:s17] =	ssyncadd.s32 $0xFFFFFF40  }
0x2d: {  	[tilespmem:s23], [sflag:$0x1] =	stream.indirect.gather [hbm4b:s1+s22], $0x80, s21, s22, $0xb8;
	[tilespmem:$0x1F0C0] =	vst v63  }
.LBB2_2:
0x2e: {  	s15 =	smul.u32 $0x6, s14;
	_ =	sdelay $0x1  }
0x2f: {  	s9 =	sadd.s32 s8, s15  }
0x30: {  	p0 =	seq.s32 s14, $0x0;
	s9 =	smul.u32 $0xC0, s9  }
0x31: {  	s10 =	simm.s32 @!p0 $0x4  }
0x32: {  	_ =	swait.ge @!p0 [sflag:s10], $0x3000;
	s9 =	sshrl.u32 s9, $0x3  }
0x33: {  	[sflag:s10] =	ssyncset.done @!p0 $0x0;
	s9 =	sadd.s32 s5, s9  }
0x34: {  	[sflag:s10] =	ssyncadd.s32 @!p0 $0xFFFFD000;
	s9 =	sadd.s32 $0x18, s9  }
0x35: {  	[tilespmem:s24], [sflag:$0x5] =	stream.linear.gather [hbm4b:s9+s4], $0xC0, $0x38;
	[tilespmem:$0x1F0C0] =	vst v63  }
0x36: {  	_ =	swait.ge [sflag:s17], $0xC0  }
0x37: {  	[sflag:s17] =	ssyncset.done $0x0  }
0x38: {  	s12 =	simm.s32 $0x4E90;
	[sflag:s17] =	ssyncadd.s32 $0xFFFFFF40  }
0x39: {  	[tilespmem:s25], [sflag:$0x2] =	stream.indirect.gather [hbm4b:s1+s22], $0x80, s24, s22, $0xb8;
	[tilespmem:$0x1F0C0] =	vst v63  }
0x3a: {  	v0 =	vld [tilespmem:s12+$0x0]  }
0x3b: {  	v1 =	vld [tilespmem:s12+$0xFFFFFFA0]  }
0x3c: {  	v2 =	vld [tilespmem:s12+$0xFFFFFFF0]  }
0x3d: {  	v3 =	vld [tilespmem:s12+$0xFFFFFF90];
	_ =	sdelay $0x4  }
0x3e: {  	v0 =	vld.idx.msk [tilespmem:v0+s4+$0x0], $0xffff  }
0x3f: {  	v1 =	vld.idx.msk [tilespmem:v1+s18+$0x0], $0xffff  }
0x40: {  	v2 =	vld.idx.msk [tilespmem:v2+s4+$0x0], $0xffff  }
0x41: {  	v3 =	vld.idx.msk [tilespmem:v3+s18+$0x0], $0xffff;
	_ =	sdelay $0x2  }
0x42: {  	v4 =	vadd.f32 v1, v0;
	_ =	sdelay $0x1  }
0x43: {  	v1 =	vadd.f32 v3, v2;
	v0 =	vand.u32 $0x7FFFFFFF, v4  }
0x44: {  	v0 =	vmul.f32 $-2.000000000e+00, v0  }
0x45: {  	v2 =	vand.u32 $0x7FFFFFFF, v1  }
0x46: {  	v2 =	vmul.f32 $-2.000000000e+00, v2;
	v0 =	vmul.f32 $1.442695020e+00, v0;
	_ =	sdelay $0x1  }
0x47: {  	(erf) = vpow2.f32 v0;
	v0 =	vmul.f32 $1.442695020e+00, v2;
	_ =	sdelay $0x1  }
0x48: {  	(erf) = vpow2.f32 v0  }
0x49: {  	s19 =	simm.s32 $0x4EB0  }
0x4a: {  	v2 =	vld [tilespmem:s19+$0xFFFFFFA0]  }
0x4b: {  	v0 =	vld [tilespmem:s19+$0x0]  }
0x4c: {  	v5 =	vld [tilespmem:s19+$0xFFFFFF90]  }
0x4d: {  	v3 =	vld [tilespmem:s19+$0xFFFFFFF0];
	_ =	sdelay $0x1  }
0x4e: {  	v6 =	vpop (erf)  }
0x4f: {  	v7 =	vadd.f32 $1.000000000e+00, v6  }
0x50: {  	v8 =	vpop (erf)  }
0x51: {  	v2 =	vld.idx.msk [tilespmem:v2+s18+$0x0], $0xffff;
	(erf) = vrcp.f32 v7;
	v58 =	vadd.f32 $1.000000000e+00, v8  }
0x52: {  	v0 =	vld.idx.msk [tilespmem:v0+s4+$0x0], $0xffff  }
0x53: {  	v5 =	vld.idx.msk [tilespmem:v5+s18+$0x0], $0xffff;
	(erf) = vrcp.f32 v58  }
0x54: {  	v3 =	vld.idx.msk [tilespmem:v3+s4+$0x0], $0xffff;
	_ =	sdelay $0x2  }
0x55: {  	v0 =	vadd.f32 v2, v0;
	_ =	sdelay $0x1  }
0x56: {  	v2 =	vadd.f32 v5, v3;
	v3 =	vsub.f32 $1.000000000e+00, v6;
	v5 =	vand.u32 $0x7FFFFFFF, v0  }
0x57: {  	vm0 =	vlt.f32 v1, $0.0e+00;
	v5 =	vmul.f32 $-2.000000000e+00, v5;
	v59 =	vpop (erf)  }
0x58: {  	v1 =	vsub.f32 $1.000000000e+00, v8;
	v60 =	vand.u32 $0x7FFFFFFF, v2;
	v3 =	vmul.f32 v59, v3  }
0x59: {  	v61 =	vmul.f32 $-2.000000000e+00, v60;
	v5 =	vmul.f32 $1.442695020e+00, v5;
	v62 =	vpop (erf)  }
0x5a: {  	v63 =	vsub.f32 $0.0e+00, v3;
	v1 =	vmul.f32 v62, v1  }
0x5b: {  	s20 =	sadd.s32 $0x10, s16;
	p1 =	slt.u32 s16, $0x4E200;
	vm2 =	vlt.f32 v4, $0.0e+00;
	v6 =	vmul.f32 $1.442695020e+00, v61;
	(erf) = vpow2.f32 v5  }
0x5c: {  	s11 =	simm.s32 $0x4ED0;
	p6 =	slt.u32 s20, $0x4E200;
	s20 =	smov.u32 s16;
	vm1 =	vlt.f32 v2, $0.0e+00;
	v2 =	vsel vm2, v63, v3;
	v3 =	vsub.f32 $0.0e+00, v1  }
0x5d: {  	s10 =	sor.u32 $0x1, s15;
	s9 =	simm.s32 $0x2;
	vm0 =	vmmov vm0;
	s19 =	simm.s32 $0xB070;
	(erf) = vpow2.f32 v6;
	v2 =	vpsel !p6, $0x0, v2  }
.LBB2_3:
0x5e: {  	v4 =	vld [tilespmem:s11+$0x0];
	v1 =	vsel vm0, v3, v1;
	[tilespmem:s19+$0x0] =	vst v2;
	vm0 =	vmmov vm1  }
0x5f: {  	s9 =	sadd.s32 $0x2, s9;
	v2 =	vld [tilespmem:s11+$0xFFFFFFA0];
	v1 =	vpsel !p1, $0x0, v1  }
0x60: {  	p0 =	slt.u32 s9, $0x4;
	v3 =	vld [tilespmem:s11+$0xFFFFFFF0];
	[tilespmem:s19+$0xFFFFFFF0] =	vst v1  }
0x61: {  	v1 =	vld [tilespmem:s11+$0xFFFFFF90];
	_ =	sdelay $0x2  }
0x62: {  	v5 =	vpop (erf)  }
0x63: {  	v6 =	vadd.f32 $1.000000000e+00, v5  }
0x64: {  	v4 =	vld.idx.msk [tilespmem:v4+s4+$0x0], $0xffff;
	v7 =	vpop (erf)  }
0x65: {  	v2 =	vld.idx.msk [tilespmem:v2+s18+$0x0], $0xffff;
	v8 =	vsub.f32 $1.000000000e+00, v7;
	v7 =	vadd.f32 $1.000000000e+00, v7;
	(erf) = vrcp.f32 v6  }
0x66: {  	v3 =	vld.idx.msk [tilespmem:v3+s4+$0x0], $0xffff  }
0x67: {  	v1 =	vld.idx.msk [tilespmem:v1+s18+$0x0], $0xffff;
	(erf) = vrcp.f32 v7;
	_ =	sdelay $0x3  }
0x68: {  	v2 =	vadd.f32 v2, v4;
	_ =	sdelay $0x1  }
0x69: {  	v4 =	vsub.f32 $1.000000000e+00, v5;
	v7 =	vadd.f32 v1, v3;
	v3 =	vand.u32 $0x7FFFFFFF, v2  }
0x6a: {  	v3 =	vmul.f32 $-2.000000000e+00, v3;
	v5 =	vpop (erf)  }
0x6b: {  	v6 =	vand.u32 $0x7FFFFFFF, v7;
	vm1 =	vlt.f32 v7, $0.0e+00;
	v4 =	vmul.f32 v5, v4  }
.Ltmp0:
0x6c: {  	v5 =	vmul.f32 $-2.000000000e+00, v6;
	v3 =	vmul.f32 $1.442695020e+00, v3;
	v1 =	vpop (erf);
	(pc) =	sbr.rel @p0 .LBB2_3-.Ltmp0, $4  }
0x6d: {  	s20 =	sadd.s32 $0x20, s20;
	v1 =	vmul.f32 v1, v8;
	v6 =	vsub.f32 $0.0e+00, v4  }
0x6e: {  	vm2 =	vlt.f32 v0, $0.0e+00;
	p1 =	slt.u32 s20, $0x4E200;
	s12 =	sadd.s32 $0x10, s20;
	v0 =	vmovc v2;
	v5 =	vmul.f32 $1.442695020e+00, v5;
	(erf) = vpow2.f32 v3  }
0x6f: {  	p2 =	slt.u32 s12, $0x4E200;
	v3 =	vsub.f32 $0.0e+00, v1;
	v2 =	vsel vm2, v6, v4  }
0x70: {  	s19 =	sadd.s32 $0x20, s19;
	s11 =	sadd.s32 $0x20, s11;
	(erf) = vpow2.f32 v5;
	v2 =	vpsel !p2, $0x0, v2  }
0x71: {  	_ =	sdelay $0x6  }
0x72: {  	v4 =	vpop (erf)  }
0x73: {  	v5 =	vadd.f32 $1.000000000e+00, v4;
	v6 =	vpop (erf)  }
0x74: {  	v7 =	vadd.f32 $1.000000000e+00, v6  }
0x75: {  	(erf) = vrcp.f32 v5  }
0x76: {  	(erf) = vrcp.f32 v7;
	_ =	sdelay $0x6  }
0x77: {  	v4 =	vsub.f32 $1.000000000e+00, v4  }
0x78: {  	v5 =	vsub.f32 $1.000000000e+00, v6;
	v6 =	vpop (erf)  }
0x79: {  	v4 =	vmul.f32 v6, v4;
	v6 =	vpop (erf)  }
0x7a: {  	v5 =	vmul.f32 v6, v5  }
0x7b: {  	v1 =	vsel vm0, v3, v1;
	vm14 =	vmmov vm1;
	s9 =	sadd.s32 $0x20, s20;
	s11 =	simm.s32 $0x0;
	v3 =	vsub.f32 $0.0e+00, v4  }
0x7c: {  	vm15 =	vlt.f32 v0, $0.0e+00;
	s12 =	sadd.s32 $0x10, s9;
	v6 =	vmov s11;
	v0 =	vsub.f32 $0.0e+00, v5  }
0x7d: {  	[tilespmem:s19+$0x0] =	vst v2;
	v1 =	vpsel !p1, $0x0, v1;
	p0 =	slt.u32 s12, $0x4E200;
	v2 =	vsel vm15, v3, v4;
	v3 =	vand.u32 $0xFFFFFFFE, v6  }
0x7e: {  	p6 =	slt.u32 s9, $0x4E200;
	[tilespmem:s19+$0xFFFFFFF0] =	vst v1;
	s19 =	sadd.s32 $0x20, s19;
	v1 =	vpsel !p0, $0x0, v2;
	v2 =	vbroadcast v3, $0x0;
	v0 =	vsel vm14, v0, v5  }
0x7f: {  	[tilespmem:s19+$0x0] =	vst v1;
	v0 =	vpsel !p6, $0x0, v0  }
0x80: {  	[tilespmem:s19+$0xFFFFFFF0] =	vst v0  }
0x81: {  	_ =	swait.ge [sflag:s26], $0x3000  }
0x82: {  	[sflag:s26] =	ssyncset.done $0x0  }
0x83: {  	[sflag:s26] =	ssyncadd.s32 $0xFFFFD000  }
0x84: {  	s19 =	simm.s32 $0x50E0;
	v1 =	vld.idx.msk [tilespmem:v2+s28+$0x0], $0xffff  }
0x85: {  	v0 =	vld [tilespmem:s19+$0xFFFFFFF0]  }
0x86: {  	v2 =	vld [tilespmem:s19+$0xFFFFFF80]  }
0x87: {  	s20 =	simm.s32 $0x1;
	v5 =	vld [tilespmem:s19+$0xFFFFFF90]  }
0x88: {  	v6 =	vmov s20;
	v7 =	vld [tilespmem:s19+$0xFFFFFFA0]  }
0x89: {  	v10 =	vld [tilespmem:s19+$0xFFFFFFB0]  }
0x8a: {  	v4 =	vld [tilespmem:s19+$0xFFFFFFC0]  }
0x8b: {  	v3 =	vld [tilespmem:s19+$0xFFFFFFD0];
	v8 =	vmul.f32 v0, v1  }
0x8c: {  	v9 =	vmul.f32 v2, v1;
	v2 =	vld [tilespmem:s19+$0xFFFFFFE0]  }
0x8d: {  	v0 =	vld.idx.msk [tilespmem:v6+s28+$0x0], $0xffff;
	v5 =	vmul.f32 v5, v1;
	[tilespmem:s19+$0xFFFFFFF0] =	vst v8  }
0x8e: {  	s9 =	simm.s32 $0x2;
	v6 =	vld [tilespmem:s19+$0x0];
	[tilespmem:s19+$0xFFFFFF80] =	vst v9;
	v8 =	vmul.f32 v7, v1  }
0x8f: {  	s11 =	simm.s32 $0x4;
	s20 =	simm.s32 $0x50E0;
	v9 =	vmov s9;
	[tilespmem:s19+$0xFFFFFF90] =	vst v5;
	v7 =	vmul.f32 v10, v1;
	v5 =	vld [tilespmem:s19+$0x10]  }
.LBB2_5:
0x90: {  	p0 =	slt.u32 s11, $0x5E;
	v9 =	vand.u32 $0xFFFFFFFE, v9;
	s12 =	sadd.s32 $0x1, s9;
	[tilespmem:s19+$0xFFFFFFA0] =	vst v8;
	v4 =	vmul.f32 v4, v1;
	v8 =	vld [tilespmem:s19+$0x20];
	s9 =	smov.u32 s11  }
0x91: {  	v9 =	vbroadcast v9, $0x0;
	v10 =	vmov s12;
	[tilespmem:s19+$0xFFFFFFB0] =	vst v7;
	v3 =	vmul.f32 v3, v1;
	v7 =	vld [tilespmem:s19+$0x30]  }
0x92: {  	[tilespmem:s19+$0xFFFFFFC0] =	vst v4;
	v1 =	vmul.f32 v2, v1;
	v2 =	vld [tilespmem:s19+$0x40]  }
0x93: {  	[tilespmem:s19+$0xFFFFFFD0] =	vst v3;
	v3 =	vmul.f32 v6, v0;
	v4 =	vld [tilespmem:s19+$0x50]  }
0x94: {  	[tilespmem:s19+$0xFFFFFFE0] =	vst v1;
	v1 =	vmul.f32 v5, v0;
	v5 =	vld [tilespmem:s19+$0x60]  }
0x95: {  	[tilespmem:s19+$0x0] =	vst v3;
	v3 =	vmul.f32 v8, v0;
	v6 =	vld [tilespmem:s19+$0x70]  }
0x96: {  	v8 =	vld.idx.msk [tilespmem:v10+s28+$0x0], $0xffff;
	[tilespmem:s19+$0x10] =	vst v1;
	v7 =	vmul.f32 v7, v0  }
0x97: {  	s19 =	sadd.s32 $0x100, s19;
	v1 =	vld.idx.msk [tilespmem:v9+s28+$0x0], $0xffff;
	[tilespmem:s20+$0x20] =	vst v3;
	v2 =	vmul.f32 v2, v0  }
0x98: {  	v3 =	vld [tilespmem:s19+$0xFFFFFFF0];
	[tilespmem:s20+$0x30] =	vst v7;
	v4 =	vmul.f32 v4, v0  }
0x99: {  	v7 =	vld [tilespmem:s19+$0xFFFFFF80];
	[tilespmem:s20+$0x40] =	vst v2;
	v2 =	vmul.f32 v5, v0  }
0x9a: {  	v5 =	vld [tilespmem:s19+$0xFFFFFF90];
	[tilespmem:s20+$0x50] =	vst v4;
	v4 =	vmul.f32 v6, v0  }
0x9b: {  	v6 =	vld [tilespmem:s19+$0xFFFFFFA0];
	[tilespmem:s20+$0x60] =	vst v2  }
0x9c: {  	v0 =	vmov v8;
	v10 =	vld [tilespmem:s19+$0xFFFFFFB0];
	[tilespmem:s20+$0x70] =	vst v4;
	s20 =	smov.u32 s19  }
.Ltmp1:
0x9d: {  	v4 =	vld [tilespmem:s19+$0xFFFFFFC0];
	v8 =	vmul.f32 v3, v1;
	(pc) =	sbr.rel @p0 .LBB2_5-.Ltmp1, $4  }
0x9e: {  	v7 =	vmul.f32 v7, v1;
	v3 =	vld [tilespmem:s19+$0xFFFFFFD0]  }
0x9f: {  	v5 =	vmul.f32 v5, v1;
	v2 =	vld [tilespmem:s19+$0xFFFFFFE0];
	[tilespmem:s19+$0xFFFFFFF0] =	vst v8  }
0xa0: {  	[tilespmem:s19+$0xFFFFFF80] =	vst v7;
	v8 =	vmul.f32 v6, v1;
	v6 =	vld [tilespmem:s19+$0x0]  }
0xa1: {  	s11 =	sadd.s32 $0x2, s11;
	v9 =	vmov s9;
	[tilespmem:s19+$0xFFFFFF90] =	vst v5;
	v7 =	vmul.f32 v10, v1;
	v5 =	vld [tilespmem:s19+$0x10]  }
0xa2: {  	v10 =	vld [tilespmem:s19+$0x20]  }
0xa3: {  	v9 =	vand.u32 $0xFFFFFFFE, v9;
	v11 =	vld [tilespmem:s19+$0x30]  }
0xa4: {  	v13 =	vld [tilespmem:s19+$0x40];
	[tilespmem:s19+$0xFFFFFFA0] =	vst v8;
	v4 =	vmul.f32 v4, v1;
	v9 =	vbroadcast v9, $0x0  }
0xa5: {  	v44 =	vld [tilespmem:s19+$0x50];
	[tilespmem:s19+$0xFFFFFFB0] =	vst v7;
	v3 =	vmul.f32 v3, v1  }
0xa6: {  	v45 =	vld [tilespmem:s19+$0x60];
	s12 =	sadd.s32 $0x100, s19;
	[tilespmem:s19+$0xFFFFFFC0] =	vst v4;
	v1 =	vmul.f32 v2, v1  }
0xa7: {  	v46 =	vld [tilespmem:s12+$0xFFFFFFF0];
	v6 =	vmul.f32 v6, v0;
	[tilespmem:s19+$0xFFFFFFD0] =	vst v3  }
0xa8: {  	v47 =	vld [tilespmem:s12+$0xFFFFFF80];
	v3 =	vmul.f32 v5, v0;
	[tilespmem:s19+$0xFFFFFFE0] =	vst v1  }
0xa9: {  	v2 =	vld [tilespmem:s19+$0x70];
	[tilespmem:s19+$0x0] =	vst v6;
	v1 =	vmul.f32 v10, v0  }
0xaa: {  	[tilespmem:s19+$0x10] =	vst v3;
	v3 =	vmul.f32 v11, v0;
	v5 =	vld.idx.msk [tilespmem:v9+s28+$0x0], $0xffff  }
0xab: {  	s9 =	sadd.s32 $0x1, s9;
	v48 =	vld [tilespmem:s12+$0xFFFFFF90];
	[tilespmem:s20+$0x20] =	vst v1;
	v1 =	vmul.f32 v13, v0  }
0xac: {  	v12 =	vmov s9;
	v49 =	vld [tilespmem:s12+$0xFFFFFFA0];
	[tilespmem:s20+$0x30] =	vst v3;
	v3 =	vmul.f32 v44, v0  }
0xad: {  	v50 =	vld [tilespmem:s12+$0xFFFFFFD0];
	[tilespmem:s20+$0x40] =	vst v1;
	v1 =	vmul.f32 v45, v0  }
0xae: {  	v0 =	vmul.f32 v2, v0;
	v2 =	vld [tilespmem:s12+$0xFFFFFFB0];
	[tilespmem:s20+$0x50] =	vst v3  }
0xaf: {  	[tilespmem:s20+$0x60] =	vst v1;
	v1 =	vld [tilespmem:s12+$0xFFFFFFC0];
	v3 =	vmul.f32 v46, v5  }
0xb0: {  	v51 =	vld [tilespmem:s12+$0xFFFFFFE0];
	[tilespmem:s20+$0x70] =	vst v0;
	v0 =	vmul.f32 v47, v5  }
0xb1: {  	v4 =	vld.idx.msk [tilespmem:v12+s28+$0x0], $0xffff;
	v8 =	vmul.f32 v48, v5;
	[tilespmem:s12+$0xFFFFFFF0] =	vst v3  }
0xb2: {  	[tilespmem:s12+$0xFFFFFF80] =	vst v0;
	v0 =	vmul.f32 v49, v5;
	v3 =	vld [tilespmem:s12+$0x0]  }
0xb3: {  	v52 =	vld [tilespmem:s12+$0x10];
	[tilespmem:s12+$0xFFFFFF90] =	vst v8;
	v2 =	vmul.f32 v2, v5  }
0xb4: {  	[tilespmem:s12+$0xFFFFFFA0] =	vst v0;
	v0 =	vmul.f32 v1, v5;
	v1 =	vld [tilespmem:s12+$0x20]  }
0xb5: {  	v53 =	vld [tilespmem:s12+$0x30];
	[tilespmem:s12+$0xFFFFFFB0] =	vst v2;
	v2 =	vmul.f32 v50, v5  }
0xb6: {  	[tilespmem:s12+$0xFFFFFFC0] =	vst v0;
	v0 =	vmul.f32 v51, v5;
	v5 =	vld [tilespmem:s12+$0x40]  }
0xb7: {  	[tilespmem:s12+$0xFFFFFFD0] =	vst v2;
	v2 =	vmul.f32 v3, v4;
	v3 =	vld [tilespmem:s12+$0x50]  }
0xb8: {  	v54 =	vld [tilespmem:s12+$0x60];
	[tilespmem:s12+$0xFFFFFFE0] =	vst v0;
	v0 =	vmul.f32 v52, v4  }
0xb9: {  	[tilespmem:s12+$0x0] =	vst v2;
	v1 =	vmul.f32 v1, v4;
	v2 =	vld [tilespmem:s12+$0x70]  }
0xba: {  	[tilespmem:s12+$0x10] =	vst v0;
	v0 =	vmul.f32 v53, v4  }
0xbb: {  	[tilespmem:s12+$0x20] =	vst v1;
	v1 =	vmul.f32 v5, v4  }
0xbc: {  	[tilespmem:s12+$0x30] =	vst v0;
	v0 =	vmul.f32 v3, v4  }
0xbd: {  	[tilespmem:s12+$0x40] =	vst v1;
	v1 =	vmul.f32 v54, v4  }
0xbe: {  	[tilespmem:s12+$0x50] =	vst v0;
	v0 =	vmul.f32 v2, v4  }
0xbf: {  	s10 =	sadd.s32 s8, s10;
	[tilespmem:s12+$0x60] =	vst v1  }
0xc0: {  	s11 =	smul.u32 $0xC0, s10;
	[tilespmem:s12+$0x70] =	vst v0  }
0xc1: {  	[spmem:s3] =	stream.indirect.scatter.add.f32 [tilespmem:s23], [sflag:$0x3], $0x80, s29, s22, $0xb8;
	[tilespmem:$0x1F0C0] =	vst v63  }
0xc2: {  	s9 =	sshrl.u32 s11, $0x3;
	_ =	swait.ge [sflag:s30], $0x3000  }
0xc3: {  	s9 =	sadd.s32 s5, s9;
	[sflag:s30] =	ssyncset.done $0x0  }
0xc4: {  	s10 =	simm.s32 $0x0;
	s9 =	sadd.s32 $0x18, s9;
	[sflag:s30] =	ssyncadd.s32 $0xFFFFD000  }
0xc5: {  	[tilespmem:s31], [sflag:$0x5] =	stream.linear.gather [hbm4b:s9+s10], $0xC0, $0x38;
	[tilespmem:$0x1F0C0] =	vst v63  }
0xc6: {  	_ =	swait.ge [sflag:s17], $0xC0  }
0xc7: {  	[sflag:s17] =	ssyncset.done $0x0  }
0xc8: {  	s12 =	simm.s32 $0x4F50;
	[sflag:s17] =	ssyncadd.s32 $0xFFFFFF40  }
0xc9: {  	[tilespmem:s23], [sflag:$0x1] =	stream.indirect.gather [hbm4b:s1+s22], $0x80, s31, s22, $0xb8;
	[tilespmem:$0x1F0C0] =	vst v63  }
0xca: {  	v0 =	vld [tilespmem:s12+$0x0]  }
0xcb: {  	v1 =	vld [tilespmem:s12+$0xFFFFFFA0]  }
0xcc: {  	v2 =	vld [tilespmem:s12+$0xFFFFFFF0]  }
0xcd: {  	v3 =	vld [tilespmem:s12+$0xFFFFFF90];
	_ =	sdelay $0x4  }
0xce: {  	v0 =	vld.idx.msk [tilespmem:v0+s4+$0x0], $0xffff  }
0xcf: {  	v1 =	vld.idx.msk [tilespmem:v1+s18+$0x0], $0xffff  }
0xd0: {  	v2 =	vld.idx.msk [tilespmem:v2+s4+$0x0], $0xffff  }
0xd1: {  	v3 =	vld.idx.msk [tilespmem:v3+s18+$0x0], $0xffff;
	_ =	sdelay $0x2  }
0xd2: {  	v4 =	vadd.f32 v1, v0;
	_ =	sdelay $0x1  }
0xd3: {  	v1 =	vadd.f32 v3, v2;
	v0 =	vand.u32 $0x7FFFFFFF, v4  }
0xd4: {  	v0 =	vmul.f32 $-2.000000000e+00, v0  }
0xd5: {  	v2 =	vand.u32 $0x7FFFFFFF, v1  }
0xd6: {  	v2 =	vmul.f32 $-2.000000000e+00, v2;
	v0 =	vmul.f32 $1.442695020e+00, v0;
	_ =	sdelay $0x1  }
0xd7: {  	(erf) = vpow2.f32 v0;
	v0 =	vmul.f32 $1.442695020e+00, v2;
	_ =	sdelay $0x1  }
0xd8: {  	(erf) = vpow2.f32 v0  }
0xd9: {  	s19 =	simm.s32 $0x4F70  }
0xda: {  	v2 =	vld [tilespmem:s19+$0xFFFFFFA0]  }
0xdb: {  	v0 =	vld [tilespmem:s19+$0x0]  }
0xdc: {  	v5 =	vld [tilespmem:s19+$0xFFFFFF90]  }
0xdd: {  	v3 =	vld [tilespmem:s19+$0xFFFFFFF0];
	_ =	sdelay $0x1  }
0xde: {  	v55 =	vpop (erf)  }
0xdf: {  	v56 =	vadd.f32 $1.000000000e+00, v55  }
0xe0: {  	v57 =	vpop (erf)  }
0xe1: {  	v2 =	vld.idx.msk [tilespmem:v2+s18+$0x0], $0xffff;
	(erf) = vrcp.f32 v56;
	v58 =	vadd.f32 $1.000000000e+00, v57  }
0xe2: {  	v0 =	vld.idx.msk [tilespmem:v0+s4+$0x0], $0xffff  }
0xe3: {  	v5 =	vld.idx.msk [tilespmem:v5+s18+$0x0], $0xffff;
	(erf) = vrcp.f32 v58  }
0xe4: {  	v3 =	vld.idx.msk [tilespmem:v3+s4+$0x0], $0xffff;
	_ =	sdelay $0x2  }
0xe5: {  	v0 =	vadd.f32 v2, v0;
	_ =	sdelay $0x1  }
0xe6: {  	v2 =	vadd.f32 v5, v3;
	v3 =	vsub.f32 $1.000000000e+00, v55;
	v5 =	vand.u32 $0x7FFFFFFF, v0  }
0xe7: {  	vm0 =	vlt.f32 v1, $0.0e+00;
	v5 =	vmul.f32 $-2.000000000e+00, v5;
	v59 =	vpop (erf)  }
0xe8: {  	v1 =	vsub.f32 $1.000000000e+00, v57;
	v60 =	vand.u32 $0x7FFFFFFF, v2;
	v3 =	vmul.f32 v59, v3  }
0xe9: {  	v61 =	vmul.f32 $-2.000000000e+00, v60;
	v5 =	vmul.f32 $1.442695020e+00, v5;
	v62 =	vpop (erf)  }
0xea: {  	s20 =	sadd.s32 $0x0, s16;
	v63 =	vsub.f32 $0.0e+00, v3;
	v1 =	vmul.f32 v62, v1  }
0xeb: {  	s11 =	sadd.s32 $0x70, s20;
	vm2 =	vlt.f32 v4, $0.0e+00;
	v6 =	vmul.f32 $1.442695020e+00, v61;
	(erf) = vpow2.f32 v5  }
0xec: {  	p0 =	slt.u32 s11, $0x4E200;
	s11 =	simm.s32 $0x4F90;
	s12 =	sadd.s32 $0x60, s20;
	vm1 =	vlt.f32 v2, $0.0e+00;
	v3 =	vsel vm2, v63, v3;
	v2 =	vsub.f32 $0.0e+00, v1  }
0xed: {  	s9 =	simm.s32 $0x2;
	p1 =	slt.u32 s12, $0x4E200;
	vm0 =	vmmov vm0;
	s19 =	simm.s32 $0xB070;
	(erf) = vpow2.f32 v6;
	v3 =	vpsel !p0, $0x0, v3  }
.LBB2_7:
0xee: {  	v4 =	vld [tilespmem:s11+$0x0];
	v1 =	vsel vm0, v2, v1;
	[tilespmem:s19+$0x0] =	vst v3;
	vm0 =	vmmov vm1  }
0xef: {  	s9 =	sadd.s32 $0x2, s9;
	v2 =	vld [tilespmem:s11+$0xFFFFFFA0];
	v1 =	vpsel !p1, $0x0, v1  }
0xf0: {  	p0 =	slt.u32 s9, $0x4;
	v3 =	vld [tilespmem:s11+$0xFFFFFFF0];
	[tilespmem:s19+$0xFFFFFFF0] =	vst v1  }
0xf1: {  	v1 =	vld [tilespmem:s11+$0xFFFFFF90];
	_ =	sdelay $0x2  }
0xf2: {  	v5 =	vpop (erf)  }
0xf3: {  	v6 =	vadd.f32 $1.000000000e+00, v5  }
0xf4: {  	v4 =	vld.idx.msk [tilespmem:v4+s4+$0x0], $0xffff;
	v7 =	vpop (erf)  }
0xf5: {  	v2 =	vld.idx.msk [tilespmem:v2+s18+$0x0], $0xffff;
	v8 =	vsub.f32 $1.000000000e+00, v7;
	v7 =	vadd.f32 $1.000000000e+00, v7;
	(erf) = vrcp.f32 v6  }
0xf6: {  	v3 =	vld.idx.msk [tilespmem:v3+s4+$0x0], $0xffff  }
0xf7: {  	v1 =	vld.idx.msk [tilespmem:v1+s18+$0x0], $0xffff;
	(erf) = vrcp.f32 v7;
	_ =	sdelay $0x3  }
0xf8: {  	v2 =	vadd.f32 v2, v4;
	_ =	sdelay $0x1  }
0xf9: {  	v4 =	vsub.f32 $1.000000000e+00, v5;
	v7 =	vadd.f32 v1, v3;
	v3 =	vand.u32 $0x7FFFFFFF, v2  }
0xfa: {  	v3 =	vmul.f32 $-2.000000000e+00, v3;
	v5 =	vpop (erf)  }
0xfb: {  	v6 =	vand.u32 $0x7FFFFFFF, v7;
	vm1 =	vlt.f32 v7, $0.0e+00;
	v4 =	vmul.f32 v5, v4  }
.Ltmp2:
0xfc: {  	s10 =	sadd.s32 $0x20, s10;
	v5 =	vmul.f32 $-2.000000000e+00, v6;
	v3 =	vmul.f32 $1.442695020e+00, v3;
	v1 =	vpop (erf);
	(pc) =	sbr.rel @p0 .LBB2_7-.Ltmp2, $4  }
0xfd: {  	s12 =	sadd.s32 s10, s16;
	v1 =	vmul.f32 v1, v8;
	v6 =	vsub.f32 $0.0e+00, v4  }
0xfe: {  	vm2 =	vlt.f32 v0, $0.0e+00;
	s20 =	sadd.s32 $0x60, s12;
	s12 =	sadd.s32 $0x70, s12;
	v0 =	vmovc v2;
	v5 =	vmul.f32 $1.442695020e+00, v5;
	(erf) = vpow2.f32 v3  }
0xff: {  	p1 =	slt.u32 s20, $0x4E200;
	p2 =	slt.u32 s12, $0x4E200;
	v2 =	vsub.f32 $0.0e+00, v1;
	v3 =	vsel vm2, v6, v4  }
0x100: {  	s19 =	sadd.s32 $0x20, s19;
	s11 =	sadd.s32 $0x20, s11;
	(erf) = vpow2.f32 v5;
	v3 =	vpsel !p2, $0x0, v3  }
0x101: {  	_ =	sdelay $0x6  }
0x102: {  	v4 =	vpop (erf)  }
0x103: {  	v5 =	vadd.f32 $1.000000000e+00, v4;
	v6 =	vpop (erf)  }
0x104: {  	v7 =	vadd.f32 $1.000000000e+00, v6  }
0x105: {  	(erf) = vrcp.f32 v5  }
0x106: {  	(erf) = vrcp.f32 v7;
	_ =	sdelay $0x6  }
0x107: {  	v4 =	vsub.f32 $1.000000000e+00, v4  }
0x108: {  	v5 =	vsub.f32 $1.000000000e+00, v6;
	v6 =	vpop (erf)  }
0x109: {  	v4 =	vmul.f32 v6, v4;
	v6 =	vpop (erf)  }
0x10a: {  	s9 =	sadd.s32 $0x20, s10;
	v5 =	vmul.f32 v6, v5  }
0x10b: {  	v1 =	vsel vm0, v2, v1;
	vm14 =	vmmov vm1;
	s12 =	simm.s32 $0x0;
	s9 =	sadd.s32 s9, s16;
	v2 =	vsub.f32 $0.0e+00, v4  }
0x10c: {  	vm15 =	vlt.f32 v0, $0.0e+00;
	s11 =	sadd.s32 $0x70, s9;
	v6 =	vmov s12;
	v0 =	vsub.f32 $0.0e+00, v5  }
0x10d: {  	[tilespmem:s19+$0x0] =	vst v3;
	v1 =	vpsel !p1, $0x0, v1;
	s9 =	sadd.s32 $0x60, s9;
	p0 =	slt.u32 s11, $0x4E200;
	v3 =	vand.u32 $0xFFFFFFFE, v6;
	v2 =	vsel vm15, v2, v4  }
0x10e: {  	[tilespmem:s19+$0xFFFFFFF0] =	vst v1;
	s19 =	sadd.s32 $0x20, s19;
	p6 =	slt.u32 s9, $0x4E200;
	v1 =	vpsel !p0, $0x0, v2;
	v2 =	vbroadcast v3, $0x0;
	v0 =	vsel vm14, v0, v5  }
0x10f: {  	[tilespmem:s19+$0x0] =	vst v1;
	v0 =	vpsel !p6, $0x0, v0  }
0x110: {  	[tilespmem:s19+$0xFFFFFFF0] =	vst v0  }
0x111: {  	_ =	swait.ge [sflag:s0], $0x3000  }
0x112: {  	[sflag:s0] =	ssyncset.done $0x0  }
0x113: {  	[sflag:s0] =	ssyncadd.s32 $0xFFFFD000  }
0x114: {  	s10 =	simm.s32 $0x80E0;
	v1 =	vld.idx.msk [tilespmem:v2+s28+$0x0], $0xffff  }
0x115: {  	v0 =	vld [tilespmem:s10+$0xFFFFFFF0]  }
0x116: {  	v2 =	vld [tilespmem:s10+$0xFFFFFF80]  }
0x117: {  	s20 =	simm.s32 $0x1;
	v5 =	vld [tilespmem:s10+$0xFFFFFF90]  }
0x118: {  	v6 =	vmov s20;
	v7 =	vld [tilespmem:s10+$0xFFFFFFA0]  }
0x119: {  	v10 =	vld [tilespmem:s10+$0xFFFFFFB0]  }
0x11a: {  	v4 =	vld [tilespmem:s10+$0xFFFFFFC0]  }
0x11b: {  	v3 =	vld [tilespmem:s10+$0xFFFFFFD0];
	v8 =	vmul.f32 v0, v1  }
0x11c: {  	v9 =	vmul.f32 v2, v1;
	v2 =	vld [tilespmem:s10+$0xFFFFFFE0]  }
0x11d: {  	v0 =	vld.idx.msk [tilespmem:v6+s28+$0x0], $0xffff;
	v5 =	vmul.f32 v5, v1;
	[tilespmem:s10+$0xFFFFFFF0] =	vst v8  }
0x11e: {  	s9 =	simm.s32 $0x2;
	v6 =	vld [tilespmem:s10+$0x0];
	[tilespmem:s10+$0xFFFFFF80] =	vst v9;
	v8 =	vmul.f32 v7, v1  }
0x11f: {  	s11 =	simm.s32 $0x4;
	s19 =	simm.s32 $0x80E0;
	v9 =	vmov s9;
	[tilespmem:s10+$0xFFFFFF90] =	vst v5;
	v7 =	vmul.f32 v10, v1;
	v5 =	vld [tilespmem:s10+$0x10]  }
.LBB2_9:
0x120: {  	p0 =	slt.u32 s11, $0x5E;
	v9 =	vand.u32 $0xFFFFFFFE, v9;
	s12 =	sadd.s32 $0x1, s9;
	[tilespmem:s10+$0xFFFFFFA0] =	vst v8;
	v4 =	vmul.f32 v4, v1;
	v8 =	vld [tilespmem:s10+$0x20];
	s9 =	smov.u32 s11  }
0x121: {  	v9 =	vbroadcast v9, $0x0;
	v10 =	vmov s12;
	[tilespmem:s10+$0xFFFFFFB0] =	vst v7;
	v3 =	vmul.f32 v3, v1;
	v7 =	vld [tilespmem:s10+$0x30]  }
0x122: {  	[tilespmem:s10+$0xFFFFFFC0] =	vst v4;
	v1 =	vmul.f32 v2, v1;
	v2 =	vld [tilespmem:s10+$0x40]  }
0x123: {  	[tilespmem:s10+$0xFFFFFFD0] =	vst v3;
	v3 =	vmul.f32 v6, v0;
	v4 =	vld [tilespmem:s10+$0x50]  }
0x124: {  	[tilespmem:s10+$0xFFFFFFE0] =	vst v1;
	v1 =	vmul.f32 v5, v0;
	v5 =	vld [tilespmem:s10+$0x60]  }
0x125: {  	[tilespmem:s10+$0x0] =	vst v3;
	v3 =	vmul.f32 v8, v0;
	v6 =	vld [tilespmem:s10+$0x70]  }
0x126: {  	v8 =	vld.idx.msk [tilespmem:v10+s28+$0x0], $0xffff;
	[tilespmem:s10+$0x10] =	vst v1;
	v7 =	vmul.f32 v7, v0  }
0x127: {  	s10 =	sadd.s32 $0x100, s10;
	v1 =	vld.idx.msk [tilespmem:v9+s28+$0x0], $0xffff;
	[tilespmem:s19+$0x20] =	vst v3;
	v2 =	vmul.f32 v2, v0  }
0x128: {  	v3 =	vld [tilespmem:s10+$0xFFFFFFF0];
	[tilespmem:s19+$0x30] =	vst v7;
	v4 =	vmul.f32 v4, v0  }
0x129: {  	v7 =	vld [tilespmem:s10+$0xFFFFFF80];
	[tilespmem:s19+$0x40] =	vst v2;
	v2 =	vmul.f32 v5, v0  }
0x12a: {  	v5 =	vld [tilespmem:s10+$0xFFFFFF90];
	[tilespmem:s19+$0x50] =	vst v4;
	v4 =	vmul.f32 v6, v0  }
0x12b: {  	v6 =	vld [tilespmem:s10+$0xFFFFFFA0];
	[tilespmem:s19+$0x60] =	vst v2  }
0x12c: {  	v0 =	vmov v8;
	v10 =	vld [tilespmem:s10+$0xFFFFFFB0];
	[tilespmem:s19+$0x70] =	vst v4;
	s19 =	smov.u32 s10  }
.Ltmp3:
0x12d: {  	v4 =	vld [tilespmem:s10+$0xFFFFFFC0];
	v8 =	vmul.f32 v3, v1;
	(pc) =	sbr.rel @p0 .LBB2_9-.Ltmp3, $4  }
0x12e: {  	v7 =	vmul.f32 v7, v1;
	v3 =	vld [tilespmem:s10+$0xFFFFFFD0]  }
0x12f: {  	v5 =	vmul.f32 v5, v1;
	v2 =	vld [tilespmem:s10+$0xFFFFFFE0];
	[tilespmem:s10+$0xFFFFFFF0] =	vst v8  }
0x130: {  	[tilespmem:s10+$0xFFFFFF80] =	vst v7;
	v8 =	vmul.f32 v6, v1;
	v6 =	vld [tilespmem:s10+$0x0]  }
0x131: {  	s11 =	sadd.s32 $0x2, s11;
	v9 =	vmov s9;
	[tilespmem:s10+$0xFFFFFF90] =	vst v5;
	v7 =	vmul.f32 v10, v1;
	v5 =	vld [tilespmem:s10+$0x10]  }
0x132: {  	v10 =	vld [tilespmem:s10+$0x20]  }
0x133: {  	v9 =	vand.u32 $0xFFFFFFFE, v9;
	v11 =	vld [tilespmem:s10+$0x30]  }
0x134: {  	v13 =	vld [tilespmem:s10+$0x40];
	[tilespmem:s10+$0xFFFFFFA0] =	vst v8;
	v4 =	vmul.f32 v4, v1;
	v9 =	vbroadcast v9, $0x0  }
0x135: {  	v44 =	vld [tilespmem:s10+$0x50];
	[tilespmem:s10+$0xFFFFFFB0] =	vst v7;
	v3 =	vmul.f32 v3, v1  }
0x136: {  	v45 =	vld [tilespmem:s10+$0x60];
	s20 =	sadd.s32 $0x100, s10;
	[tilespmem:s10+$0xFFFFFFC0] =	vst v4;
	v1 =	vmul.f32 v2, v1  }
0x137: {  	v46 =	vld [tilespmem:s20+$0xFFFFFFF0];
	v6 =	vmul.f32 v6, v0;
	[tilespmem:s10+$0xFFFFFFD0] =	vst v3  }
0x138: {  	v47 =	vld [tilespmem:s20+$0xFFFFFF80];
	v3 =	vmul.f32 v5, v0;
	[tilespmem:s10+$0xFFFFFFE0] =	vst v1  }
0x139: {  	v2 =	vld [tilespmem:s10+$0x70];
	[tilespmem:s10+$0x0] =	vst v6;
	v1 =	vmul.f32 v10, v0  }
0x13a: {  	[tilespmem:s10+$0x10] =	vst v3;
	v3 =	vmul.f32 v11, v0;
	v5 =	vld.idx.msk [tilespmem:v9+s28+$0x0], $0xffff  }
0x13b: {  	s9 =	sadd.s32 $0x1, s9;
	v48 =	vld [tilespmem:s20+$0xFFFFFF90];
	[tilespmem:s19+$0x20] =	vst v1;
	v1 =	vmul.f32 v13, v0  }
0x13c: {  	v12 =	vmov s9;
	v49 =	vld [tilespmem:s20+$0xFFFFFFA0];
	[tilespmem:s19+$0x30] =	vst v3;
	v3 =	vmul.f32 v44, v0  }
0x13d: {  	v50 =	vld [tilespmem:s20+$0xFFFFFFD0];
	[tilespmem:s19+$0x40] =	vst v1;
	v1 =	vmul.f32 v45, v0  }
0x13e: {  	v0 =	vmul.f32 v2, v0;
	v2 =	vld [tilespmem:s20+$0xFFFFFFB0];
	[tilespmem:s19+$0x50] =	vst v3  }
0x13f: {  	[tilespmem:s19+$0x60] =	vst v1;
	v1 =	vld [tilespmem:s20+$0xFFFFFFC0];
	v3 =	vmul.f32 v46, v5  }
0x140: {  	v51 =	vld [tilespmem:s20+$0xFFFFFFE0];
	[tilespmem:s19+$0x70] =	vst v0;
	v0 =	vmul.f32 v47, v5  }
0x141: {  	v4 =	vld.idx.msk [tilespmem:v12+s28+$0x0], $0xffff;
	v8 =	vmul.f32 v48, v5;
	[tilespmem:s20+$0xFFFFFFF0] =	vst v3  }
0x142: {  	[tilespmem:s20+$0xFFFFFF80] =	vst v0;
	v0 =	vmul.f32 v49, v5;
	v3 =	vld [tilespmem:s20+$0x0]  }
0x143: {  	v52 =	vld [tilespmem:s20+$0x10];
	[tilespmem:s20+$0xFFFFFF90] =	vst v8;
	v2 =	vmul.f32 v2, v5  }
0x144: {  	[tilespmem:s20+$0xFFFFFFA0] =	vst v0;
	v0 =	vmul.f32 v1, v5;
	v1 =	vld [tilespmem:s20+$0x20]  }
0x145: {  	v53 =	vld [tilespmem:s20+$0x30];
	[tilespmem:s20+$0xFFFFFFB0] =	vst v2;
	v2 =	vmul.f32 v50, v5  }
0x146: {  	[tilespmem:s20+$0xFFFFFFC0] =	vst v0;
	v0 =	vmul.f32 v51, v5;
	v5 =	vld [tilespmem:s20+$0x40]  }
0x147: {  	[tilespmem:s20+$0xFFFFFFD0] =	vst v2;
	v2 =	vmul.f32 v3, v4;
	v3 =	vld [tilespmem:s20+$0x50]  }
0x148: {  	v54 =	vld [tilespmem:s20+$0x60];
	[tilespmem:s20+$0xFFFFFFE0] =	vst v0;
	v0 =	vmul.f32 v52, v4  }
0x149: {  	[tilespmem:s20+$0x0] =	vst v2;
	v1 =	vmul.f32 v1, v4  }
0x14a: {  	[tilespmem:s20+$0x10] =	vst v0;
	v0 =	vmul.f32 v53, v4  }
0x14b: {  	v2 =	vld [tilespmem:s20+$0x70];
	[tilespmem:s20+$0x20] =	vst v1;
	v1 =	vmul.f32 v5, v4  }
0x14c: {  	[tilespmem:s20+$0x30] =	vst v0;
	v0 =	vmul.f32 v3, v4  }
0x14d: {  	[tilespmem:s20+$0x40] =	vst v1;
	v1 =	vmul.f32 v54, v4  }
0x14e: {  	[tilespmem:s20+$0x50] =	vst v0  }
0x14f: {  	[tilespmem:s20+$0x60] =	vst v1  }
0x150: {  	v0 =	vmul.f32 v2, v4;
	s10 =	rddreg [dreg:$0x8]  }
0x151: {  	s10 =	sadd.s32 s15, s10  }
0x152: {  	[tilespmem:s20+$0x70] =	vst v0;
	s11 =	smul.u32 $0xC0, s10  }
0x153: {  	[spmem:s3] =	stream.indirect.scatter.add.f32 [tilespmem:s25], [sflag:$0x4], $0x80, s2, s22, $0xb8;
	[tilespmem:$0x1F0C0] =	vst v63  }
0x154: {  	_ =	swait.ge [sflag:s6], $0x3000;
	s9 =	sshrl.u32 s11, $0x3  }
0x155: {  	[sflag:s6] =	ssyncset.done $0x0;
	s9 =	sadd.s32 s5, s9  }
0x156: {  	s10 =	simm.s32 $0x0;
	[sflag:s6] =	ssyncadd.s32 $0xFFFFD000;
	s9 =	sadd.s32 $0x18, s9  }
0x157: {  	[tilespmem:s21], [sflag:$0x5] =	stream.linear.gather [hbm4b:s9+s10], $0xC0, $0x38;
	[tilespmem:$0x1F0C0] =	vst v63  }
0x158: {  	_ =	swait.ge [sflag:s17], $0xC0  }
0x159: {  	[sflag:s17] =	ssyncset.done $0x0  }
0x15a: {  	s12 =	simm.s32 $0x5010;
	[sflag:s17] =	ssyncadd.s32 $0xFFFFFF40  }
0x15b: {  	[tilespmem:s25], [sflag:$0x2] =	stream.indirect.gather [hbm4b:s1+s22], $0x80, s21, s22, $0xb8;
	[tilespmem:$0x1F0C0] =	vst v63  }
0x15c: {  	v0 =	vld [tilespmem:s12+$0x0]  }
0x15d: {  	v1 =	vld [tilespmem:s12+$0xFFFFFFA0]  }
0x15e: {  	v2 =	vld [tilespmem:s12+$0xFFFFFFF0]  }
0x15f: {  	v3 =	vld [tilespmem:s12+$0xFFFFFF90];
	_ =	sdelay $0x4  }
0x160: {  	v0 =	vld.idx.msk [tilespmem:v0+s4+$0x0], $0xffff  }
0x161: {  	v1 =	vld.idx.msk [tilespmem:v1+s18+$0x0], $0xffff  }
0x162: {  	v2 =	vld.idx.msk [tilespmem:v2+s4+$0x0], $0xffff  }
0x163: {  	v3 =	vld.idx.msk [tilespmem:v3+s18+$0x0], $0xffff;
	_ =	sdelay $0x2  }
0x164: {  	v4 =	vadd.f32 v1, v0;
	_ =	sdelay $0x1  }
0x165: {  	v1 =	vadd.f32 v3, v2;
	v0 =	vand.u32 $0x7FFFFFFF, v4  }
0x166: {  	v0 =	vmul.f32 $-2.000000000e+00, v0  }
0x167: {  	v2 =	vand.u32 $0x7FFFFFFF, v1  }
0x168: {  	v2 =	vmul.f32 $-2.000000000e+00, v2;
	v0 =	vmul.f32 $1.442695020e+00, v0;
	_ =	sdelay $0x1  }
0x169: {  	(erf) = vpow2.f32 v0;
	v0 =	vmul.f32 $1.442695020e+00, v2;
	_ =	sdelay $0x1  }
0x16a: {  	(erf) = vpow2.f32 v0  }
0x16b: {  	s19 =	simm.s32 $0x5030  }
0x16c: {  	v2 =	vld [tilespmem:s19+$0xFFFFFFA0]  }
0x16d: {  	v0 =	vld [tilespmem:s19+$0x0]  }
0x16e: {  	v5 =	vld [tilespmem:s19+$0xFFFFFF90]  }
0x16f: {  	v3 =	vld [tilespmem:s19+$0xFFFFFFF0];
	_ =	sdelay $0x1  }
0x170: {  	v55 =	vpop (erf)  }
0x171: {  	v56 =	vadd.f32 $1.000000000e+00, v55  }
0x172: {  	v57 =	vpop (erf)  }
0x173: {  	v2 =	vld.idx.msk [tilespmem:v2+s18+$0x0], $0xffff;
	(erf) = vrcp.f32 v56;
	v58 =	vadd.f32 $1.000000000e+00, v57  }
0x174: {  	v0 =	vld.idx.msk [tilespmem:v0+s4+$0x0], $0xffff  }
0x175: {  	v5 =	vld.idx.msk [tilespmem:v5+s18+$0x0], $0xffff;
	(erf) = vrcp.f32 v58  }
0x176: {  	v3 =	vld.idx.msk [tilespmem:v3+s4+$0x0], $0xffff;
	_ =	sdelay $0x2  }
0x177: {  	v0 =	vadd.f32 v2, v0;
	_ =	sdelay $0x1  }
0x178: {  	v2 =	vadd.f32 v5, v3;
	v3 =	vsub.f32 $1.000000000e+00, v55;
	v5 =	vand.u32 $0x7FFFFFFF, v0  }
0x179: {  	vm0 =	vlt.f32 v1, $0.0e+00;
	v5 =	vmul.f32 $-2.000000000e+00, v5;
	v59 =	vpop (erf)  }
0x17a: {  	v1 =	vsub.f32 $1.000000000e+00, v57;
	v60 =	vand.u32 $0x7FFFFFFF, v2;
	v3 =	vmul.f32 v59, v3  }
0x17b: {  	v61 =	vmul.f32 $-2.000000000e+00, v60;
	v5 =	vmul.f32 $1.442695020e+00, v5;
	v62 =	vpop (erf)  }
0x17c: {  	s20 =	sadd.s32 $0x0, s16;
	v63 =	vsub.f32 $0.0e+00, v3;
	v1 =	vmul.f32 v62, v1  }
0x17d: {  	s11 =	sadd.s32 $0xD0, s20;
	vm2 =	vlt.f32 v4, $0.0e+00;
	v6 =	vmul.f32 $1.442695020e+00, v61;
	(erf) = vpow2.f32 v5  }
0x17e: {  	p0 =	slt.u32 s11, $0x4E200;
	s11 =	simm.s32 $0x5050;
	s12 =	sadd.s32 $0xC0, s20;
	vm1 =	vlt.f32 v2, $0.0e+00;
	v3 =	vsel vm2, v63, v3;
	v2 =	vsub.f32 $0.0e+00, v1  }
0x17f: {  	s9 =	simm.s32 $0x2;
	p1 =	slt.u32 s12, $0x4E200;
	vm0 =	vmmov vm0;
	s19 =	simm.s32 $0xB070;
	(erf) = vpow2.f32 v6;
	v3 =	vpsel !p0, $0x0, v3  }
.LBB2_11:
0x180: {  	v4 =	vld [tilespmem:s11+$0x0];
	v1 =	vsel vm0, v2, v1;
	[tilespmem:s19+$0x0] =	vst v3;
	vm0 =	vmmov vm1  }
0x181: {  	s9 =	sadd.s32 $0x2, s9;
	v2 =	vld [tilespmem:s11+$0xFFFFFFA0];
	v1 =	vpsel !p1, $0x0, v1  }
0x182: {  	p0 =	slt.u32 s9, $0x4;
	v3 =	vld [tilespmem:s11+$0xFFFFFFF0];
	[tilespmem:s19+$0xFFFFFFF0] =	vst v1  }
0x183: {  	v1 =	vld [tilespmem:s11+$0xFFFFFF90];
	_ =	sdelay $0x2  }
0x184: {  	v5 =	vpop (erf)  }
0x185: {  	v6 =	vadd.f32 $1.000000000e+00, v5  }
0x186: {  	v4 =	vld.idx.msk [tilespmem:v4+s4+$0x0], $0xffff;
	v7 =	vpop (erf)  }
0x187: {  	v2 =	vld.idx.msk [tilespmem:v2+s18+$0x0], $0xffff;
	v8 =	vsub.f32 $1.000000000e+00, v7;
	v7 =	vadd.f32 $1.000000000e+00, v7;
	(erf) = vrcp.f32 v6  }
0x188: {  	v3 =	vld.idx.msk [tilespmem:v3+s4+$0x0], $0xffff  }
0x189: {  	v1 =	vld.idx.msk [tilespmem:v1+s18+$0x0], $0xffff;
	(erf) = vrcp.f32 v7;
	_ =	sdelay $0x3  }
0x18a: {  	v2 =	vadd.f32 v2, v4;
	_ =	sdelay $0x1  }
0x18b: {  	v4 =	vsub.f32 $1.000000000e+00, v5;
	v7 =	vadd.f32 v1, v3;
	v3 =	vand.u32 $0x7FFFFFFF, v2  }
0x18c: {  	v3 =	vmul.f32 $-2.000000000e+00, v3;
	v5 =	vpop (erf)  }
0x18d: {  	v6 =	vand.u32 $0x7FFFFFFF, v7;
	vm1 =	vlt.f32 v7, $0.0e+00;
	v4 =	vmul.f32 v5, v4  }
.Ltmp4:
0x18e: {  	s10 =	sadd.s32 $0x20, s10;
	v5 =	vmul.f32 $-2.000000000e+00, v6;
	v3 =	vmul.f32 $1.442695020e+00, v3;
	v1 =	vpop (erf);
	(pc) =	sbr.rel @p0 .LBB2_11-.Ltmp4, $4  }
0x18f: {  	s12 =	sadd.s32 s10, s16;
	v1 =	vmul.f32 v1, v8;
	v6 =	vsub.f32 $0.0e+00, v4  }
0x190: {  	vm2 =	vlt.f32 v0, $0.0e+00;
	s20 =	sadd.s32 $0xC0, s12;
	s12 =	sadd.s32 $0xD0, s12;
	v0 =	vmovc v2;
	v5 =	vmul.f32 $1.442695020e+00, v5;
	(erf) = vpow2.f32 v3  }
0x191: {  	p1 =	slt.u32 s20, $0x4E200;
	p2 =	slt.u32 s12, $0x4E200;
	v2 =	vsub.f32 $0.0e+00, v1;
	v3 =	vsel vm2, v6, v4  }
0x192: {  	s19 =	sadd.s32 $0x20, s19;
	s11 =	sadd.s32 $0x20, s11;
	(erf) = vpow2.f32 v5;
	v3 =	vpsel !p2, $0x0, v3  }
0x193: {  	_ =	sdelay $0x6  }
0x194: {  	v4 =	vpop (erf)  }
0x195: {  	v5 =	vadd.f32 $1.000000000e+00, v4;
	v6 =	vpop (erf)  }
0x196: {  	v7 =	vadd.f32 $1.000000000e+00, v6  }
0x197: {  	(erf) = vrcp.f32 v5  }
0x198: {  	(erf) = vrcp.f32 v7;
	_ =	sdelay $0x6  }
0x199: {  	v4 =	vsub.f32 $1.000000000e+00, v4  }
0x19a: {  	v5 =	vsub.f32 $1.000000000e+00, v6;
	v6 =	vpop (erf)  }
0x19b: {  	v4 =	vmul.f32 v6, v4;
	v6 =	vpop (erf)  }
0x19c: {  	s9 =	sadd.s32 $0x20, s10;
	v5 =	vmul.f32 v6, v5  }
0x19d: {  	v1 =	vsel vm0, v2, v1;
	vm14 =	vmmov vm1;
	s12 =	simm.s32 $0x0;
	s9 =	sadd.s32 s9, s16;
	v2 =	vsub.f32 $0.0e+00, v4  }
0x19e: {  	vm15 =	vlt.f32 v0, $0.0e+00;
	s11 =	sadd.s32 $0xD0, s9;
	v6 =	vmov s12;
	v0 =	vsub.f32 $0.0e+00, v5  }
0x19f: {  	[tilespmem:s19+$0x0] =	vst v3;
	v1 =	vpsel !p1, $0x0, v1;
	s9 =	sadd.s32 $0xC0, s9;
	p0 =	slt.u32 s11, $0x4E200;
	v3 =	vand.u32 $0xFFFFFFFE, v6;
	v2 =	vsel vm15, v2, v4  }
0x1a0: {  	[tilespmem:s19+$0xFFFFFFF0] =	vst v1;
	s19 =	sadd.s32 $0x20, s19;
	p6 =	slt.u32 s9, $0x4E200;
	v1 =	vpsel !p0, $0x0, v2;
	v2 =	vbroadcast v3, $0x0;
	v0 =	vsel vm14, v0, v5  }
0x1a1: {  	[tilespmem:s19+$0x0] =	vst v1;
	v0 =	vpsel !p6, $0x0, v0  }
0x1a2: {  	[tilespmem:s19+$0xFFFFFFF0] =	vst v0  }
0x1a3: {  	_ =	swait.ge [sflag:s26], $0x3000  }
0x1a4: {  	[sflag:s26] =	ssyncset.done $0x0  }
0x1a5: {  	[sflag:s26] =	ssyncadd.s32 $0xFFFFD000  }
0x1a6: {  	s10 =	simm.s32 $0x50E0;
	v1 =	vld.idx.msk [tilespmem:v2+s28+$0x0], $0xffff  }
0x1a7: {  	v0 =	vld [tilespmem:s10+$0xFFFFFFF0]  }
0x1a8: {  	v2 =	vld [tilespmem:s10+$0xFFFFFF80]  }
0x1a9: {  	s20 =	simm.s32 $0x1;
	v5 =	vld [tilespmem:s10+$0xFFFFFF90]  }
0x1aa: {  	v6 =	vmov s20;
	v7 =	vld [tilespmem:s10+$0xFFFFFFA0]  }
0x1ab: {  	v10 =	vld [tilespmem:s10+$0xFFFFFFB0]  }
0x1ac: {  	v4 =	vld [tilespmem:s10+$0xFFFFFFC0]  }
0x1ad: {  	v3 =	vld [tilespmem:s10+$0xFFFFFFD0];
	v8 =	vmul.f32 v0, v1  }
0x1ae: {  	v9 =	vmul.f32 v2, v1;
	v2 =	vld [tilespmem:s10+$0xFFFFFFE0]  }
0x1af: {  	v0 =	vld.idx.msk [tilespmem:v6+s28+$0x0], $0xffff;
	v5 =	vmul.f32 v5, v1;
	[tilespmem:s10+$0xFFFFFFF0] =	vst v8  }
0x1b0: {  	s9 =	simm.s32 $0x2;
	v6 =	vld [tilespmem:s10+$0x0];
	[tilespmem:s10+$0xFFFFFF80] =	vst v9;
	v8 =	vmul.f32 v7, v1  }
0x1b1: {  	s11 =	simm.s32 $0x4;
	s19 =	simm.s32 $0x50E0;
	v9 =	vmov s9;
	[tilespmem:s10+$0xFFFFFF90] =	vst v5;
	v7 =	vmul.f32 v10, v1;
	v5 =	vld [tilespmem:s10+$0x10]  }
.LBB2_13:
0x1b2: {  	p0 =	slt.u32 s11, $0x5E;
	v9 =	vand.u32 $0xFFFFFFFE, v9;
	s12 =	sadd.s32 $0x1, s9;
	[tilespmem:s10+$0xFFFFFFA0] =	vst v8;
	v4 =	vmul.f32 v4, v1;
	v8 =	vld [tilespmem:s10+$0x20];
	s9 =	smov.u32 s11  }
0x1b3: {  	v9 =	vbroadcast v9, $0x0;
	v10 =	vmov s12;
	[tilespmem:s10+$0xFFFFFFB0] =	vst v7;
	v3 =	vmul.f32 v3, v1;
	v7 =	vld [tilespmem:s10+$0x30]  }
0x1b4: {  	[tilespmem:s10+$0xFFFFFFC0] =	vst v4;
	v1 =	vmul.f32 v2, v1;
	v2 =	vld [tilespmem:s10+$0x40]  }
0x1b5: {  	[tilespmem:s10+$0xFFFFFFD0] =	vst v3;
	v3 =	vmul.f32 v6, v0;
	v4 =	vld [tilespmem:s10+$0x50]  }
0x1b6: {  	[tilespmem:s10+$0xFFFFFFE0] =	vst v1;
	v1 =	vmul.f32 v5, v0;
	v5 =	vld [tilespmem:s10+$0x60]  }
0x1b7: {  	[tilespmem:s10+$0x0] =	vst v3;
	v3 =	vmul.f32 v8, v0;
	v6 =	vld [tilespmem:s10+$0x70]  }
0x1b8: {  	v8 =	vld.idx.msk [tilespmem:v10+s28+$0x0], $0xffff;
	[tilespmem:s10+$0x10] =	vst v1;
	v7 =	vmul.f32 v7, v0  }
0x1b9: {  	s10 =	sadd.s32 $0x100, s10;
	v1 =	vld.idx.msk [tilespmem:v9+s28+$0x0], $0xffff;
	[tilespmem:s19+$0x20] =	vst v3;
	v2 =	vmul.f32 v2, v0  }
0x1ba: {  	v3 =	vld [tilespmem:s10+$0xFFFFFFF0];
	[tilespmem:s19+$0x30] =	vst v7;
	v4 =	vmul.f32 v4, v0  }
0x1bb: {  	v7 =	vld [tilespmem:s10+$0xFFFFFF80];
	[tilespmem:s19+$0x40] =	vst v2;
	v2 =	vmul.f32 v5, v0  }
0x1bc: {  	v5 =	vld [tilespmem:s10+$0xFFFFFF90];
	[tilespmem:s19+$0x50] =	vst v4;
	v4 =	vmul.f32 v6, v0  }
0x1bd: {  	v6 =	vld [tilespmem:s10+$0xFFFFFFA0];
	[tilespmem:s19+$0x60] =	vst v2  }
0x1be: {  	v0 =	vmov v8;
	v10 =	vld [tilespmem:s10+$0xFFFFFFB0];
	[tilespmem:s19+$0x70] =	vst v4;
	s19 =	smov.u32 s10  }
.Ltmp5:
0x1bf: {  	v4 =	vld [tilespmem:s10+$0xFFFFFFC0];
	v8 =	vmul.f32 v3, v1;
	(pc) =	sbr.rel @p0 .LBB2_13-.Ltmp5, $4  }
0x1c0: {  	v7 =	vmul.f32 v7, v1;
	v3 =	vld [tilespmem:s10+$0xFFFFFFD0]  }
0x1c1: {  	v5 =	vmul.f32 v5, v1;
	v2 =	vld [tilespmem:s10+$0xFFFFFFE0];
	[tilespmem:s10+$0xFFFFFFF0] =	vst v8  }
0x1c2: {  	[tilespmem:s10+$0xFFFFFF80] =	vst v7;
	v8 =	vmul.f32 v6, v1;
	v6 =	vld [tilespmem:s10+$0x0]  }
0x1c3: {  	s11 =	sadd.s32 $0x2, s11;
	v9 =	vmov s9;
	[tilespmem:s10+$0xFFFFFF90] =	vst v5;
	v7 =	vmul.f32 v10, v1;
	v5 =	vld [tilespmem:s10+$0x10]  }
0x1c4: {  	v10 =	vld [tilespmem:s10+$0x20]  }
0x1c5: {  	v9 =	vand.u32 $0xFFFFFFFE, v9;
	v11 =	vld [tilespmem:s10+$0x30]  }
0x1c6: {  	v13 =	vld [tilespmem:s10+$0x40];
	[tilespmem:s10+$0xFFFFFFA0] =	vst v8;
	v4 =	vmul.f32 v4, v1;
	v9 =	vbroadcast v9, $0x0  }
0x1c7: {  	v44 =	vld [tilespmem:s10+$0x50];
	[tilespmem:s10+$0xFFFFFFB0] =	vst v7;
	v3 =	vmul.f32 v3, v1  }
0x1c8: {  	v45 =	vld [tilespmem:s10+$0x60];
	s20 =	sadd.s32 $0x100, s10;
	[tilespmem:s10+$0xFFFFFFC0] =	vst v4;
	v1 =	vmul.f32 v2, v1  }
0x1c9: {  	v46 =	vld [tilespmem:s20+$0xFFFFFFF0];
	v6 =	vmul.f32 v6, v0;
	[tilespmem:s10+$0xFFFFFFD0] =	vst v3  }
0x1ca: {  	v47 =	vld [tilespmem:s20+$0xFFFFFF80];
	v3 =	vmul.f32 v5, v0;
	[tilespmem:s10+$0xFFFFFFE0] =	vst v1  }
0x1cb: {  	v2 =	vld [tilespmem:s10+$0x70];
	[tilespmem:s10+$0x0] =	vst v6;
	v1 =	vmul.f32 v10, v0  }
0x1cc: {  	[tilespmem:s10+$0x10] =	vst v3;
	v3 =	vmul.f32 v11, v0;
	v5 =	vld.idx.msk [tilespmem:v9+s28+$0x0], $0xffff  }
0x1cd: {  	s9 =	sadd.s32 $0x1, s9;
	v48 =	vld [tilespmem:s20+$0xFFFFFF90];
	[tilespmem:s19+$0x20] =	vst v1;
	v1 =	vmul.f32 v13, v0  }
0x1ce: {  	v12 =	vmov s9;
	v49 =	vld [tilespmem:s20+$0xFFFFFFA0];
	[tilespmem:s19+$0x30] =	vst v3;
	v3 =	vmul.f32 v44, v0  }
0x1cf: {  	v50 =	vld [tilespmem:s20+$0xFFFFFFD0];
	[tilespmem:s19+$0x40] =	vst v1;
	v1 =	vmul.f32 v45, v0  }
0x1d0: {  	v0 =	vmul.f32 v2, v0;
	v2 =	vld [tilespmem:s20+$0xFFFFFFB0];
	[tilespmem:s19+$0x50] =	vst v3  }
0x1d1: {  	[tilespmem:s19+$0x60] =	vst v1;
	v1 =	vld [tilespmem:s20+$0xFFFFFFC0];
	v3 =	vmul.f32 v46, v5  }
0x1d2: {  	v51 =	vld [tilespmem:s20+$0xFFFFFFE0];
	[tilespmem:s19+$0x70] =	vst v0;
	v0 =	vmul.f32 v47, v5  }
0x1d3: {  	v4 =	vld.idx.msk [tilespmem:v12+s28+$0x0], $0xffff;
	v8 =	vmul.f32 v48, v5;
	[tilespmem:s20+$0xFFFFFFF0] =	vst v3  }
0x1d4: {  	[tilespmem:s20+$0xFFFFFF80] =	vst v0;
	v0 =	vmul.f32 v49, v5;
	v3 =	vld [tilespmem:s20+$0x0]  }
0x1d5: {  	v52 =	vld [tilespmem:s20+$0x10];
	[tilespmem:s20+$0xFFFFFF90] =	vst v8;
	v2 =	vmul.f32 v2, v5  }
0x1d6: {  	[tilespmem:s20+$0xFFFFFFA0] =	vst v0;
	v0 =	vmul.f32 v1, v5;
	v1 =	vld [tilespmem:s20+$0x20]  }
0x1d7: {  	v53 =	vld [tilespmem:s20+$0x30];
	[tilespmem:s20+$0xFFFFFFB0] =	vst v2;
	v2 =	vmul.f32 v50, v5  }
0x1d8: {  	[tilespmem:s20+$0xFFFFFFC0] =	vst v0;
	v0 =	vmul.f32 v51, v5;
	v5 =	vld [tilespmem:s20+$0x40]  }
0x1d9: {  	[tilespmem:s20+$0xFFFFFFD0] =	vst v2;
	v2 =	vmul.f32 v3, v4;
	v3 =	vld [tilespmem:s20+$0x50]  }
0x1da: {  	v54 =	vld [tilespmem:s20+$0x60];
	[tilespmem:s20+$0xFFFFFFE0] =	vst v0;
	v0 =	vmul.f32 v52, v4  }
0x1db: {  	[tilespmem:s20+$0x0] =	vst v2;
	v1 =	vmul.f32 v1, v4  }
0x1dc: {  	[tilespmem:s20+$0x10] =	vst v0;
	v0 =	vmul.f32 v53, v4  }
0x1dd: {  	v2 =	vld [tilespmem:s20+$0x70];
	[tilespmem:s20+$0x20] =	vst v1;
	v1 =	vmul.f32 v5, v4  }
0x1de: {  	[tilespmem:s20+$0x30] =	vst v0;
	v0 =	vmul.f32 v3, v4  }
0x1df: {  	[tilespmem:s20+$0x40] =	vst v1;
	v1 =	vmul.f32 v54, v4  }
0x1e0: {  	[tilespmem:s20+$0x50] =	vst v0  }
0x1e1: {  	[tilespmem:s20+$0x60] =	vst v1  }
0x1e2: {  	v0 =	vmul.f32 v2, v4;
	s10 =	rddreg [dreg:$0x9]  }
0x1e3: {  	s10 =	sadd.s32 s15, s10  }
0x1e4: {  	[tilespmem:s20+$0x70] =	vst v0;
	s11 =	smul.u32 $0xC0, s10  }
0x1e5: {  	[spmem:s3] =	stream.indirect.scatter.add.f32 [tilespmem:s23], [sflag:$0x3], $0x80, s7, s22, $0xb8;
	[tilespmem:$0x1F0C0] =	vst v63  }
0x1e6: {  	_ =	swait.ge [sflag:s30], $0x3000;
	s9 =	sshrl.u32 s11, $0x3  }
0x1e7: {  	[sflag:s30] =	ssyncset.done $0x0;
	s9 =	sadd.s32 s5, s9  }
0x1e8: {  	s10 =	simm.s32 $0x0;
	[sflag:s30] =	ssyncadd.s32 $0xFFFFD000;
	s9 =	sadd.s32 $0x18, s9  }
0x1e9: {  	[tilespmem:s24], [sflag:$0x5] =	stream.linear.gather [hbm4b:s9+s10], $0xC0, $0x38;
	[tilespmem:$0x1F0C0] =	vst v63  }
0x1ea: {  	_ =	swait.ge [sflag:s17], $0xC0  }
0x1eb: {  	[sflag:s17] =	ssyncset.done $0x0  }
0x1ec: {  	s12 =	simm.s32 $0x4E90;
	[sflag:s17] =	ssyncadd.s32 $0xFFFFFF40  }
0x1ed: {  	[tilespmem:s23], [sflag:$0x1] =	stream.indirect.gather [hbm4b:s1+s22], $0x80, s24, s22, $0xb8;
	[tilespmem:$0x1F0C0] =	vst v63  }
0x1ee: {  	v0 =	vld [tilespmem:s12+$0x0]  }
0x1ef: {  	v1 =	vld [tilespmem:s12+$0xFFFFFFA0]  }
0x1f0: {  	v2 =	vld [tilespmem:s12+$0xFFFFFFF0]  }
0x1f1: {  	v3 =	vld [tilespmem:s12+$0xFFFFFF90];
	_ =	sdelay $0x4  }
0x1f2: {  	v0 =	vld.idx.msk [tilespmem:v0+s4+$0x0], $0xffff  }
0x1f3: {  	v1 =	vld.idx.msk [tilespmem:v1+s18+$0x0], $0xffff  }
0x1f4: {  	v2 =	vld.idx.msk [tilespmem:v2+s4+$0x0], $0xffff  }
0x1f5: {  	v3 =	vld.idx.msk [tilespmem:v3+s18+$0x0], $0xffff;
	_ =	sdelay $0x2  }
0x1f6: {  	v4 =	vadd.f32 v1, v0;
	_ =	sdelay $0x1  }
0x1f7: {  	v1 =	vadd.f32 v3, v2;
	v0 =	vand.u32 $0x7FFFFFFF, v4  }
0x1f8: {  	v0 =	vmul.f32 $-2.000000000e+00, v0  }
0x1f9: {  	v2 =	vand.u32 $0x7FFFFFFF, v1  }
0x1fa: {  	v2 =	vmul.f32 $-2.000000000e+00, v2;
	v0 =	vmul.f32 $1.442695020e+00, v0;
	_ =	sdelay $0x1  }
0x1fb: {  	(erf) = vpow2.f32 v0;
	v0 =	vmul.f32 $1.442695020e+00, v2;
	_ =	sdelay $0x1  }
0x1fc: {  	(erf) = vpow2.f32 v0  }
0x1fd: {  	s19 =	simm.s32 $0x4EB0  }
0x1fe: {  	v2 =	vld [tilespmem:s19+$0xFFFFFFA0]  }
0x1ff: {  	v0 =	vld [tilespmem:s19+$0x0]  }
0x200: {  	v5 =	vld [tilespmem:s19+$0xFFFFFF90]  }
0x201: {  	v3 =	vld [tilespmem:s19+$0xFFFFFFF0];
	_ =	sdelay $0x1  }
0x202: {  	v55 =	vpop (erf)  }
0x203: {  	v56 =	vadd.f32 $1.000000000e+00, v55  }
0x204: {  	v57 =	vpop (erf)  }
0x205: {  	v2 =	vld.idx.msk [tilespmem:v2+s18+$0x0], $0xffff;
	(erf) = vrcp.f32 v56;
	v58 =	vadd.f32 $1.000000000e+00, v57  }
0x206: {  	v0 =	vld.idx.msk [tilespmem:v0+s4+$0x0], $0xffff  }
0x207: {  	v5 =	vld.idx.msk [tilespmem:v5+s18+$0x0], $0xffff;
	(erf) = vrcp.f32 v58  }
0x208: {  	v3 =	vld.idx.msk [tilespmem:v3+s4+$0x0], $0xffff;
	_ =	sdelay $0x2  }
0x209: {  	v0 =	vadd.f32 v2, v0;
	_ =	sdelay $0x1  }
0x20a: {  	v2 =	vadd.f32 v5, v3;
	v3 =	vsub.f32 $1.000000000e+00, v55;
	v5 =	vand.u32 $0x7FFFFFFF, v0  }
0x20b: {  	vm0 =	vlt.f32 v1, $0.0e+00;
	v5 =	vmul.f32 $-2.000000000e+00, v5;
	v59 =	vpop (erf)  }
0x20c: {  	v1 =	vsub.f32 $1.000000000e+00, v57;
	v60 =	vand.u32 $0x7FFFFFFF, v2;
	v3 =	vmul.f32 v59, v3  }
0x20d: {  	v61 =	vmul.f32 $-2.000000000e+00, v60;
	v5 =	vmul.f32 $1.442695020e+00, v5;
	v62 =	vpop (erf)  }
0x20e: {  	s20 =	sadd.s32 $0x0, s16;
	v63 =	vsub.f32 $0.0e+00, v3;
	v1 =	vmul.f32 v62, v1  }
0x20f: {  	s11 =	sadd.s32 $0x130, s20;
	vm2 =	vlt.f32 v4, $0.0e+00;
	v6 =	vmul.f32 $1.442695020e+00, v61;
	(erf) = vpow2.f32 v5  }
0x210: {  	p0 =	slt.u32 s11, $0x4E200;
	s11 =	simm.s32 $0x4ED0;
	s12 =	sadd.s32 $0x120, s20;
	vm1 =	vlt.f32 v2, $0.0e+00;
	v3 =	vsel vm2, v63, v3;
	v2 =	vsub.f32 $0.0e+00, v1  }
0x211: {  	s9 =	simm.s32 $0x2;
	p1 =	slt.u32 s12, $0x4E200;
	vm0 =	vmmov vm0;
	s19 =	simm.s32 $0xB070;
	(erf) = vpow2.f32 v6;
	v3 =	vpsel !p0, $0x0, v3  }
.LBB2_15:
0x212: {  	v4 =	vld [tilespmem:s11+$0x0];
	v1 =	vsel vm0, v2, v1;
	[tilespmem:s19+$0x0] =	vst v3;
	vm0 =	vmmov vm1  }
0x213: {  	s9 =	sadd.s32 $0x2, s9;
	v2 =	vld [tilespmem:s11+$0xFFFFFFA0];
	v1 =	vpsel !p1, $0x0, v1  }
0x214: {  	p0 =	slt.u32 s9, $0x4;
	v3 =	vld [tilespmem:s11+$0xFFFFFFF0];
	[tilespmem:s19+$0xFFFFFFF0] =	vst v1  }
0x215: {  	v1 =	vld [tilespmem:s11+$0xFFFFFF90];
	_ =	sdelay $0x2  }
0x216: {  	v5 =	vpop (erf)  }
0x217: {  	v6 =	vadd.f32 $1.000000000e+00, v5  }
0x218: {  	v4 =	vld.idx.msk [tilespmem:v4+s4+$0x0], $0xffff;
	v7 =	vpop (erf)  }
0x219: {  	v2 =	vld.idx.msk [tilespmem:v2+s18+$0x0], $0xffff;
	v8 =	vsub.f32 $1.000000000e+00, v7;
	v7 =	vadd.f32 $1.000000000e+00, v7;
	(erf) = vrcp.f32 v6  }
0x21a: {  	v3 =	vld.idx.msk [tilespmem:v3+s4+$0x0], $0xffff  }
0x21b: {  	v1 =	vld.idx.msk [tilespmem:v1+s18+$0x0], $0xffff;
	(erf) = vrcp.f32 v7;
	_ =	sdelay $0x3  }
0x21c: {  	v2 =	vadd.f32 v2, v4;
	_ =	sdelay $0x1  }
0x21d: {  	v4 =	vsub.f32 $1.000000000e+00, v5;
	v7 =	vadd.f32 v1, v3;
	v3 =	vand.u32 $0x7FFFFFFF, v2  }
0x21e: {  	v3 =	vmul.f32 $-2.000000000e+00, v3;
	v5 =	vpop (erf)  }
0x21f: {  	v6 =	vand.u32 $0x7FFFFFFF, v7;
	vm1 =	vlt.f32 v7, $0.0e+00;
	v4 =	vmul.f32 v5, v4  }
.Ltmp6:
0x220: {  	s10 =	sadd.s32 $0x20, s10;
	v5 =	vmul.f32 $-2.000000000e+00, v6;
	v3 =	vmul.f32 $1.442695020e+00, v3;
	v1 =	vpop (erf);
	(pc) =	sbr.rel @p0 .LBB2_15-.Ltmp6, $4  }
0x221: {  	s12 =	sadd.s32 s10, s16;
	v1 =	vmul.f32 v1, v8;
	v6 =	vsub.f32 $0.0e+00, v4  }
0x222: {  	vm2 =	vlt.f32 v0, $0.0e+00;
	s20 =	sadd.s32 $0x120, s12;
	s12 =	sadd.s32 $0x130, s12;
	v0 =	vmovc v2;
	v5 =	vmul.f32 $1.442695020e+00, v5;
	(erf) = vpow2.f32 v3  }
0x223: {  	p1 =	slt.u32 s20, $0x4E200;
	p2 =	slt.u32 s12, $0x4E200;
	v2 =	vsub.f32 $0.0e+00, v1;
	v3 =	vsel vm2, v6, v4  }
0x224: {  	s19 =	sadd.s32 $0x20, s19;
	s11 =	sadd.s32 $0x20, s11;
	(erf) = vpow2.f32 v5;
	v3 =	vpsel !p2, $0x0, v3  }
0x225: {  	_ =	sdelay $0x6  }
0x226: {  	v4 =	vpop (erf)  }
0x227: {  	v5 =	vadd.f32 $1.000000000e+00, v4;
	v6 =	vpop (erf)  }
0x228: {  	v7 =	vadd.f32 $1.000000000e+00, v6  }
0x229: {  	(erf) = vrcp.f32 v5  }
0x22a: {  	(erf) = vrcp.f32 v7;
	_ =	sdelay $0x6  }
0x22b: {  	v4 =	vsub.f32 $1.000000000e+00, v4  }
0x22c: {  	v5 =	vsub.f32 $1.000000000e+00, v6;
	v6 =	vpop (erf)  }
0x22d: {  	v4 =	vmul.f32 v6, v4;
	v6 =	vpop (erf)  }
0x22e: {  	s9 =	sadd.s32 $0x20, s10;
	v5 =	vmul.f32 v6, v5  }
0x22f: {  	v1 =	vsel vm0, v2, v1;
	vm14 =	vmmov vm1;
	s12 =	simm.s32 $0x0;
	s9 =	sadd.s32 s9, s16;
	v2 =	vsub.f32 $0.0e+00, v4  }
0x230: {  	vm15 =	vlt.f32 v0, $0.0e+00;
	s11 =	sadd.s32 $0x130, s9;
	v6 =	vmov s12;
	v0 =	vsub.f32 $0.0e+00, v5  }
0x231: {  	[tilespmem:s19+$0x0] =	vst v3;
	v1 =	vpsel !p1, $0x0, v1;
	s9 =	sadd.s32 $0x120, s9;
	p0 =	slt.u32 s11, $0x4E200;
	v3 =	vand.u32 $0xFFFFFFFE, v6;
	v2 =	vsel vm15, v2, v4  }
0x232: {  	[tilespmem:s19+$0xFFFFFFF0] =	vst v1;
	s19 =	sadd.s32 $0x20, s19;
	p6 =	slt.u32 s9, $0x4E200;
	v1 =	vpsel !p0, $0x0, v2;
	v2 =	vbroadcast v3, $0x0;
	v0 =	vsel vm14, v0, v5  }
0x233: {  	[tilespmem:s19+$0x0] =	vst v1;
	v0 =	vpsel !p6, $0x0, v0  }
0x234: {  	[tilespmem:s19+$0xFFFFFFF0] =	vst v0  }
0x235: {  	_ =	swait.ge [sflag:s0], $0x3000  }
0x236: {  	[sflag:s0] =	ssyncset.done $0x0  }
0x237: {  	[sflag:s0] =	ssyncadd.s32 $0xFFFFD000  }
0x238: {  	s10 =	simm.s32 $0x80E0;
	v1 =	vld.idx.msk [tilespmem:v2+s28+$0x0], $0xffff  }
0x239: {  	v0 =	vld [tilespmem:s10+$0xFFFFFFF0]  }
0x23a: {  	v2 =	vld [tilespmem:s10+$0xFFFFFF80]  }
0x23b: {  	s20 =	simm.s32 $0x1;
	v5 =	vld [tilespmem:s10+$0xFFFFFF90]  }
0x23c: {  	v6 =	vmov s20;
	v7 =	vld [tilespmem:s10+$0xFFFFFFA0]  }
0x23d: {  	v10 =	vld [tilespmem:s10+$0xFFFFFFB0]  }
0x23e: {  	v4 =	vld [tilespmem:s10+$0xFFFFFFC0]  }
0x23f: {  	v3 =	vld [tilespmem:s10+$0xFFFFFFD0];
	v8 =	vmul.f32 v0, v1  }
0x240: {  	v9 =	vmul.f32 v2, v1;
	v2 =	vld [tilespmem:s10+$0xFFFFFFE0]  }
0x241: {  	v0 =	vld.idx.msk [tilespmem:v6+s28+$0x0], $0xffff;
	v5 =	vmul.f32 v5, v1;
	[tilespmem:s10+$0xFFFFFFF0] =	vst v8  }
0x242: {  	s9 =	simm.s32 $0x2;
	v6 =	vld [tilespmem:s10+$0x0];
	[tilespmem:s10+$0xFFFFFF80] =	vst v9;
	v8 =	vmul.f32 v7, v1  }
0x243: {  	s11 =	simm.s32 $0x4;
	s19 =	simm.s32 $0x80E0;
	v9 =	vmov s9;
	[tilespmem:s10+$0xFFFFFF90] =	vst v5;
	v7 =	vmul.f32 v10, v1;
	v5 =	vld [tilespmem:s10+$0x10]  }
.LBB2_17:
0x244: {  	p0 =	slt.u32 s11, $0x5E;
	v9 =	vand.u32 $0xFFFFFFFE, v9;
	s12 =	sadd.s32 $0x1, s9;
	[tilespmem:s10+$0xFFFFFFA0] =	vst v8;
	v4 =	vmul.f32 v4, v1;
	v8 =	vld [tilespmem:s10+$0x20];
	s9 =	smov.u32 s11  }
0x245: {  	v9 =	vbroadcast v9, $0x0;
	v10 =	vmov s12;
	[tilespmem:s10+$0xFFFFFFB0] =	vst v7;
	v3 =	vmul.f32 v3, v1;
	v7 =	vld [tilespmem:s10+$0x30]  }
0x246: {  	[tilespmem:s10+$0xFFFFFFC0] =	vst v4;
	v1 =	vmul.f32 v2, v1;
	v2 =	vld [tilespmem:s10+$0x40]  }
0x247: {  	[tilespmem:s10+$0xFFFFFFD0] =	vst v3;
	v3 =	vmul.f32 v6, v0;
	v4 =	vld [tilespmem:s10+$0x50]  }
0x248: {  	[tilespmem:s10+$0xFFFFFFE0] =	vst v1;
	v1 =	vmul.f32 v5, v0;
	v5 =	vld [tilespmem:s10+$0x60]  }
0x249: {  	[tilespmem:s10+$0x0] =	vst v3;
	v3 =	vmul.f32 v8, v0;
	v6 =	vld [tilespmem:s10+$0x70]  }
0x24a: {  	v8 =	vld.idx.msk [tilespmem:v10+s28+$0x0], $0xffff;
	[tilespmem:s10+$0x10] =	vst v1;
	v7 =	vmul.f32 v7, v0  }
0x24b: {  	s10 =	sadd.s32 $0x100, s10;
	v1 =	vld.idx.msk [tilespmem:v9+s28+$0x0], $0xffff;
	[tilespmem:s19+$0x20] =	vst v3;
	v2 =	vmul.f32 v2, v0  }
0x24c: {  	v3 =	vld [tilespmem:s10+$0xFFFFFFF0];
	[tilespmem:s19+$0x30] =	vst v7;
	v4 =	vmul.f32 v4, v0  }
0x24d: {  	v7 =	vld [tilespmem:s10+$0xFFFFFF80];
	[tilespmem:s19+$0x40] =	vst v2;
	v2 =	vmul.f32 v5, v0  }
0x24e: {  	v5 =	vld [tilespmem:s10+$0xFFFFFF90];
	[tilespmem:s19+$0x50] =	vst v4;
	v4 =	vmul.f32 v6, v0  }
0x24f: {  	v6 =	vld [tilespmem:s10+$0xFFFFFFA0];
	[tilespmem:s19+$0x60] =	vst v2  }
0x250: {  	v0 =	vmov v8;
	v10 =	vld [tilespmem:s10+$0xFFFFFFB0];
	[tilespmem:s19+$0x70] =	vst v4;
	s19 =	smov.u32 s10  }
.Ltmp7:
0x251: {  	v4 =	vld [tilespmem:s10+$0xFFFFFFC0];
	v8 =	vmul.f32 v3, v1;
	(pc) =	sbr.rel @p0 .LBB2_17-.Ltmp7, $4  }
0x252: {  	v7 =	vmul.f32 v7, v1;
	v3 =	vld [tilespmem:s10+$0xFFFFFFD0]  }
0x253: {  	v5 =	vmul.f32 v5, v1;
	v2 =	vld [tilespmem:s10+$0xFFFFFFE0];
	[tilespmem:s10+$0xFFFFFFF0] =	vst v8  }
0x254: {  	[tilespmem:s10+$0xFFFFFF80] =	vst v7;
	v8 =	vmul.f32 v6, v1;
	v6 =	vld [tilespmem:s10+$0x0]  }
0x255: {  	s11 =	sadd.s32 $0x2, s11;
	v9 =	vmov s9;
	[tilespmem:s10+$0xFFFFFF90] =	vst v5;
	v7 =	vmul.f32 v10, v1;
	v5 =	vld [tilespmem:s10+$0x10]  }
0x256: {  	v10 =	vld [tilespmem:s10+$0x20]  }
0x257: {  	v9 =	vand.u32 $0xFFFFFFFE, v9;
	v11 =	vld [tilespmem:s10+$0x30]  }
0x258: {  	v13 =	vld [tilespmem:s10+$0x40];
	[tilespmem:s10+$0xFFFFFFA0] =	vst v8;
	v4 =	vmul.f32 v4, v1;
	v9 =	vbroadcast v9, $0x0  }
0x259: {  	v44 =	vld [tilespmem:s10+$0x50];
	[tilespmem:s10+$0xFFFFFFB0] =	vst v7;
	v3 =	vmul.f32 v3, v1  }
0x25a: {  	v45 =	vld [tilespmem:s10+$0x60];
	s12 =	sadd.s32 $0x100, s10;
	[tilespmem:s10+$0xFFFFFFC0] =	vst v4;
	v1 =	vmul.f32 v2, v1  }
0x25b: {  	v46 =	vld [tilespmem:s12+$0xFFFFFFF0];
	v6 =	vmul.f32 v6, v0;
	[tilespmem:s10+$0xFFFFFFD0] =	vst v3  }
0x25c: {  	v47 =	vld [tilespmem:s12+$0xFFFFFF80];
	v3 =	vmul.f32 v5, v0;
	[tilespmem:s10+$0xFFFFFFE0] =	vst v1  }
0x25d: {  	v2 =	vld [tilespmem:s10+$0x70];
	[tilespmem:s10+$0x0] =	vst v6;
	v1 =	vmul.f32 v10, v0  }
0x25e: {  	[tilespmem:s10+$0x10] =	vst v3;
	v3 =	vmul.f32 v11, v0;
	v5 =	vld.idx.msk [tilespmem:v9+s28+$0x0], $0xffff  }
0x25f: {  	s9 =	sadd.s32 $0x1, s9;
	v48 =	vld [tilespmem:s12+$0xFFFFFF90];
	[tilespmem:s19+$0x20] =	vst v1;
	v1 =	vmul.f32 v13, v0  }
0x260: {  	v12 =	vmov s9;
	v49 =	vld [tilespmem:s12+$0xFFFFFFA0];
	[tilespmem:s19+$0x30] =	vst v3;
	v3 =	vmul.f32 v44, v0  }
0x261: {  	v50 =	vld [tilespmem:s12+$0xFFFFFFD0];
	[tilespmem:s19+$0x40] =	vst v1;
	v1 =	vmul.f32 v45, v0  }
0x262: {  	v0 =	vmul.f32 v2, v0;
	v2 =	vld [tilespmem:s12+$0xFFFFFFB0];
	[tilespmem:s19+$0x50] =	vst v3  }
0x263: {  	[tilespmem:s19+$0x60] =	vst v1;
	v1 =	vld [tilespmem:s12+$0xFFFFFFC0];
	v3 =	vmul.f32 v46, v5  }
0x264: {  	v51 =	vld [tilespmem:s12+$0xFFFFFFE0];
	[tilespmem:s19+$0x70] =	vst v0;
	v0 =	vmul.f32 v47, v5  }
0x265: {  	v4 =	vld.idx.msk [tilespmem:v12+s28+$0x0], $0xffff;
	v8 =	vmul.f32 v48, v5;
	[tilespmem:s12+$0xFFFFFFF0] =	vst v3  }
0x266: {  	[tilespmem:s12+$0xFFFFFF80] =	vst v0;
	v0 =	vmul.f32 v49, v5;
	v3 =	vld [tilespmem:s12+$0x0]  }
0x267: {  	v52 =	vld [tilespmem:s12+$0x10];
	[tilespmem:s12+$0xFFFFFF90] =	vst v8;
	v2 =	vmul.f32 v2, v5  }
0x268: {  	[tilespmem:s12+$0xFFFFFFA0] =	vst v0;
	v0 =	vmul.f32 v1, v5;
	v1 =	vld [tilespmem:s12+$0x20]  }
0x269: {  	v53 =	vld [tilespmem:s12+$0x30];
	[tilespmem:s12+$0xFFFFFFB0] =	vst v2;
	v2 =	vmul.f32 v50, v5  }
0x26a: {  	[tilespmem:s12+$0xFFFFFFC0] =	vst v0;
	v0 =	vmul.f32 v51, v5;
	v5 =	vld [tilespmem:s12+$0x40]  }
0x26b: {  	[tilespmem:s12+$0xFFFFFFD0] =	vst v2;
	v2 =	vmul.f32 v3, v4;
	v3 =	vld [tilespmem:s12+$0x50]  }
0x26c: {  	v54 =	vld [tilespmem:s12+$0x60];
	[tilespmem:s12+$0xFFFFFFE0] =	vst v0;
	v0 =	vmul.f32 v52, v4  }
0x26d: {  	[tilespmem:s12+$0x0] =	vst v2;
	v1 =	vmul.f32 v1, v4;
	v2 =	vld [tilespmem:s12+$0x70]  }
0x26e: {  	[tilespmem:s12+$0x10] =	vst v0;
	v0 =	vmul.f32 v53, v4  }
0x26f: {  	[tilespmem:s12+$0x20] =	vst v1;
	v1 =	vmul.f32 v5, v4  }
0x270: {  	[tilespmem:s12+$0x30] =	vst v0;
	v0 =	vmul.f32 v3, v4  }
0x271: {  	[tilespmem:s12+$0x40] =	vst v1;
	v1 =	vmul.f32 v54, v4  }
0x272: {  	[tilespmem:s12+$0x50] =	vst v0;
	v0 =	vmul.f32 v2, v4  }
0x273: {  	s20 =	sadd.s32 s15, s13;
	[tilespmem:s12+$0x60] =	vst v1  }
0x274: {  	s11 =	smul.u32 $0xC0, s20;
	[tilespmem:s12+$0x70] =	vst v0  }
0x275: {  	[spmem:s3] =	stream.indirect.scatter.add.f32 [tilespmem:s25], [sflag:$0x4], $0x80, s29, s22, $0xb8;
	[tilespmem:$0x1F0C0] =	vst v63  }
0x276: {  	s9 =	sshrl.u32 s11, $0x3;
	_ =	swait.ge [sflag:s6], $0x3000  }
0x277: {  	s9 =	sadd.s32 s5, s9;
	[sflag:s6] =	ssyncset.done $0x0  }
0x278: {  	s9 =	sadd.s32 $0x18, s9;
	s10 =	simm.s32 $0x0;
	[sflag:s6] =	ssyncadd.s32 $0xFFFFD000  }
0x279: {  	[tilespmem:s31], [sflag:$0x5] =	stream.linear.gather [hbm4b:s9+s10], $0xC0, $0x38;
	[tilespmem:$0x1F0C0] =	vst v63  }
0x27a: {  	_ =	swait.ge [sflag:s17], $0xC0  }
0x27b: {  	[sflag:s17] =	ssyncset.done $0x0  }
0x27c: {  	s12 =	simm.s32 $0x4F50;
	[sflag:s17] =	ssyncadd.s32 $0xFFFFFF40  }
0x27d: {  	[tilespmem:s25], [sflag:$0x2] =	stream.indirect.gather [hbm4b:s1+s22], $0x80, s31, s22, $0xb8;
	[tilespmem:$0x1F0C0] =	vst v63  }
0x27e: {  	v0 =	vld [tilespmem:s12+$0x0]  }
0x27f: {  	v1 =	vld [tilespmem:s12+$0xFFFFFFA0]  }
0x280: {  	v2 =	vld [tilespmem:s12+$0xFFFFFFF0]  }
0x281: {  	v3 =	vld [tilespmem:s12+$0xFFFFFF90];
	_ =	sdelay $0x4  }
0x282: {  	v0 =	vld.idx.msk [tilespmem:v0+s4+$0x0], $0xffff  }
0x283: {  	v1 =	vld.idx.msk [tilespmem:v1+s18+$0x0], $0xffff  }
0x284: {  	v2 =	vld.idx.msk [tilespmem:v2+s4+$0x0], $0xffff  }
0x285: {  	v3 =	vld.idx.msk [tilespmem:v3+s18+$0x0], $0xffff;
	_ =	sdelay $0x2  }
0x286: {  	v4 =	vadd.f32 v1, v0;
	_ =	sdelay $0x1  }
0x287: {  	v1 =	vadd.f32 v3, v2;
	v0 =	vand.u32 $0x7FFFFFFF, v4  }
0x288: {  	v0 =	vmul.f32 $-2.000000000e+00, v0  }
0x289: {  	v2 =	vand.u32 $0x7FFFFFFF, v1  }
0x28a: {  	v2 =	vmul.f32 $-2.000000000e+00, v2;
	v0 =	vmul.f32 $1.442695020e+00, v0;
	_ =	sdelay $0x1  }
0x28b: {  	(erf) = vpow2.f32 v0;
	v0 =	vmul.f32 $1.442695020e+00, v2;
	_ =	sdelay $0x1  }
0x28c: {  	(erf) = vpow2.f32 v0  }
0x28d: {  	s19 =	simm.s32 $0x4F70  }
0x28e: {  	v2 =	vld [tilespmem:s19+$0xFFFFFFA0]  }
0x28f: {  	v0 =	vld [tilespmem:s19+$0x0]  }
0x290: {  	v5 =	vld [tilespmem:s19+$0xFFFFFF90]  }
0x291: {  	v3 =	vld [tilespmem:s19+$0xFFFFFFF0];
	_ =	sdelay $0x1  }
0x292: {  	v55 =	vpop (erf)  }
0x293: {  	v56 =	vadd.f32 $1.000000000e+00, v55  }
0x294: {  	v57 =	vpop (erf)  }
0x295: {  	v2 =	vld.idx.msk [tilespmem:v2+s18+$0x0], $0xffff;
	(erf) = vrcp.f32 v56;
	v58 =	vadd.f32 $1.000000000e+00, v57  }
0x296: {  	v0 =	vld.idx.msk [tilespmem:v0+s4+$0x0], $0xffff  }
0x297: {  	v5 =	vld.idx.msk [tilespmem:v5+s18+$0x0], $0xffff;
	(erf) = vrcp.f32 v58  }
0x298: {  	v3 =	vld.idx.msk [tilespmem:v3+s4+$0x0], $0xffff;
	_ =	sdelay $0x2  }
0x299: {  	v0 =	vadd.f32 v2, v0;
	_ =	sdelay $0x1  }
0x29a: {  	v2 =	vadd.f32 v5, v3;
	v3 =	vsub.f32 $1.000000000e+00, v55;
	v5 =	vand.u32 $0x7FFFFFFF, v0  }
0x29b: {  	vm0 =	vlt.f32 v1, $0.0e+00;
	v5 =	vmul.f32 $-2.000000000e+00, v5;
	v59 =	vpop (erf)  }
0x29c: {  	v1 =	vsub.f32 $1.000000000e+00, v57;
	v60 =	vand.u32 $0x7FFFFFFF, v2;
	v3 =	vmul.f32 v59, v3  }
0x29d: {  	v61 =	vmul.f32 $-2.000000000e+00, v60;
	v5 =	vmul.f32 $1.442695020e+00, v5;
	v62 =	vpop (erf)  }
0x29e: {  	s20 =	sadd.s32 $0x0, s16;
	v63 =	vsub.f32 $0.0e+00, v3;
	v1 =	vmul.f32 v62, v1  }
0x29f: {  	s11 =	sadd.s32 $0x190, s20;
	vm2 =	vlt.f32 v4, $0.0e+00;
	v6 =	vmul.f32 $1.442695020e+00, v61;
	(erf) = vpow2.f32 v5  }
0x2a0: {  	p0 =	slt.u32 s11, $0x4E200;
	s11 =	simm.s32 $0x4F90;
	s12 =	sadd.s32 $0x180, s20;
	vm1 =	vlt.f32 v2, $0.0e+00;
	v3 =	vsel vm2, v63, v3;
	v2 =	vsub.f32 $0.0e+00, v1  }
0x2a1: {  	s9 =	simm.s32 $0x2;
	p1 =	slt.u32 s12, $0x4E200;
	vm0 =	vmmov vm0;
	s19 =	simm.s32 $0xB070;
	(erf) = vpow2.f32 v6;
	v3 =	vpsel !p0, $0x0, v3  }
.LBB2_19:
0x2a2: {  	v4 =	vld [tilespmem:s11+$0x0];
	v1 =	vsel vm0, v2, v1;
	[tilespmem:s19+$0x0] =	vst v3;
	vm0 =	vmmov vm1  }
0x2a3: {  	s9 =	sadd.s32 $0x2, s9;
	v2 =	vld [tilespmem:s11+$0xFFFFFFA0];
	v1 =	vpsel !p1, $0x0, v1  }
0x2a4: {  	p0 =	slt.u32 s9, $0x4;
	v3 =	vld [tilespmem:s11+$0xFFFFFFF0];
	[tilespmem:s19+$0xFFFFFFF0] =	vst v1  }
0x2a5: {  	v1 =	vld [tilespmem:s11+$0xFFFFFF90];
	_ =	sdelay $0x2  }
0x2a6: {  	v5 =	vpop (erf)  }
0x2a7: {  	v6 =	vadd.f32 $1.000000000e+00, v5  }
0x2a8: {  	v4 =	vld.idx.msk [tilespmem:v4+s4+$0x0], $0xffff;
	v7 =	vpop (erf)  }
0x2a9: {  	v2 =	vld.idx.msk [tilespmem:v2+s18+$0x0], $0xffff;
	v8 =	vsub.f32 $1.000000000e+00, v7;
	v7 =	vadd.f32 $1.000000000e+00, v7;
	(erf) = vrcp.f32 v6  }
0x2aa: {  	v3 =	vld.idx.msk [tilespmem:v3+s4+$0x0], $0xffff  }
0x2ab: {  	v1 =	vld.idx.msk [tilespmem:v1+s18+$0x0], $0xffff;
	(erf) = vrcp.f32 v7;
	_ =	sdelay $0x3  }
0x2ac: {  	v2 =	vadd.f32 v2, v4;
	_ =	sdelay $0x1  }
0x2ad: {  	v4 =	vsub.f32 $1.000000000e+00, v5;
	v7 =	vadd.f32 v1, v3;
	v3 =	vand.u32 $0x7FFFFFFF, v2  }
0x2ae: {  	v3 =	vmul.f32 $-2.000000000e+00, v3;
	v5 =	vpop (erf)  }
0x2af: {  	v6 =	vand.u32 $0x7FFFFFFF, v7;
	vm1 =	vlt.f32 v7, $0.0e+00;
	v4 =	vmul.f32 v5, v4  }
.Ltmp8:
0x2b0: {  	s10 =	sadd.s32 $0x20, s10;
	v5 =	vmul.f32 $-2.000000000e+00, v6;
	v3 =	vmul.f32 $1.442695020e+00, v3;
	v1 =	vpop (erf);
	(pc) =	sbr.rel @p0 .LBB2_19-.Ltmp8, $4  }
0x2b1: {  	s12 =	sadd.s32 s10, s16;
	v1 =	vmul.f32 v1, v8;
	v6 =	vsub.f32 $0.0e+00, v4  }
0x2b2: {  	vm2 =	vlt.f32 v0, $0.0e+00;
	s20 =	sadd.s32 $0x180, s12;
	s12 =	sadd.s32 $0x190, s12;
	v0 =	vmovc v2;
	v5 =	vmul.f32 $1.442695020e+00, v5;
	(erf) = vpow2.f32 v3  }
0x2b3: {  	p1 =	slt.u32 s20, $0x4E200;
	p2 =	slt.u32 s12, $0x4E200;
	v2 =	vsub.f32 $0.0e+00, v1;
	v3 =	vsel vm2, v6, v4  }
0x2b4: {  	s19 =	sadd.s32 $0x20, s19;
	s11 =	sadd.s32 $0x20, s11;
	(erf) = vpow2.f32 v5;
	v3 =	vpsel !p2, $0x0, v3  }
0x2b5: {  	_ =	sdelay $0x6  }
0x2b6: {  	v4 =	vpop (erf)  }
0x2b7: {  	v5 =	vadd.f32 $1.000000000e+00, v4;
	v6 =	vpop (erf)  }
0x2b8: {  	v7 =	vadd.f32 $1.000000000e+00, v6  }
0x2b9: {  	(erf) = vrcp.f32 v5  }
0x2ba: {  	(erf) = vrcp.f32 v7;
	_ =	sdelay $0x6  }
0x2bb: {  	v4 =	vsub.f32 $1.000000000e+00, v4  }
0x2bc: {  	v5 =	vsub.f32 $1.000000000e+00, v6;
	v6 =	vpop (erf)  }
0x2bd: {  	v4 =	vmul.f32 v6, v4;
	v6 =	vpop (erf)  }
0x2be: {  	s9 =	sadd.s32 $0x20, s10;
	v5 =	vmul.f32 v6, v5  }
0x2bf: {  	v1 =	vsel vm0, v2, v1;
	vm14 =	vmmov vm1;
	s12 =	simm.s32 $0x0;
	s9 =	sadd.s32 s9, s16;
	v2 =	vsub.f32 $0.0e+00, v4  }
0x2c0: {  	vm15 =	vlt.f32 v0, $0.0e+00;
	s11 =	sadd.s32 $0x190, s9;
	v6 =	vmov s12;
	v0 =	vsub.f32 $0.0e+00, v5  }
0x2c1: {  	[tilespmem:s19+$0x0] =	vst v3;
	v1 =	vpsel !p1, $0x0, v1;
	s9 =	sadd.s32 $0x180, s9;
	p0 =	slt.u32 s11, $0x4E200;
	v3 =	vand.u32 $0xFFFFFFFE, v6;
	v2 =	vsel vm15, v2, v4  }
0x2c2: {  	[tilespmem:s19+$0xFFFFFFF0] =	vst v1;
	s19 =	sadd.s32 $0x20, s19;
	p6 =	slt.u32 s9, $0x4E200;
	v1 =	vpsel !p0, $0x0, v2;
	v2 =	vbroadcast v3, $0x0;
	v0 =	vsel vm14, v0, v5  }
0x2c3: {  	[tilespmem:s19+$0x0] =	vst v1;
	v0 =	vpsel !p6, $0x0, v0  }
0x2c4: {  	[tilespmem:s19+$0xFFFFFFF0] =	vst v0  }
0x2c5: {  	_ =	swait.ge [sflag:s26], $0x3000  }
0x2c6: {  	[sflag:s26] =	ssyncset.done $0x0  }
0x2c7: {  	[sflag:s26] =	ssyncadd.s32 $0xFFFFD000  }
0x2c8: {  	s10 =	simm.s32 $0x50E0;
	v1 =	vld.idx.msk [tilespmem:v2+s28+$0x0], $0xffff  }
0x2c9: {  	v0 =	vld [tilespmem:s10+$0xFFFFFFF0]  }
0x2ca: {  	v2 =	vld [tilespmem:s10+$0xFFFFFF80]  }
0x2cb: {  	s20 =	simm.s32 $0x1;
	v5 =	vld [tilespmem:s10+$0xFFFFFF90]  }
0x2cc: {  	v6 =	vmov s20;
	v7 =	vld [tilespmem:s10+$0xFFFFFFA0]  }
0x2cd: {  	v10 =	vld [tilespmem:s10+$0xFFFFFFB0]  }
0x2ce: {  	v4 =	vld [tilespmem:s10+$0xFFFFFFC0]  }
0x2cf: {  	v3 =	vld [tilespmem:s10+$0xFFFFFFD0];
	v8 =	vmul.f32 v0, v1  }
0x2d0: {  	v9 =	vmul.f32 v2, v1;
	v2 =	vld [tilespmem:s10+$0xFFFFFFE0]  }
0x2d1: {  	v0 =	vld.idx.msk [tilespmem:v6+s28+$0x0], $0xffff;
	v5 =	vmul.f32 v5, v1;
	[tilespmem:s10+$0xFFFFFFF0] =	vst v8  }
0x2d2: {  	s9 =	simm.s32 $0x2;
	v6 =	vld [tilespmem:s10+$0x0];
	[tilespmem:s10+$0xFFFFFF80] =	vst v9;
	v8 =	vmul.f32 v7, v1  }
0x2d3: {  	s11 =	simm.s32 $0x4;
	s19 =	simm.s32 $0x50E0;
	v9 =	vmov s9;
	[tilespmem:s10+$0xFFFFFF90] =	vst v5;
	v7 =	vmul.f32 v10, v1;
	v5 =	vld [tilespmem:s10+$0x10]  }
.LBB2_21:
0x2d4: {  	p0 =	slt.u32 s11, $0x5E;
	v9 =	vand.u32 $0xFFFFFFFE, v9;
	s12 =	sadd.s32 $0x1, s9;
	[tilespmem:s10+$0xFFFFFFA0] =	vst v8;
	v4 =	vmul.f32 v4, v1;
	v8 =	vld [tilespmem:s10+$0x20];
	s9 =	smov.u32 s11  }
0x2d5: {  	v9 =	vbroadcast v9, $0x0;
	v10 =	vmov s12;
	[tilespmem:s10+$0xFFFFFFB0] =	vst v7;
	v3 =	vmul.f32 v3, v1;
	v7 =	vld [tilespmem:s10+$0x30]  }
0x2d6: {  	[tilespmem:s10+$0xFFFFFFC0] =	vst v4;
	v1 =	vmul.f32 v2, v1;
	v2 =	vld [tilespmem:s10+$0x40]  }
0x2d7: {  	[tilespmem:s10+$0xFFFFFFD0] =	vst v3;
	v3 =	vmul.f32 v6, v0;
	v4 =	vld [tilespmem:s10+$0x50]  }
0x2d8: {  	[tilespmem:s10+$0xFFFFFFE0] =	vst v1;
	v1 =	vmul.f32 v5, v0;
	v5 =	vld [tilespmem:s10+$0x60]  }
0x2d9: {  	[tilespmem:s10+$0x0] =	vst v3;
	v3 =	vmul.f32 v8, v0;
	v6 =	vld [tilespmem:s10+$0x70]  }
0x2da: {  	v8 =	vld.idx.msk [tilespmem:v10+s28+$0x0], $0xffff;
	[tilespmem:s10+$0x10] =	vst v1;
	v7 =	vmul.f32 v7, v0  }
0x2db: {  	s10 =	sadd.s32 $0x100, s10;
	v1 =	vld.idx.msk [tilespmem:v9+s28+$0x0], $0xffff;
	[tilespmem:s19+$0x20] =	vst v3;
	v2 =	vmul.f32 v2, v0  }
0x2dc: {  	v3 =	vld [tilespmem:s10+$0xFFFFFFF0];
	[tilespmem:s19+$0x30] =	vst v7;
	v4 =	vmul.f32 v4, v0  }
0x2dd: {  	v7 =	vld [tilespmem:s10+$0xFFFFFF80];
	[tilespmem:s19+$0x40] =	vst v2;
	v2 =	vmul.f32 v5, v0  }
0x2de: {  	v5 =	vld [tilespmem:s10+$0xFFFFFF90];
	[tilespmem:s19+$0x50] =	vst v4;
	v4 =	vmul.f32 v6, v0  }
0x2df: {  	v6 =	vld [tilespmem:s10+$0xFFFFFFA0];
	[tilespmem:s19+$0x60] =	vst v2  }
0x2e0: {  	v0 =	vmov v8;
	v10 =	vld [tilespmem:s10+$0xFFFFFFB0];
	[tilespmem:s19+$0x70] =	vst v4;
	s19 =	smov.u32 s10  }
.Ltmp9:
0x2e1: {  	v4 =	vld [tilespmem:s10+$0xFFFFFFC0];
	v8 =	vmul.f32 v3, v1;
	(pc) =	sbr.rel @p0 .LBB2_21-.Ltmp9, $4  }
0x2e2: {  	v7 =	vmul.f32 v7, v1;
	v3 =	vld [tilespmem:s10+$0xFFFFFFD0]  }
0x2e3: {  	v5 =	vmul.f32 v5, v1;
	v2 =	vld [tilespmem:s10+$0xFFFFFFE0];
	[tilespmem:s10+$0xFFFFFFF0] =	vst v8  }
0x2e4: {  	[tilespmem:s10+$0xFFFFFF80] =	vst v7;
	v8 =	vmul.f32 v6, v1;
	v6 =	vld [tilespmem:s10+$0x0]  }
0x2e5: {  	s11 =	sadd.s32 $0x2, s11;
	v9 =	vmov s9;
	[tilespmem:s10+$0xFFFFFF90] =	vst v5;
	v7 =	vmul.f32 v10, v1;
	v5 =	vld [tilespmem:s10+$0x10]  }
0x2e6: {  	v10 =	vld [tilespmem:s10+$0x20]  }
0x2e7: {  	v9 =	vand.u32 $0xFFFFFFFE, v9;
	v11 =	vld [tilespmem:s10+$0x30]  }
0x2e8: {  	v13 =	vld [tilespmem:s10+$0x40];
	[tilespmem:s10+$0xFFFFFFA0] =	vst v8;
	v4 =	vmul.f32 v4, v1;
	v9 =	vbroadcast v9, $0x0  }
0x2e9: {  	v44 =	vld [tilespmem:s10+$0x50];
	[tilespmem:s10+$0xFFFFFFB0] =	vst v7;
	v3 =	vmul.f32 v3, v1  }
0x2ea: {  	v45 =	vld [tilespmem:s10+$0x60];
	s11 =	sadd.s32 $0x100, s10;
	[tilespmem:s10+$0xFFFFFFC0] =	vst v4;
	v1 =	vmul.f32 v2, v1  }
0x2eb: {  	v46 =	vld [tilespmem:s11+$0xFFFFFFF0];
	v6 =	vmul.f32 v6, v0;
	[tilespmem:s10+$0xFFFFFFD0] =	vst v3  }
0x2ec: {  	v47 =	vld [tilespmem:s11+$0xFFFFFF80];
	v3 =	vmul.f32 v5, v0;
	[tilespmem:s10+$0xFFFFFFE0] =	vst v1  }
0x2ed: {  	v2 =	vld [tilespmem:s10+$0x70];
	[tilespmem:s10+$0x0] =	vst v6;
	v1 =	vmul.f32 v10, v0  }
0x2ee: {  	[tilespmem:s10+$0x10] =	vst v3;
	v3 =	vmul.f32 v11, v0;
	v5 =	vld.idx.msk [tilespmem:v9+s28+$0x0], $0xffff  }
0x2ef: {  	s9 =	sadd.s32 $0x1, s9;
	v48 =	vld [tilespmem:s11+$0xFFFFFF90];
	[tilespmem:s19+$0x20] =	vst v1;
	v1 =	vmul.f32 v13, v0  }
0x2f0: {  	v12 =	vmov s9;
	v49 =	vld [tilespmem:s11+$0xFFFFFFA0];
	[tilespmem:s19+$0x30] =	vst v3;
	v3 =	vmul.f32 v44, v0  }
0x2f1: {  	v50 =	vld [tilespmem:s11+$0xFFFFFFD0];
	[tilespmem:s19+$0x40] =	vst v1;
	v1 =	vmul.f32 v45, v0  }
0x2f2: {  	v0 =	vmul.f32 v2, v0;
	v2 =	vld [tilespmem:s11+$0xFFFFFFB0];
	[tilespmem:s19+$0x50] =	vst v3  }
0x2f3: {  	[tilespmem:s19+$0x60] =	vst v1;
	v1 =	vld [tilespmem:s11+$0xFFFFFFC0];
	v3 =	vmul.f32 v46, v5  }
0x2f4: {  	v51 =	vld [tilespmem:s11+$0xFFFFFFE0];
	[tilespmem:s19+$0x70] =	vst v0;
	v0 =	vmul.f32 v47, v5  }
0x2f5: {  	v4 =	vld.idx.msk [tilespmem:v12+s28+$0x0], $0xffff;
	v8 =	vmul.f32 v48, v5;
	[tilespmem:s11+$0xFFFFFFF0] =	vst v3  }
0x2f6: {  	[tilespmem:s11+$0xFFFFFF80] =	vst v0;
	v0 =	vmul.f32 v49, v5;
	v3 =	vld [tilespmem:s11+$0x0]  }
0x2f7: {  	v52 =	vld [tilespmem:s11+$0x10];
	[tilespmem:s11+$0xFFFFFF90] =	vst v8;
	v2 =	vmul.f32 v2, v5  }
0x2f8: {  	[tilespmem:s11+$0xFFFFFFA0] =	vst v0;
	v0 =	vmul.f32 v1, v5;
	v1 =	vld [tilespmem:s11+$0x20]  }
0x2f9: {  	v53 =	vld [tilespmem:s11+$0x30];
	[tilespmem:s11+$0xFFFFFFB0] =	vst v2;
	v2 =	vmul.f32 v50, v5  }
0x2fa: {  	[tilespmem:s11+$0xFFFFFFC0] =	vst v0;
	v0 =	vmul.f32 v51, v5;
	v5 =	vld [tilespmem:s11+$0x40]  }
0x2fb: {  	[tilespmem:s11+$0xFFFFFFD0] =	vst v2;
	v2 =	vmul.f32 v3, v4;
	v3 =	vld [tilespmem:s11+$0x50]  }
0x2fc: {  	v54 =	vld [tilespmem:s11+$0x60];
	[tilespmem:s11+$0xFFFFFFE0] =	vst v0;
	v0 =	vmul.f32 v52, v4  }
0x2fd: {  	[tilespmem:s11+$0x0] =	vst v2;
	v1 =	vmul.f32 v1, v4;
	v2 =	vld [tilespmem:s11+$0x70]  }
0x2fe: {  	[tilespmem:s11+$0x10] =	vst v0;
	v0 =	vmul.f32 v53, v4  }
0x2ff: {  	[tilespmem:s11+$0x20] =	vst v1;
	v1 =	vmul.f32 v5, v4  }
0x300: {  	p0 =	seq.s32 s14, $0x11;
	s9 =	sadd.s32 $0x5, s15;
	[tilespmem:s11+$0x30] =	vst v0;
	v0 =	vmul.f32 v3, v4  }
0x301: {  	s9 =	sadd.s32 @!p0 s8, s9;
	[tilespmem:s11+$0x40] =	vst v1;
	v1 =	vmul.f32 v54, v4  }
0x302: {  	s9 =	smul.u32 @!p0 $0xC0, s9;
	[tilespmem:s11+$0x50] =	vst v0;
	v0 =	vmul.f32 v2, v4  }
0x303: {  	[tilespmem:s11+$0x60] =	vst v1  }
0x304: {  	s9 =	sshrl.u32 @!p0 s9, $0x3;
	s10 =	simm.s32 @!p0 $0x3;
	[tilespmem:s11+$0x70] =	vst v0  }
0x305: {  	[spmem:s3] =	stream.indirect.scatter.add.f32 [tilespmem:s23], [sflag:$0x3], $0x80, s2, s22, $0xb8;
	[tilespmem:$0x1F0C0] =	vst v63  }
0x306: {  	s9 =	sadd.s32 @!p0 s5, s9;
	_ =	swait.ge @!p0 [sflag:s10], $0x3000  }
0x307: {  	s9 =	sadd.s32 @!p0 $0x18, s9;
	[sflag:s10] =	ssyncset.done @!p0 $0x0  }
0x308: {  	s11 =	simm.s32 @!p0 $0x4E20;
	[sflag:s10] =	ssyncadd.s32 @!p0 $0xFFFFD000;
	s10 =	simm.s32 @!p0 $0x0  }
0x309: {  	[tilespmem:s11], [sflag:$0x5] =	stream.linear.gather @!p0 [hbm4b:s9+s10], $0xC0, $0x38;
	[tilespmem:$0x1F0C0] =	vst v63  }
0x30a: {  	s9 =	simm.s32 @!p0 $0x5  }
0x30b: {  	_ =	swait.ge @!p0 [sflag:s9], $0xC0  }
0x30c: {  	s12 =	simm.s32 $0x5010;
	[sflag:s9] =	ssyncset.done @!p0 $0x0  }
0x30d: {  	s10 =	simm.s32 @!p0 $0x5060;
	[sflag:s9] =	ssyncadd.s32 @!p0 $0xFFFFFF40;
	s9 =	simm.s32 @!p0 $0x60  }
0x30e: {  	[tilespmem:s10], [sflag:$0x1] =	stream.indirect.gather @!p0 [hbm4b:s1+s9], $0x80, s11, s9, $0xb8;
	[tilespmem:$0x1F0C0] =	vst v63  }
0x30f: {  	v0 =	vld [tilespmem:s12+$0x0]  }
0x310: {  	v1 =	vld [tilespmem:s12+$0xFFFFFFA0]  }
0x311: {  	v2 =	vld [tilespmem:s12+$0xFFFFFFF0]  }
0x312: {  	v3 =	vld [tilespmem:s12+$0xFFFFFF90];
	_ =	sdelay $0x4  }
0x313: {  	v0 =	vld.idx.msk [tilespmem:v0+s4+$0x0], $0xffff  }
0x314: {  	v1 =	vld.idx.msk [tilespmem:v1+s18+$0x0], $0xffff  }
0x315: {  	v2 =	vld.idx.msk [tilespmem:v2+s4+$0x0], $0xffff  }
0x316: {  	v3 =	vld.idx.msk [tilespmem:v3+s18+$0x0], $0xffff;
	_ =	sdelay $0x2  }
0x317: {  	v4 =	vadd.f32 v1, v0;
	_ =	sdelay $0x1  }
0x318: {  	v1 =	vadd.f32 v3, v2;
	v0 =	vand.u32 $0x7FFFFFFF, v4  }
0x319: {  	v0 =	vmul.f32 $-2.000000000e+00, v0  }
0x31a: {  	v2 =	vand.u32 $0x7FFFFFFF, v1  }
0x31b: {  	v2 =	vmul.f32 $-2.000000000e+00, v2;
	v0 =	vmul.f32 $1.442695020e+00, v0;
	_ =	sdelay $0x1  }
0x31c: {  	(erf) = vpow2.f32 v0;
	v0 =	vmul.f32 $1.442695020e+00, v2;
	_ =	sdelay $0x1  }
0x31d: {  	(erf) = vpow2.f32 v0  }
0x31e: {  	s15 =	simm.s32 $0x5030  }
0x31f: {  	v2 =	vld [tilespmem:s15+$0xFFFFFFA0]  }
0x320: {  	v0 =	vld [tilespmem:s15+$0x0]  }
0x321: {  	v5 =	vld [tilespmem:s15+$0xFFFFFF90]  }
0x322: {  	v3 =	vld [tilespmem:s15+$0xFFFFFFF0];
	_ =	sdelay $0x1  }
0x323: {  	v55 =	vpop (erf)  }
0x324: {  	v56 =	vadd.f32 $1.000000000e+00, v55  }
0x325: {  	v57 =	vpop (erf)  }
0x326: {  	v2 =	vld.idx.msk [tilespmem:v2+s18+$0x0], $0xffff;
	(erf) = vrcp.f32 v56;
	v58 =	vadd.f32 $1.000000000e+00, v57  }
0x327: {  	v0 =	vld.idx.msk [tilespmem:v0+s4+$0x0], $0xffff  }
0x328: {  	v5 =	vld.idx.msk [tilespmem:v5+s18+$0x0], $0xffff;
	(erf) = vrcp.f32 v58  }
0x329: {  	v3 =	vld.idx.msk [tilespmem:v3+s4+$0x0], $0xffff;
	_ =	sdelay $0x2  }
0x32a: {  	v0 =	vadd.f32 v2, v0;
	_ =	sdelay $0x1  }
0x32b: {  	v2 =	vadd.f32 v5, v3;
	v3 =	vsub.f32 $1.000000000e+00, v55;
	v5 =	vand.u32 $0x7FFFFFFF, v0  }
0x32c: {  	vm0 =	vlt.f32 v1, $0.0e+00;
	v5 =	vmul.f32 $-2.000000000e+00, v5;
	v59 =	vpop (erf)  }
0x32d: {  	v1 =	vsub.f32 $1.000000000e+00, v57;
	v60 =	vand.u32 $0x7FFFFFFF, v2;
	v3 =	vmul.f32 v59, v3  }
0x32e: {  	s19 =	sadd.s32 $0x0, s16;
	v61 =	vmul.f32 $-2.000000000e+00, v60;
	v5 =	vmul.f32 $1.442695020e+00, v5;
	v62 =	vpop (erf)  }
0x32f: {  	s20 =	sadd.s32 $0x1F0, s19;
	v63 =	vsub.f32 $0.0e+00, v3;
	v1 =	vmul.f32 v62, v1  }
0x330: {  	p6 =	slt.u32 s20, $0x4E200;
	vm2 =	vlt.f32 v4, $0.0e+00;
	v6 =	vmul.f32 $1.442695020e+00, v61;
	(erf) = vpow2.f32 v5  }
0x331: {  	s10 =	simm.s32 $0xB070;
	s9 =	simm.s32 $0x2;
	s12 =	sadd.s32 $0x1E0, s19;
	vm1 =	vlt.f32 v2, $0.0e+00;
	v3 =	vsel vm2, v63, v3;
	v2 =	vsub.f32 $0.0e+00, v1  }
0x332: {  	s11 =	simm.s32 $0x5050;
	p1 =	slt.u32 s12, $0x4E200;
	vm0 =	vmmov vm0;
	s15 =	simm.s32 $0x0;
	(erf) = vpow2.f32 v6;
	v3 =	vpsel !p6, $0x0, v3  }
.LBB2_23:
0x333: {  	v4 =	vld [tilespmem:s11+$0x0];
	v1 =	vsel vm0, v2, v1;
	[tilespmem:s10+$0x0] =	vst v3;
	vm0 =	vmmov vm1  }
0x334: {  	s9 =	sadd.s32 $0x2, s9;
	v2 =	vld [tilespmem:s11+$0xFFFFFFA0];
	v1 =	vpsel !p1, $0x0, v1  }
0x335: {  	p0 =	slt.u32 s9, $0x4;
	v3 =	vld [tilespmem:s11+$0xFFFFFFF0];
	[tilespmem:s10+$0xFFFFFFF0] =	vst v1  }
0x336: {  	v1 =	vld [tilespmem:s11+$0xFFFFFF90];
	_ =	sdelay $0x2  }
0x337: {  	v5 =	vpop (erf)  }
0x338: {  	v6 =	vadd.f32 $1.000000000e+00, v5  }
0x339: {  	v4 =	vld.idx.msk [tilespmem:v4+s4+$0x0], $0xffff;
	v7 =	vpop (erf)  }
0x33a: {  	v2 =	vld.idx.msk [tilespmem:v2+s18+$0x0], $0xffff;
	v8 =	vsub.f32 $1.000000000e+00, v7;
	v7 =	vadd.f32 $1.000000000e+00, v7;
	(erf) = vrcp.f32 v6  }
0x33b: {  	v3 =	vld.idx.msk [tilespmem:v3+s4+$0x0], $0xffff  }
0x33c: {  	v1 =	vld.idx.msk [tilespmem:v1+s18+$0x0], $0xffff;
	(erf) = vrcp.f32 v7;
	_ =	sdelay $0x3  }
0x33d: {  	v2 =	vadd.f32 v2, v4;
	_ =	sdelay $0x1  }
0x33e: {  	v4 =	vsub.f32 $1.000000000e+00, v5;
	v7 =	vadd.f32 v1, v3;
	v3 =	vand.u32 $0x7FFFFFFF, v2  }
0x33f: {  	v3 =	vmul.f32 $-2.000000000e+00, v3;
	v5 =	vpop (erf)  }
0x340: {  	v6 =	vand.u32 $0x7FFFFFFF, v7;
	vm1 =	vlt.f32 v7, $0.0e+00;
	v4 =	vmul.f32 v5, v4  }
.Ltmp10:
0x341: {  	s15 =	sadd.s32 $0x20, s15;
	v5 =	vmul.f32 $-2.000000000e+00, v6;
	v3 =	vmul.f32 $1.442695020e+00, v3;
	v1 =	vpop (erf);
	(pc) =	sbr.rel @p0 .LBB2_23-.Ltmp10, $4  }
0x342: {  	s12 =	sadd.s32 s15, s16;
	v1 =	vmul.f32 v1, v8;
	v6 =	vsub.f32 $0.0e+00, v4  }
0x343: {  	vm2 =	vlt.f32 v0, $0.0e+00;
	s19 =	sadd.s32 $0x1E0, s12;
	s12 =	sadd.s32 $0x1F0, s12;
	v0 =	vmovc v2;
	v5 =	vmul.f32 $1.442695020e+00, v5;
	(erf) = vpow2.f32 v3  }
0x344: {  	p1 =	slt.u32 s19, $0x4E200;
	p2 =	slt.u32 s12, $0x4E200;
	v2 =	vsub.f32 $0.0e+00, v1;
	v3 =	vsel vm2, v6, v4  }
0x345: {  	s10 =	sadd.s32 $0x20, s10;
	s11 =	sadd.s32 $0x20, s11;
	(erf) = vpow2.f32 v5;
	v3 =	vpsel !p2, $0x0, v3  }
0x346: {  	_ =	sdelay $0x6  }
0x347: {  	v4 =	vpop (erf)  }
0x348: {  	v5 =	vadd.f32 $1.000000000e+00, v4;
	v6 =	vpop (erf)  }
0x349: {  	v7 =	vadd.f32 $1.000000000e+00, v6  }
0x34a: {  	(erf) = vrcp.f32 v5  }
0x34b: {  	(erf) = vrcp.f32 v7;
	_ =	sdelay $0x6  }
0x34c: {  	v4 =	vsub.f32 $1.000000000e+00, v4  }
0x34d: {  	v5 =	vsub.f32 $1.000000000e+00, v6;
	v6 =	vpop (erf)  }
0x34e: {  	v4 =	vmul.f32 v6, v4;
	v6 =	vpop (erf)  }
0x34f: {  	s9 =	sadd.s32 $0x20, s15;
	v5 =	vmul.f32 v6, v5  }
0x350: {  	v1 =	vsel vm0, v2, v1;
	vm14 =	vmmov vm1;
	s11 =	simm.s32 $0x0;
	s9 =	sadd.s32 s9, s16;
	v2 =	vsub.f32 $0.0e+00, v4  }
0x351: {  	vm15 =	vlt.f32 v0, $0.0e+00;
	s12 =	sadd.s32 $0x1F0, s9;
	v6 =	vmov s11;
	v0 =	vsub.f32 $0.0e+00, v5  }
0x352: {  	[tilespmem:s10+$0x0] =	vst v3;
	v1 =	vpsel !p1, $0x0, v1;
	s9 =	sadd.s32 $0x1E0, s9;
	p0 =	slt.u32 s12, $0x4E200;
	v3 =	vand.u32 $0xFFFFFFFE, v6;
	v2 =	vsel vm15, v2, v4  }
0x353: {  	s19 =	sadd.s32 $0x20, s10;
	[tilespmem:s10+$0xFFFFFFF0] =	vst v1;
	p6 =	slt.u32 s9, $0x4E200;
	v1 =	vpsel !p0, $0x0, v2;
	v2 =	vbroadcast v3, $0x0;
	v0 =	vsel vm14, v0, v5  }
0x354: {  	[tilespmem:s19+$0x0] =	vst v1;
	v0 =	vpsel !p6, $0x0, v0  }
0x355: {  	[tilespmem:s19+$0xFFFFFFF0] =	vst v0  }
0x356: {  	_ =	swait.ge [sflag:s0], $0x3000  }
0x357: {  	[sflag:s0] =	ssyncset.done $0x0  }
0x358: {  	[sflag:s0] =	ssyncadd.s32 $0xFFFFD000  }
0x359: {  	s10 =	simm.s32 $0x80E0;
	v1 =	vld.idx.msk [tilespmem:v2+s28+$0x0], $0xffff  }
0x35a: {  	v0 =	vld [tilespmem:s10+$0xFFFFFFF0]  }
0x35b: {  	v2 =	vld [tilespmem:s10+$0xFFFFFF80]  }
0x35c: {  	s20 =	simm.s32 $0x1;
	v5 =	vld [tilespmem:s10+$0xFFFFFF90]  }
0x35d: {  	v6 =	vmov s20;
	v7 =	vld [tilespmem:s10+$0xFFFFFFA0]  }
0x35e: {  	v10 =	vld [tilespmem:s10+$0xFFFFFFB0]  }
0x35f: {  	v4 =	vld [tilespmem:s10+$0xFFFFFFC0]  }
0x360: {  	v3 =	vld [tilespmem:s10+$0xFFFFFFD0];
	v8 =	vmul.f32 v0, v1  }
0x361: {  	v9 =	vmul.f32 v2, v1;
	v2 =	vld [tilespmem:s10+$0xFFFFFFE0]  }
0x362: {  	v0 =	vld.idx.msk [tilespmem:v6+s28+$0x0], $0xffff;
	v5 =	vmul.f32 v5, v1;
	[tilespmem:s10+$0xFFFFFFF0] =	vst v8  }
0x363: {  	s9 =	simm.s32 $0x2;
	v6 =	vld [tilespmem:s10+$0x0];
	[tilespmem:s10+$0xFFFFFF80] =	vst v9;
	v8 =	vmul.f32 v7, v1  }
0x364: {  	s15 =	simm.s32 $0x80E0;
	s11 =	simm.s32 $0x4;
	v9 =	vmov s9;
	[tilespmem:s10+$0xFFFFFF90] =	vst v5;
	v7 =	vmul.f32 v10, v1;
	v5 =	vld [tilespmem:s10+$0x10]  }
.LBB2_25:
0x365: {  	p0 =	slt.u32 s11, $0x5E;
	v9 =	vand.u32 $0xFFFFFFFE, v9;
	s12 =	sadd.s32 $0x1, s9;
	[tilespmem:s10+$0xFFFFFFA0] =	vst v8;
	v4 =	vmul.f32 v4, v1;
	v8 =	vld [tilespmem:s10+$0x20];
	s9 =	smov.u32 s11  }
0x366: {  	v9 =	vbroadcast v9, $0x0;
	v10 =	vmov s12;
	[tilespmem:s10+$0xFFFFFFB0] =	vst v7;
	v3 =	vmul.f32 v3, v1;
	v7 =	vld [tilespmem:s10+$0x30]  }
0x367: {  	[tilespmem:s10+$0xFFFFFFC0] =	vst v4;
	v1 =	vmul.f32 v2, v1;
	v2 =	vld [tilespmem:s10+$0x40]  }
0x368: {  	[tilespmem:s10+$0xFFFFFFD0] =	vst v3;
	v3 =	vmul.f32 v6, v0;
	v4 =	vld [tilespmem:s10+$0x50]  }
0x369: {  	[tilespmem:s10+$0xFFFFFFE0] =	vst v1;
	v1 =	vmul.f32 v5, v0;
	v5 =	vld [tilespmem:s10+$0x60]  }
0x36a: {  	[tilespmem:s10+$0x0] =	vst v3;
	v3 =	vmul.f32 v8, v0;
	v6 =	vld [tilespmem:s10+$0x70]  }
0x36b: {  	v8 =	vld.idx.msk [tilespmem:v10+s28+$0x0], $0xffff;
	[tilespmem:s10+$0x10] =	vst v1;
	v7 =	vmul.f32 v7, v0  }
0x36c: {  	s10 =	sadd.s32 $0x100, s10;
	v1 =	vld.idx.msk [tilespmem:v9+s28+$0x0], $0xffff;
	[tilespmem:s15+$0x20] =	vst v3;
	v2 =	vmul.f32 v2, v0  }
0x36d: {  	v3 =	vld [tilespmem:s10+$0xFFFFFFF0];
	[tilespmem:s15+$0x30] =	vst v7;
	v4 =	vmul.f32 v4, v0  }
0x36e: {  	v7 =	vld [tilespmem:s10+$0xFFFFFF80];
	[tilespmem:s15+$0x40] =	vst v2;
	v2 =	vmul.f32 v5, v0  }
0x36f: {  	v5 =	vld [tilespmem:s10+$0xFFFFFF90];
	[tilespmem:s15+$0x50] =	vst v4;
	v4 =	vmul.f32 v6, v0  }
0x370: {  	v6 =	vld [tilespmem:s10+$0xFFFFFFA0];
	[tilespmem:s15+$0x60] =	vst v2  }
0x371: {  	v0 =	vmov v8;
	v10 =	vld [tilespmem:s10+$0xFFFFFFB0];
	[tilespmem:s15+$0x70] =	vst v4;
	s15 =	smov.u32 s10  }
.Ltmp11:
0x372: {  	v4 =	vld [tilespmem:s10+$0xFFFFFFC0];
	v8 =	vmul.f32 v3, v1;
	(pc) =	sbr.rel @p0 .LBB2_25-.Ltmp11, $4  }
0x373: {  	v7 =	vmul.f32 v7, v1;
	v3 =	vld [tilespmem:s10+$0xFFFFFFD0]  }
0x374: {  	v5 =	vmul.f32 v5, v1;
	v2 =	vld [tilespmem:s10+$0xFFFFFFE0];
	[tilespmem:s10+$0xFFFFFFF0] =	vst v8  }
0x375: {  	[tilespmem:s10+$0xFFFFFF80] =	vst v7;
	v8 =	vmul.f32 v6, v1;
	v6 =	vld [tilespmem:s10+$0x0]  }
0x376: {  	s11 =	sadd.s32 $0x2, s11;
	v9 =	vmov s9;
	[tilespmem:s10+$0xFFFFFF90] =	vst v5;
	v7 =	vmul.f32 v10, v1;
	v5 =	vld [tilespmem:s10+$0x10]  }
0x377: {  	v10 =	vld [tilespmem:s10+$0x20]  }
0x378: {  	v11 =	vld [tilespmem:s10+$0x30]  }
0x379: {  	s9 =	sadd.s32 $0x1, s9;
	v13 =	vld [tilespmem:s10+$0x40];
	[tilespmem:s10+$0xFFFFFFA0] =	vst v8;
	v4 =	vmul.f32 v4, v1  }
0x37a: {  	v22 =	vld [tilespmem:s10+$0x50];
	v12 =	vmov s9;
	[tilespmem:s10+$0xFFFFFFB0] =	vst v7;
	v3 =	vmul.f32 v3, v1  }
0x37b: {  	v23 =	vld [tilespmem:s10+$0x60];
	[tilespmem:s10+$0xFFFFFFC0] =	vst v4;
	v24 =	vmul.f32 v2, v1  }
0x37c: {  	v25 =	vld [tilespmem:s10+$0x70];
	s20 =	sadd.s32 $0x100, s10;
	v6 =	vmul.f32 v6, v0;
	[tilespmem:s10+$0xFFFFFFD0] =	vst v3  }
0x37d: {  	v31 =	vld [tilespmem:s20+$0xFFFFFFF0];
	v26 =	vmul.f32 v5, v0;
	[tilespmem:s10+$0xFFFFFFE0] =	vst v24  }
0x37e: {  	v46 =	vld [tilespmem:s20+$0x0];
	[tilespmem:s10+$0x0] =	vst v6;
	v28 =	vmul.f32 v10, v0  }
0x37f: {  	v30 =	vmul.f32 v11, v0;
	v27 =	vld.idx.msk [tilespmem:v12+s28+$0x0], $0xffff;
	[tilespmem:s10+$0x10] =	vst v26  }
0x380: {  	v9 =	vand.u32 $0xFFFFFFFE, v9;
	v47 =	vld [tilespmem:s20+$0x10];
	v32 =	vmul.f32 v13, v0;
	[tilespmem:s15+$0x20] =	vst v28  }
0x381: {  	v9 =	vbroadcast v9, $0x0;
	v49 =	vld [tilespmem:s20+$0x20];
	v34 =	vmul.f32 v22, v0;
	[tilespmem:s15+$0x30] =	vst v30  }
0x382: {  	v51 =	vld [tilespmem:s20+$0x30];
	v36 =	vmul.f32 v23, v0;
	[tilespmem:s15+$0x40] =	vst v32  }
0x383: {  	v53 =	vld [tilespmem:s20+$0x40];
	v38 =	vmul.f32 v25, v0;
	[tilespmem:s15+$0x50] =	vst v34  }
0x384: {  	v55 =	vld [tilespmem:s20+$0x50];
	[tilespmem:s15+$0x60] =	vst v36;
	v54 =	vmul.f32 v46, v27  }
0x385: {  	v57 =	vld [tilespmem:s20+$0x60];
	[tilespmem:s15+$0x70] =	vst v38;
	v56 =	vmul.f32 v47, v27  }
0x386: {  	v58 =	vld [tilespmem:s20+$0x70];
	v1 =	vmul.f32 v49, v27;
	[tilespmem:s20+$0x0] =	vst v54  }
0x387: {  	v29 =	vld.idx.msk [tilespmem:v9+s28+$0x0], $0xffff;
	v59 =	vmul.f32 v51, v27;
	[tilespmem:s20+$0x10] =	vst v56  }
0x388: {  	v33 =	vld [tilespmem:s20+$0xFFFFFF80];
	v60 =	vmul.f32 v53, v27;
	[tilespmem:s20+$0x20] =	vst v1  }
0x389: {  	v35 =	vld [tilespmem:s20+$0xFFFFFF90];
	v61 =	vmul.f32 v55, v27;
	[tilespmem:s20+$0x30] =	vst v59  }
0x38a: {  	v37 =	vld [tilespmem:s20+$0xFFFFFFA0];
	v62 =	vmul.f32 v57, v27;
	[tilespmem:s20+$0x40] =	vst v60  }
0x38b: {  	v39 =	vld [tilespmem:s20+$0xFFFFFFB0];
	v63 =	vmul.f32 v58, v27;
	[tilespmem:s20+$0x50] =	vst v61  }
0x38c: {  	v40 =	vld [tilespmem:s20+$0xFFFFFFC0];
	v41 =	vmul.f32 v31, v29;
	[tilespmem:s20+$0x60] =	vst v62  }
0x38d: {  	v43 =	vld [tilespmem:s20+$0xFFFFFFD0];
	v42 =	vmul.f32 v33, v29;
	[tilespmem:s20+$0x70] =	vst v63  }
0x38e: {  	v44 =	vld [tilespmem:s20+$0xFFFFFFE0];
	v8 =	vmul.f32 v35, v29;
	[tilespmem:s20+$0xFFFFFFF0] =	vst v41  }
0x38f: {  	v45 =	vmul.f32 v37, v29;
	[tilespmem:s20+$0xFFFFFF80] =	vst v42  }
0x390: {  	s14 =	sadd.s32 $0x1, s14;
	v2 =	vmul.f32 v39, v29;
	[tilespmem:s20+$0xFFFFFF90] =	vst v8  }
0x391: {  	p0 =	sne.s32 s14, $0x12;
	v48 =	vmul.f32 v40, v29;
	[tilespmem:s20+$0xFFFFFFA0] =	vst v45  }
.Ltmp12:
0x392: {  	v50 =	vmul.f32 v43, v29;
	[tilespmem:s20+$0xFFFFFFB0] =	vst v2;
	(pc) =	sbr.rel @p0 .LBB2_2-.Ltmp12, $4  }
0x393: {  	v52 =	vmul.f32 v44, v29;
	[tilespmem:s20+$0xFFFFFFC0] =	vst v48  }
0x394: {  	[tilespmem:s20+$0xFFFFFFD0] =	vst v50  }
0x395: {  	s16 =	sadd.s32 $0x240, s16;
	[tilespmem:s20+$0xFFFFFFE0] =	vst v52  }
0x396: {  	[spmem:s3] =	stream.indirect.scatter.add.f32 [tilespmem:s25], [sflag:$0x4], $0x80, s7, s22, $0xb8;
	[tilespmem:$0x1F0C0] =	vst v63  }
0x397: {  	_ =	swait.ge [sflag:s30], $0x3000  }
0x398: {  	[sflag:s30] =	ssyncset.done $0x0  }
0x399: {  	[sflag:s30] =	ssyncadd.s32 $0xFFFFD000  }
0x39a: {  	_ =	swait.ge [sflag:s6], $0x3000  }
0x39b: {  	[sflag:s6] =	ssyncset.done $0x0  }
0x39c: {  	[sflag:s6] =	ssyncadd.s32 $0xFFFFD000  }
0x39d: {  	[bflag:$0x0] =	sbarrier.arrive $0xFFFF  }
0x39e: {  	s9 =	rddreg [dreg:$0xa]  }
0x39f: {  	s10 =	rddreg [dreg:$0xd]  }
0x3a0: {  	s11 =	rddreg [dreg:$0xe]  }
0x3a1: {  	[hbm:s9], [sflag:s10] =	dma.local [spmem:s11], $0x2800  }
0x3a2: {  	_ =	swait.ge [sflag:s17], $0x2800  }
0x3a3: {  	s12 =	rddreg [dreg:$0xf]  }
0x3a4: {  	s20 =	rddreg [dreg:$0xb];
	s12 =	sadd.s32 $0x1, s12  }
0x3a5: {  	p0 =	sne.s32 s12, s20  }
.Ltmp13:
0x3a6: {  	_ = 	snop;
	(pc) =	sbr.rel @p0 .LBB2_1-.Ltmp13, $3  }
0x3a7: {  	_ =	sdelay $0x1  }
0x3a8: {  	[sflag:s17] =	ssyncset.done $0x0  }
0x3a9: {  	[sflag:s17] =	ssyncadd.s32 $0xFFFFD800  }
0x3aa: {  	_ =	sfence.sel $0x180000  }
0x3ab: {  	[bflag:$0x0] =	sbarrier.arrive $0xFFFF  }
0x3ac: {  	_ =	strace $0x90000047  }
0x3ad: {  	s0 =	stileid.u32;
	[bflag:$0x2] =	sbarrier.arrive $0xFFFF  }
0x3ae: {  	p0 =	sne.s32 s0, $0x0;
	s0 =	rddreg [dreg:$0x3]  }
0x3af: {  	s0 =	sadd.s32 @!p0 $0x100000, s0  }
0x3b0: {  	[sflag:s0] =	ssyncadd.tile.s32 @!p0 $0x1;
	_ =	shalt  }
.Lfunc_end2:
_tile_overlayer_lowered:
.L_overlay_start_2:
0x3b1: {  	(tag) =	ssettag $0x2  }
0x3b2: {  	s0 =	rddreg [dreg:$0x0];
	s2 =	stileid.u32  }
0x3b3: {  	s1 =	rddreg [dreg:$0x1];
	p0 =	sne.s32 s2, $0x0  }
0x3b4: {  	s3 =	rddreg [dreg:$0x2];
	[bflag:$0x3] =	sbarrier.arrive $0xFFFF;
	s2 =	simm.s32 @!p0 $0x1C05  }
0x3b5: {  	[timem:s3], [sflag:s2] =	dma.local @!p0 [hbm:s0], s1  }
0x3b6: {  	s0 =	simm.s32 @!p0 $0x5  }
0x3b7: {  	_ =	swait.ge @!p0 [sflag:s0], s1  }
0x3b8: {  	s1 =	ssub.s32 @!p0 $0x0, s1;
	[sflag:s0] =	ssyncset.done @!p0 $0x0  }
0x3b9: {  	[sflag:s0] =	ssyncadd.s32 @!p0 s1  }
0x3ba: {  	[bflag:$0x3] =	sbarrier.arrive $0xFFFF  }
0x3bb: {  	_ =	shalt  }

</sc_bundles>
